<compile_context>
chip_gen: v7x
topology: tpu7x:2x2x1
jax: 0.10.2.dev20260603
libtpu: 0.0.44.dev20260713+nightly
codegen_flags: <defaults>
</compile_context>

<pallas_src>
import functools

import jax
import jax.numpy as jnp
from jax import lax
from jax.experimental import pallas as pl
from jax.experimental.pallas import tpu as pltpu
from jax.experimental.pallas import tpu_sc as plsc

N = 10000
E = 320000
C_IN = 128
HID = 256
C_OUT = 128

NC = 2
NS = 16
NW = NC * NS

NPW = 320
NPAD = NW * NPW
RPT_LEN = NPAD + 24
RPT_PAD = RPT_LEN
EW = E // NW
CH = 128
FB = 16
EPAD = E + CH

GA = -2.0 * 0.7978845608028654
GB = GA * 0.044715

VB = HID // 16


def _mm_ps_body(x_ref, w_ref, b1_ref, p_ref, s_ref):
    ps = jnp.dot(x_ref[...], w_ref[...], preferred_element_type=jnp.float32)
    p_ref[...] = ps[:, :HID]
    s_ref[...] = ps[:, HID:] + b1_ref[...]


def _mm_out_body(g_ref, w2_ref, b2_ref, rhi_ref, rlo_ref, o_ref):
    cnt = (rhi_ref[0, 0, :] - rlo_ref[0, 0, :]).astype(jnp.float32)
    scale = 1.0 / jnp.maximum(cnt, 1.0)
    gs = g_ref[...] * scale[:, None]
    y = jnp.dot(gs, w2_ref[...], preferred_element_type=jnp.float32)
    o_ref[...] = y + b2_ref[...] * (cnt > 0.0).astype(jnp.float32)[:, None]


def _sc_segment_gelu(p_hbm, s_hbm, idx_hbm, rpt_hbm, g_hbm,
                     rpt_v, idx2_v, rows2_v, s_grp, flush_v,
                     semi, semg, sem2):
    c = lax.axis_index("c")
    s = lax.axis_index("s")
    wid = s * NC + c

    pltpu.async_copy(rpt_hbm.at[pl.ds(0, RPT_LEN)], rpt_v, sem2).wait()

    def rv(k):
        return rpt_v[pl.ds(k, 16)][0]

    def split_at(t):
        target = t * EW

        def bs_body(_, st):
            base, n = st
            half = n // 2
            go_right = rv(base + half) < target
            base = jnp.where(go_right, base + half + 1, base)
            n = jnp.where(go_right, n - half - 1, half)
            return (base, n)

        base, _ = lax.fori_loop(0, 14, bs_body, (0, NPAD + 1))
        r = jnp.minimum(((base + 8) // 16) * 16, NPAD)
        return jnp.where(t >= NW, NPAD, r)

    n0 = split_at(wid)
    n1 = split_at(wid + 1)

    zeros16 = jnp.zeros((16,), jnp.float32)

    def issue_idx(a, slot):
        pltpu.async_copy(
            idx_hbm.at[pl.ds(pl.multiple_of(jnp.minimum(a, E), 8), CH)],
            idx2_v.at[slot], semi)

    def issue_gather(slot):
        pltpu.async_copy(p_hbm.at[idx2_v.at[slot]], rows2_v.at[slot], semg)

    def drain_gather():
        pltpu.make_async_copy(p_hbm.at[pl.ds(0, CH)], rows2_v.at[0],
                              semg).wait()

    def drain_idx():
        pltpu.make_async_copy(idx_hbm.at[pl.ds(0, CH)], idx2_v.at[0],
                              semi).wait()

    e_start = rv(n0)
    e_end = rv(n1)
    a_init = (e_start // 8) * 8
    nchunks = (e_end - a_init + CH - 1) // CH
    n_events = (n1 - n0) + jnp.maximum(nchunks - 1, 0)

    issue_idx(a_init, 0)
    drain_idx()
    issue_gather(0)
    issue_idx(a_init + CH, 1)
    drain_gather()
    drain_idx()
    issue_gather(1)
    issue_idx(a_init + 2 * CH, 0)

    def event_body(_, st):
        i, a, p, par, acc = st
        e0 = rv(i)
        e1 = rv(i + 1)
        chunk_end = a + CH
        hi = jnp.minimum(e1, chunk_end)
        sl = i % FB

        @pl.when(jnp.logical_and(sl == 0, p == e0))
        def _():
            pltpu.async_copy(
                s_hbm.at[pl.ds(pl.multiple_of(i, 8), FB)], s_grp,
                sem2).wait()

        srow = tuple(s_grp[sl, pl.ds(j * 16, 16)] for j in range(VB))

        def edge_body(r, acc_):
            new_acc = []
            for j in range(VB):
                x = rows2_v[par, r, pl.ds(j * 16, 16)] + srow[j]
                z = x * (GA + GB * (x * x))
                new_acc.append(acc_[j] + x / (1.0 + jnp.exp(z)))
            return tuple(new_acc)

        acc = lax.fori_loop(p - a, hi - a, edge_body, acc)
        node_done = jnp.logical_and(e1 <= chunk_end, i < n1)

        @pl.when(node_done)
        def _():
            for j in range(VB):
                flush_v[sl, pl.ds(j * 16, 16)] = acc[j]

        @pl.when(jnp.logical_and(node_done, sl == FB - 1))
        def _():
            pltpu.async_copy(
                flush_v,
                g_hbm.at[pl.ds(pl.multiple_of(i - (FB - 1), 8), FB)],
                sem2).wait()

        npar = 1 - par

        @pl.when(jnp.logical_not(node_done))
        def _():
            drain_gather()
            drain_idx()
            issue_gather(par)
            issue_idx(a + 3 * CH, npar)

        keep = jnp.where(node_done, 0.0, 1.0).astype(jnp.float32)
        acc = tuple(acc[j] * keep for j in range(VB))
        i = i + node_done.astype(jnp.int32)
        a = jnp.where(node_done, a, a + CH)
        par = jnp.where(node_done, par, npar)
        return (i, a, hi, par, acc)

    lax.fori_loop(0, n_events, event_body,
                  (n0, a_init, e_start, 0, (zeros16,) * VB))

    drain_gather()
    drain_idx()


@functools.partial(
    pl.kernel,
    mesh=plsc.VectorSubcoreMesh(core_axis_name="c", subcore_axis_name="s"),
    out_type=jax.ShapeDtypeStruct((NPAD, HID), jnp.float32),
    scratch_types=[
        pltpu.VMEM((RPT_LEN,), jnp.int32),
        pltpu.VMEM((2, CH), jnp.int32),
        pltpu.VMEM((2, CH, HID), jnp.float32),
        pltpu.VMEM((FB, HID), jnp.float32),
        pltpu.VMEM((FB, HID), jnp.float32),
        pltpu.SemaphoreType.DMA,
        pltpu.SemaphoreType.DMA,
        pltpu.SemaphoreType.DMA,
    ],
)
def _sc_kernel(p_hbm, s_hbm, idx_hbm, rpt_hbm, g_hbm,
               rpt_v, idx2_v, rows2_v, s_grp, flush_v, semi, semg, sem2):
    _sc_segment_gelu(p_hbm, s_hbm, idx_hbm, rpt_hbm, g_hbm,
                     rpt_v, idx2_v, rows2_v, s_grp, flush_v,
                     semi, semg, sem2)


def kernel(in_features, W1, b1, W2, b2, neighbor_idx, rowptr):
    x = in_features[0]
    xp = jnp.pad(x, ((0, NPAD - N), (0, 0)))
    wc = jnp.concatenate([W1[:C_IN], W1[C_IN:]], axis=1)
    b1r = b1.reshape(1, HID)

    nblk = NPAD // 512
    p_arr, s_arr = pl.pallas_call(
        _mm_ps_body,
        grid=(nblk,),
        in_specs=[
            pl.BlockSpec((512, C_IN), lambda i: (i, 0)),
            pl.BlockSpec((C_IN, 2 * HID), lambda i: (0, 0)),
            pl.BlockSpec((1, HID), lambda i: (0, 0)),
        ],
        out_specs=[
            pl.BlockSpec((512, HID), lambda i: (i, 0)),
            pl.BlockSpec((512, HID), lambda i: (i, 0)),
        ],
        out_shape=[
            jax.ShapeDtypeStruct((NPAD, HID), jnp.float32),
            jax.ShapeDtypeStruct((NPAD, HID), jnp.float32),
        ],
    )(xp, wc, b1r)

    idx32 = neighbor_idx.astype(jnp.int32)
    rpt32 = rowptr.astype(jnp.int32)
    idxp = jnp.pad(idx32, (0, EPAD - E))
    rptp = jnp.pad(rpt32, (0, RPT_PAD - (N + 1)), constant_values=E)

    g_arr = _sc_kernel(p_arr, s_arr, idxp, rptp)

    rhi = rptp[1:NPAD + 1].reshape(nblk, 1, 512)
    rlo = rptp[:NPAD].reshape(nblk, 1, 512)
    b2r = b2.reshape(1, C_OUT)

    out = pl.pallas_call(
        _mm_out_body,
        grid=(nblk,),
        in_specs=[
            pl.BlockSpec((512, HID), lambda i: (i, 0)),
            pl.BlockSpec((HID, C_OUT), lambda i: (0, 0)),
            pl.BlockSpec((1, C_OUT), lambda i: (0, 0)),
            pl.BlockSpec((1, 1, 512), lambda i: (i, 0, 0)),
            pl.BlockSpec((1, 1, 512), lambda i: (i, 0, 0)),
        ],
        out_specs=pl.BlockSpec((512, C_OUT), lambda i: (i, 0)),
        out_shape=jax.ShapeDtypeStruct((NPAD, C_OUT), jnp.float32),
    )(g_arr, W2, b2r, rhi, rlo)

    return out[:N].reshape(1, N, C_OUT)

# --- scband reference (transcript-rebuilt; emitter-appended) ---
"""Pipeline reference for scband-neighbor-mlpconv-layer-83434034692869 (READ-ONLY COPY).

The authoritative reference and input builder live on the scoring server;
editing this copy changes nothing except your own understanding.
"""

import jax, jax.numpy as jnp
import numpy as np

N = 10000
E = 320000
C_IN = 128
HID = 256
C_OUT = 128
B = 1

def setup_inputs(seed: int = 0) -> dict:
    key = jax.random.key(seed)
    k1, k2, k3, k4, k5, k6, k7 = jax.random.split(key, 7)
    in_features = jax.random.normal(k1, (B, N, C_IN), dtype=jnp.float32)
    neighbor_idx = jax.random.randint(k2, (E,), 0, N, dtype=jnp.int64)
    # build a valid CSR rowptr: nondecreasing, rowptr[0]=0, rowptr[-1]=E
    inner = jnp.sort(jax.random.randint(k3, (N - 1,), 0, E, dtype=jnp.int64))
    rowptr = jnp.concatenate([jnp.zeros((1,), dtype=jnp.int64), inner, jnp.full((1,), E, dtype=jnp.int64)])
    # MLP params: Linear(2*C_IN, HID) -> GELU -> Linear(HID, C_OUT)
    W1 = jax.random.normal(k4, (2 * C_IN, HID), dtype=jnp.float32) * 0.02
    b1 = jnp.zeros((HID,), dtype=jnp.float32)
    W2 = jax.random.normal(k5, (HID, C_OUT), dtype=jnp.float32) * 0.02
    b2 = jnp.zeros((C_OUT,), dtype=jnp.float32)
    return {"in_features": in_features, "W1": W1, "b1": b1, "W2": W2, "b2": b2,
            "neighbor_idx": neighbor_idx, "rowptr": rowptr}

def reference(in_features, W1, b1, W2, b2, neighbor_idx, rowptr):
    num_reps = rowptr[1:] - rowptr[:-1]                      # [N]
    rep_features = in_features[:, neighbor_idx]               # [B, E, C_in] gather
    self_features = jnp.repeat(in_features, num_reps, axis=1, total_repeat_length=E)  # [B, E, C_in]
    agg = jnp.concatenate([rep_features, self_features], axis=2)  # [B, E, 2*C_in]
    h = jax.nn.gelu(agg @ W1 + b1)
    h = h @ W2 + b2                                            # [B, E, C_out]
    # segment_csr mean over dst-node segments
    seg_ids = jnp.repeat(jnp.arange(N), num_reps, total_repeat_length=E)
    h_e = h.transpose(1, 0, 2)                                 # [E, B, C_out]
    sums = jax.ops.segment_sum(h_e, seg_ids, num_segments=N)   # [N, B, C_out]
    counts = jnp.maximum(num_reps, 1).astype(sums.dtype)
    out = sums / counts[:, None, None]
    out = out.transpose(1, 0, 2)                               # [B, N, C_out]
    return out

if __name__ == "__main__":
    import jax
    _d = setup_inputs()
    print(jax.jit(kernel)(*tuple(_d.values())))

</pallas_src>

<mosaic_0001>
#map = affine_map<(d0, d1) -> (0, 0)>
#map1 = affine_map<(d0, d1) -> (0)>
module attributes {stable_mosaic.version = 14 : i64} {
  func.func @_sc_kernel(%arg0: i32, %arg1: i32, %arg2: memref<10240x256xf32, #tpu.memory_space<hbm>>, %arg3: memref<10240x256xf32, #tpu.memory_space<hbm>>, %arg4: memref<320128xi32, #tpu.memory_space<hbm>>, %arg5: memref<10264xi32, #tpu.memory_space<hbm>>, %arg6: memref<10240x256xf32, #tpu.memory_space<hbm>>, %arg7: memref<10264xi32, #tpu.memory_space<vmem>>, %arg8: memref<2x128xi32, #tpu.memory_space<vmem>>, %arg9: memref<2x128x256xf32, #tpu.memory_space<vmem>>, %arg10: memref<16x256xf32, #tpu.memory_space<vmem>>, %arg11: memref<16x256xf32, #tpu.memory_space<vmem>>, %arg12: memref<!tpu.dma_semaphore, #tpu.memory_space<semaphore_mem>>, %arg13: memref<!tpu.dma_semaphore, #tpu.memory_space<semaphore_mem>>, %arg14: memref<!tpu.dma_semaphore, #tpu.memory_space<semaphore_mem>>) attributes {dimension_semantics = [#tpu.dimension_semantics<core_parallel>, #tpu.dimension_semantics<subcore_parallel>], iteration_bounds = array<i64: 2, 16>, scalar_prefetch = 0 : i64, scratch_operands = 8 : i64, tpu.core_type = #tpu.core_type<sc_vector_subcore>, window_params = [{transform_indices = #map}, {transform_indices = #map}, {transform_indices = #map1}, {transform_indices = #map1}, {transform_indices = #map}]} {
    %mul3A = arith.constant 2 : i32
    %mul3A_0 = arith.muli %arg1, %mul3A : i32
    %add3A = arith.addi %mul3A_0, %arg0 : i32
    %dma_start3A = arith.constant 0 : i32
    %dma_start3A_1 = tpu.memref_slice %arg5[%dma_start3A] : memref<10264xi32, #tpu.memory_space<hbm>> -> memref<10264xi32, #tpu.memory_space<hbm>>
    %dma_start3A_2 = arith.constant 0 : i32
    %dma_start3A_3 = tpu.memref_slice %arg5[%dma_start3A_2] : memref<10264xi32, #tpu.memory_space<hbm>> -> memref<10264xi32, #tpu.memory_space<hbm>>
    tpu.enqueue_dma source(%dma_start3A_3 : memref<10264xi32, #tpu.memory_space<hbm>>) target(%arg7 : memref<10264xi32, #tpu.memory_space<vmem>>) target_semaphore(%arg14 : memref<!tpu.dma_semaphore, #tpu.memory_space<semaphore_mem>>)
    %dma_wait3A = arith.constant 0 : i32
    %dma_wait3A_4 = tpu.memref_slice %arg5[%dma_wait3A] : memref<10264xi32, #tpu.memory_space<hbm>> -> memref<10264xi32, #tpu.memory_space<hbm>>
    %dma_wait3A_5 = arith.constant 0 : i32
    %dma_wait3A_6 = tpu.memref_slice %arg5[%dma_wait3A_5] : memref<10264xi32, #tpu.memory_space<hbm>> -> memref<10264xi32, #tpu.memory_space<hbm>>
    tpu.wait_dma2 semaphore(%arg14 : memref<!tpu.dma_semaphore, #tpu.memory_space<semaphore_mem>>) src(%dma_wait3A_6 : memref<10264xi32, #tpu.memory_space<hbm>>) dst(%arg7 : memref<10264xi32, #tpu.memory_space<vmem>>)
    %mul3A_7 = arith.constant 10000 : i32
    %mul3A_8 = arith.muli %add3A, %mul3A_7 : i32
    %scan3A = arith.constant 0 : i32
    %scan3A_9 = arith.constant 10241 : i32
    %scan3A_10 = arith.constant 0 : i32
    %scan3A_11 = arith.constant 14 : i32
    %scan3A_12 = arith.addi %scan3A_10, %scan3A_11 : i32
    %scan3A_13 = arith.constant 1 : i32
    %scan3A_14:2 = scf.for %scan3A_291 = %scan3A_10 to %scan3A_12 step %scan3A_13 iter_args(%scan3A_292 = %scan3A, %scan3A_293 = %scan3A_9) -> (i32, i32)  : i32 {
      %jit3A_294 = arith.constant 2 : i32
      %div3A_295 = arith.divsi %scan3A_293, %jit3A_294 : i32
      %sign3A_296 = arith.constant 0 : i32
      %sign3A_297 = arith.cmpi sgt, %scan3A_293, %sign3A_296 : i32
      %sign3A_298 = arith.extui %sign3A_297 : i1 to i32
      %sign3A_299 = arith.constant 0 : i32
      %sign3A_300 = arith.cmpi slt, %scan3A_293, %sign3A_299 : i32
      %sign3A_301 = arith.extui %sign3A_300 : i1 to i32
      %sign3A_302 = arith.subi %sign3A_298, %sign3A_301 : i32
      %sign3A_303 = arith.constant 0 : i32
      %sign3A_304 = arith.cmpi sgt, %jit3A_294, %sign3A_303 : i32
      %sign3A_305 = arith.extui %sign3A_304 : i1 to i32
      %sign3A_306 = arith.constant 0 : i32
      %sign3A_307 = arith.cmpi slt, %jit3A_294, %sign3A_306 : i32
      %sign3A_308 = arith.extui %sign3A_307 : i1 to i32
      %sign3A_309 = arith.subi %sign3A_305, %sign3A_308 : i32
      %ne3A_310 = arith.cmpi ne, %sign3A_302, %sign3A_309 : i32
      %rem3A_311 = arith.remsi %scan3A_293, %jit3A_294 : i32
      %ne3A_312 = arith.constant 0 : i32
      %ne3A_313 = arith.cmpi ne, %rem3A_311, %ne3A_312 : i32
      %and3A_314 = arith.andi %ne3A_310, %ne3A_313 : i1
      %sub3A_315 = arith.constant 1 : i32
      %sub3A_316 = arith.subi %div3A_295, %sub3A_315 : i32
      %select_n3A_317 = arith.select %and3A_314, %sub3A_316, %div3A_295 : i32
      %add3A_318 = arith.addi %scan3A_292, %select_n3A_317 : i32
      %get3A_319 = arith.index_cast %add3A_318 : i32 to index
      %get3A_320 = tpu.vector_load %arg7[%get3A_319] {strides = array<i32>} : memref<10264xi32, #tpu.memory_space<vmem>>, vector<16xi32>,
      %get3A_321 = vector.shape_cast %get3A_320 : vector<16xi32> to vector<16xi32>
      %slice3A_322 = vector.extract_strided_slice %get3A_321 {offsets = [0], sizes = [1], strides = [1]} : vector<16xi32> to vector<1xi32>
      %squeeze3A_323 = vector.extract %slice3A_322[0] : i32 from vector<1xi32>
      %lt3A = arith.cmpi slt, %squeeze3A_323, %mul3A_8 : i32
      %add3A_324 = arith.addi %scan3A_292, %select_n3A_317 : i32
      %add3A_325 = arith.constant 1 : i32
      %add3A_326 = arith.addi %add3A_324, %add3A_325 : i32
      %select_n3A_327 = arith.select %lt3A, %add3A_326, %scan3A_292 : i32
      %sub3A_328 = arith.subi %scan3A_293, %select_n3A_317 : i32
      %sub3A_329 = arith.constant 1 : i32
      %sub3A_330 = arith.subi %sub3A_328, %sub3A_329 : i32
      %select_n3A_331 = arith.select %lt3A, %sub3A_330, %select_n3A_317 : i32
      scf.yield %select_n3A_327, %select_n3A_331 : i32, i32
    }
    %scan3A_15 = arith.constant 14 : i32
    %add3A_16 = arith.constant 8 : i32
    %add3A_17 = arith.addi %scan3A_14#0, %add3A_16 : i32
    %jit3A = arith.constant 16 : i32
    %div3A = arith.divsi %add3A_17, %jit3A : i32
    %sign3A = arith.constant 0 : i32
    %sign3A_18 = arith.cmpi sgt, %add3A_17, %sign3A : i32
    %sign3A_19 = arith.extui %sign3A_18 : i1 to i32
    %sign3A_20 = arith.constant 0 : i32
    %sign3A_21 = arith.cmpi slt, %add3A_17, %sign3A_20 : i32
    %sign3A_22 = arith.extui %sign3A_21 : i1 to i32
    %sign3A_23 = arith.subi %sign3A_19, %sign3A_22 : i32
    %sign3A_24 = arith.constant 0 : i32
    %sign3A_25 = arith.cmpi sgt, %jit3A, %sign3A_24 : i32
    %sign3A_26 = arith.extui %sign3A_25 : i1 to i32
    %sign3A_27 = arith.constant 0 : i32
    %sign3A_28 = arith.cmpi slt, %jit3A, %sign3A_27 : i32
    %sign3A_29 = arith.extui %sign3A_28 : i1 to i32
    %sign3A_30 = arith.subi %sign3A_26, %sign3A_29 : i32
    %ne3A = arith.cmpi ne, %sign3A_23, %sign3A_30 : i32
    %rem3A = arith.remsi %add3A_17, %jit3A : i32
    %ne3A_31 = arith.constant 0 : i32
    %ne3A_32 = arith.cmpi ne, %rem3A, %ne3A_31 : i32
    %and3A = arith.andi %ne3A, %ne3A_32 : i1
    %sub3A = arith.constant 1 : i32
    %sub3A_33 = arith.subi %div3A, %sub3A : i32
    %select_n3A = arith.select %and3A, %sub3A_33, %div3A : i32
    %mul3A_34 = arith.constant 16 : i32
    %mul3A_35 = arith.muli %select_n3A, %mul3A_34 : i32
    %min3A = arith.constant 10240 : i32
    %min3A_36 = arith.minsi %mul3A_35, %min3A : i32
    %ge3A = arith.constant 32 : i32
    %ge3A_37 = arith.cmpi sge, %add3A, %ge3A : i32
    %jit3A_38 = arith.constant 10240 : i32
    %select_n3A_39 = arith.select %ge3A_37, %jit3A_38, %min3A_36 : i32
    %add3A_40 = arith.constant 1 : i32
    %add3A_41 = arith.addi %add3A, %add3A_40 : i32
    %mul3A_42 = arith.constant 10000 : i32
    %mul3A_43 = arith.muli %add3A_41, %mul3A_42 : i32
    %scan3A_44 = arith.constant 0 : i32
    %scan3A_45 = arith.constant 10241 : i32
    %scan3A_46 = arith.constant 0 : i32
    %scan3A_47 = arith.constant 14 : i32
    %scan3A_48 = arith.addi %scan3A_46, %scan3A_47 : i32
    %scan3A_49 = arith.constant 1 : i32
    %scan3A_50:2 = scf.for %scan3A_291 = %scan3A_46 to %scan3A_48 step %scan3A_49 iter_args(%scan3A_292 = %scan3A_44, %scan3A_293 = %scan3A_45) -> (i32, i32)  : i32 {
      %jit3A_294 = arith.constant 2 : i32
      %div3A_295 = arith.divsi %scan3A_293, %jit3A_294 : i32
      %sign3A_296 = arith.constant 0 : i32
      %sign3A_297 = arith.cmpi sgt, %scan3A_293, %sign3A_296 : i32
      %sign3A_298 = arith.extui %sign3A_297 : i1 to i32
      %sign3A_299 = arith.constant 0 : i32
      %sign3A_300 = arith.cmpi slt, %scan3A_293, %sign3A_299 : i32
      %sign3A_301 = arith.extui %sign3A_300 : i1 to i32
      %sign3A_302 = arith.subi %sign3A_298, %sign3A_301 : i32
      %sign3A_303 = arith.constant 0 : i32
      %sign3A_304 = arith.cmpi sgt, %jit3A_294, %sign3A_303 : i32
      %sign3A_305 = arith.extui %sign3A_304 : i1 to i32
      %sign3A_306 = arith.constant 0 : i32
      %sign3A_307 = arith.cmpi slt, %jit3A_294, %sign3A_306 : i32
      %sign3A_308 = arith.extui %sign3A_307 : i1 to i32
      %sign3A_309 = arith.subi %sign3A_305, %sign3A_308 : i32
      %ne3A_310 = arith.cmpi ne, %sign3A_302, %sign3A_309 : i32
      %rem3A_311 = arith.remsi %scan3A_293, %jit3A_294 : i32
      %ne3A_312 = arith.constant 0 : i32
      %ne3A_313 = arith.cmpi ne, %rem3A_311, %ne3A_312 : i32
      %and3A_314 = arith.andi %ne3A_310, %ne3A_313 : i1
      %sub3A_315 = arith.constant 1 : i32
      %sub3A_316 = arith.subi %div3A_295, %sub3A_315 : i32
      %select_n3A_317 = arith.select %and3A_314, %sub3A_316, %div3A_295 : i32
      %add3A_318 = arith.addi %scan3A_292, %select_n3A_317 : i32
      %get3A_319 = arith.index_cast %add3A_318 : i32 to index
      %get3A_320 = tpu.vector_load %arg7[%get3A_319] {strides = array<i32>} : memref<10264xi32, #tpu.memory_space<vmem>>, vector<16xi32>,
      %get3A_321 = vector.shape_cast %get3A_320 : vector<16xi32> to vector<16xi32>
      %slice3A_322 = vector.extract_strided_slice %get3A_321 {offsets = [0], sizes = [1], strides = [1]} : vector<16xi32> to vector<1xi32>
      %squeeze3A_323 = vector.extract %slice3A_322[0] : i32 from vector<1xi32>
      %lt3A = arith.cmpi slt, %squeeze3A_323, %mul3A_43 : i32
      %add3A_324 = arith.addi %scan3A_292, %select_n3A_317 : i32
      %add3A_325 = arith.constant 1 : i32
      %add3A_326 = arith.addi %add3A_324, %add3A_325 : i32
      %select_n3A_327 = arith.select %lt3A, %add3A_326, %scan3A_292 : i32
      %sub3A_328 = arith.subi %scan3A_293, %select_n3A_317 : i32
      %sub3A_329 = arith.constant 1 : i32
      %sub3A_330 = arith.subi %sub3A_328, %sub3A_329 : i32
      %select_n3A_331 = arith.select %lt3A, %sub3A_330, %select_n3A_317 : i32
      scf.yield %select_n3A_327, %select_n3A_331 : i32, i32
    }
    %scan3A_51 = arith.constant 14 : i32
    %add3A_52 = arith.constant 8 : i32
    %add3A_53 = arith.addi %scan3A_50#0, %add3A_52 : i32
    %jit3A_54 = arith.constant 16 : i32
    %div3A_55 = arith.divsi %add3A_53, %jit3A_54 : i32
    %sign3A_56 = arith.constant 0 : i32
    %sign3A_57 = arith.cmpi sgt, %add3A_53, %sign3A_56 : i32
    %sign3A_58 = arith.extui %sign3A_57 : i1 to i32
    %sign3A_59 = arith.constant 0 : i32
    %sign3A_60 = arith.cmpi slt, %add3A_53, %sign3A_59 : i32
    %sign3A_61 = arith.extui %sign3A_60 : i1 to i32
    %sign3A_62 = arith.subi %sign3A_58, %sign3A_61 : i32
    %sign3A_63 = arith.constant 0 : i32
    %sign3A_64 = arith.cmpi sgt, %jit3A_54, %sign3A_63 : i32
    %sign3A_65 = arith.extui %sign3A_64 : i1 to i32
    %sign3A_66 = arith.constant 0 : i32
    %sign3A_67 = arith.cmpi slt, %jit3A_54, %sign3A_66 : i32
    %sign3A_68 = arith.extui %sign3A_67 : i1 to i32
    %sign3A_69 = arith.subi %sign3A_65, %sign3A_68 : i32
    %ne3A_70 = arith.cmpi ne, %sign3A_62, %sign3A_69 : i32
    %rem3A_71 = arith.remsi %add3A_53, %jit3A_54 : i32
    %ne3A_72 = arith.constant 0 : i32
    %ne3A_73 = arith.cmpi ne, %rem3A_71, %ne3A_72 : i32
    %and3A_74 = arith.andi %ne3A_70, %ne3A_73 : i1
    %sub3A_75 = arith.constant 1 : i32
    %sub3A_76 = arith.subi %div3A_55, %sub3A_75 : i32
    %select_n3A_77 = arith.select %and3A_74, %sub3A_76, %div3A_55 : i32
    %mul3A_78 = arith.constant 16 : i32
    %mul3A_79 = arith.muli %select_n3A_77, %mul3A_78 : i32
    %min3A_80 = arith.constant 10240 : i32
    %min3A_81 = arith.minsi %mul3A_79, %min3A_80 : i32
    %ge3A_82 = arith.constant 32 : i32
    %ge3A_83 = arith.cmpi sge, %add3A_41, %ge3A_82 : i32
    %jit3A_84 = arith.constant 10240 : i32
    %select_n3A_85 = arith.select %ge3A_83, %jit3A_84, %min3A_81 : i32
    %broadcast_in_dim3A = arith.constant 0.000000e+00 : f32
    %broadcast_in_dim3A_86 = vector.broadcast %broadcast_in_dim3A : f32 to vector<16xf32>
    %get3A = arith.index_cast %select_n3A_39 : i32 to index
    %get3A_87 = tpu.vector_load %arg7[%get3A] {strides = array<i32>} : memref<10264xi32, #tpu.memory_space<vmem>>, vector<16xi32>,
    %get3A_88 = vector.shape_cast %get3A_87 : vector<16xi32> to vector<16xi32>
    %slice3A = vector.extract_strided_slice %get3A_88 {offsets = [0], sizes = [1], strides = [1]} : vector<16xi32> to vector<1xi32>
    %squeeze3A = vector.extract %slice3A[0] : i32 from vector<1xi32>
    %get3A_89 = arith.index_cast %select_n3A_85 : i32 to index
    %get3A_90 = tpu.vector_load %arg7[%get3A_89] {strides = array<i32>} : memref<10264xi32, #tpu.memory_space<vmem>>, vector<16xi32>,
    %get3A_91 = vector.shape_cast %get3A_90 : vector<16xi32> to vector<16xi32>
    %slice3A_92 = vector.extract_strided_slice %get3A_91 {offsets = [0], sizes = [1], strides = [1]} : vector<16xi32> to vector<1xi32>
    %squeeze3A_93 = vector.extract %slice3A_92[0] : i32 from vector<1xi32>
    %jit3A_94 = arith.constant 8 : i32
    %div3A_95 = arith.divsi %squeeze3A, %jit3A_94 : i32
    %sign3A_96 = arith.constant 0 : i32
    %sign3A_97 = arith.cmpi sgt, %squeeze3A, %sign3A_96 : i32
    %sign3A_98 = arith.extui %sign3A_97 : i1 to i32
    %sign3A_99 = arith.constant 0 : i32
    %sign3A_100 = arith.cmpi slt, %squeeze3A, %sign3A_99 : i32
    %sign3A_101 = arith.extui %sign3A_100 : i1 to i32
    %sign3A_102 = arith.subi %sign3A_98, %sign3A_101 : i32
    %sign3A_103 = arith.constant 0 : i32
    %sign3A_104 = arith.cmpi sgt, %jit3A_94, %sign3A_103 : i32
    %sign3A_105 = arith.extui %sign3A_104 : i1 to i32
    %sign3A_106 = arith.constant 0 : i32
    %sign3A_107 = arith.cmpi slt, %jit3A_94, %sign3A_106 : i32
    %sign3A_108 = arith.extui %sign3A_107 : i1 to i32
    %sign3A_109 = arith.subi %sign3A_105, %sign3A_108 : i32
    %ne3A_110 = arith.cmpi ne, %sign3A_102, %sign3A_109 : i32
    %rem3A_111 = arith.remsi %squeeze3A, %jit3A_94 : i32
    %ne3A_112 = arith.constant 0 : i32
    %ne3A_113 = arith.cmpi ne, %rem3A_111, %ne3A_112 : i32
    %and3A_114 = arith.andi %ne3A_110, %ne3A_113 : i1
    %sub3A_115 = arith.constant 1 : i32
    %sub3A_116 = arith.subi %div3A_95, %sub3A_115 : i32
    %select_n3A_117 = arith.select %and3A_114, %sub3A_116, %div3A_95 : i32
    %mul3A_118 = arith.constant 8 : i32
    %mul3A_119 = arith.muli %select_n3A_117, %mul3A_118 : i32
    %sub3A_120 = arith.subi %squeeze3A_93, %mul3A_119 : i32
    %add3A_121 = arith.constant 128 : i32
    %add3A_122 = arith.addi %sub3A_120, %add3A_121 : i32
    %sub3A_123 = arith.constant 1 : i32
    %sub3A_124 = arith.subi %add3A_122, %sub3A_123 : i32
    %jit3A_125 = arith.constant 128 : i32
    %div3A_126 = arith.divsi %sub3A_124, %jit3A_125 : i32
    %sign3A_127 = arith.constant 0 : i32
    %sign3A_128 = arith.cmpi sgt, %sub3A_124, %sign3A_127 : i32
    %sign3A_129 = arith.extui %sign3A_128 : i1 to i32
    %sign3A_130 = arith.constant 0 : i32
    %sign3A_131 = arith.cmpi slt, %sub3A_124, %sign3A_130 : i32
    %sign3A_132 = arith.extui %sign3A_131 : i1 to i32
    %sign3A_133 = arith.subi %sign3A_129, %sign3A_132 : i32
    %sign3A_134 = arith.constant 0 : i32
    %sign3A_135 = arith.cmpi sgt, %jit3A_125, %sign3A_134 : i32
    %sign3A_136 = arith.extui %sign3A_135 : i1 to i32
    %sign3A_137 = arith.constant 0 : i32
    %sign3A_138 = arith.cmpi slt, %jit3A_125, %sign3A_137 : i32
    %sign3A_139 = arith.extui %sign3A_138 : i1 to i32
    %sign3A_140 = arith.subi %sign3A_136, %sign3A_139 : i32
    %ne3A_141 = arith.cmpi ne, %sign3A_133, %sign3A_140 : i32
    %rem3A_142 = arith.remsi %sub3A_124, %jit3A_125 : i32
    %ne3A_143 = arith.constant 0 : i32
    %ne3A_144 = arith.cmpi ne, %rem3A_142, %ne3A_143 : i32
    %and3A_145 = arith.andi %ne3A_141, %ne3A_144 : i1
    %sub3A_146 = arith.constant 1 : i32
    %sub3A_147 = arith.subi %div3A_126, %sub3A_146 : i32
    %select_n3A_148 = arith.select %and3A_145, %sub3A_147, %div3A_126 : i32
    %sub3A_149 = arith.subi %select_n3A_85, %select_n3A_39 : i32
    %sub3A_150 = arith.constant 1 : i32
    %sub3A_151 = arith.subi %select_n3A_148, %sub3A_150 : i32
    %max3A = arith.constant 0 : i32
    %max3A_152 = arith.maxsi %sub3A_151, %max3A : i32
    %add3A_153 = arith.addi %sub3A_149, %max3A_152 : i32
    %min3A_154 = arith.constant 320000 : i32
    %min3A_155 = arith.minsi %mul3A_119, %min3A_154 : i32
    %multiple_of3A = tpu.assume_multiple %min3A_155, 8 : i32
    %dma_start3A_156 = arith.constant 0 : i32
    %dma_start3A_157 = arith.constant 0 : i32
    %dma_start3A_158 = tpu.memref_slice %arg8[%dma_start3A_156, %dma_start3A_157] : memref<2x128xi32, #tpu.memory_space<vmem>> -> memref<1x128xi32, #tpu.memory_space<vmem>>
    %dma_start3A_159 = tpu.memref_squeeze %dma_start3A_158 : memref<1x128xi32, #tpu.memory_space<vmem>> -> memref<128xi32, #tpu.memory_space<vmem>>
    %dma_start3A_160 = tpu.memref_slice %arg4[%multiple_of3A] : memref<320128xi32, #tpu.memory_space<hbm>> -> memref<128xi32, #tpu.memory_space<hbm>>
    %dma_start3A_161 = arith.constant 0 : i32
    %dma_start3A_162 = tpu.memref_slice %arg8[%dma_start3A_156, %dma_start3A_161] : memref<2x128xi32, #tpu.memory_space<vmem>> -> memref<1x128xi32, #tpu.memory_space<vmem>>
    %dma_start3A_163 = tpu.memref_squeeze %dma_start3A_162 : memref<1x128xi32, #tpu.memory_space<vmem>> -> memref<128xi32, #tpu.memory_space<vmem>>
    %dma_start3A_164 = tpu.memref_slice %arg4[%multiple_of3A] : memref<320128xi32, #tpu.memory_space<hbm>> -> memref<128xi32, #tpu.memory_space<hbm>>
    tpu.enqueue_dma source(%dma_start3A_164 : memref<128xi32, #tpu.memory_space<hbm>>) target(%dma_start3A_163 : memref<128xi32, #tpu.memory_space<vmem>>) target_semaphore(%arg12 : memref<!tpu.dma_semaphore, #tpu.memory_space<semaphore_mem>>)
    %dma_wait3A_165 = arith.constant 0 : i32
    %dma_wait3A_166 = arith.constant 0 : i32
    %dma_wait3A_167 = tpu.memref_slice %arg8[%dma_wait3A_165, %dma_wait3A_166] : memref<2x128xi32, #tpu.memory_space<vmem>> -> memref<1x128xi32, #tpu.memory_space<vmem>>
    %dma_wait3A_168 = tpu.memref_squeeze %dma_wait3A_167 : memref<1x128xi32, #tpu.memory_space<vmem>> -> memref<128xi32, #tpu.memory_space<vmem>>
    %dma_wait3A_169 = arith.constant 0 : i32
    %dma_wait3A_170 = tpu.memref_slice %arg4[%dma_wait3A_169] : memref<320128xi32, #tpu.memory_space<hbm>> -> memref<128xi32, #tpu.memory_space<hbm>>
    %dma_wait3A_171 = arith.constant 0 : i32
    %dma_wait3A_172 = tpu.memref_slice %arg8[%dma_wait3A_165, %dma_wait3A_171] : memref<2x128xi32, #tpu.memory_space<vmem>> -> memref<1x128xi32, #tpu.memory_space<vmem>>
    %dma_wait3A_173 = tpu.memref_squeeze %dma_wait3A_172 : memref<1x128xi32, #tpu.memory_space<vmem>> -> memref<128xi32, #tpu.memory_space<vmem>>
    %dma_wait3A_174 = arith.constant 0 : i32
    %dma_wait3A_175 = tpu.memref_slice %arg4[%dma_wait3A_174] : memref<320128xi32, #tpu.memory_space<hbm>> -> memref<128xi32, #tpu.memory_space<hbm>>
    tpu.wait_dma2 semaphore(%arg12 : memref<!tpu.dma_semaphore, #tpu.memory_space<semaphore_mem>>) src(%dma_wait3A_175 : memref<128xi32, #tpu.memory_space<hbm>>) dst(%dma_wait3A_173 : memref<128xi32, #tpu.memory_space<vmem>>)
    %dma_start3A_176 = arith.constant 0 : i32
    %dma_start3A_177 = arith.constant 0 : i32
    %dma_start3A_178 = arith.constant 0 : i32
    %dma_start3A_179 = arith.constant 0 : i32
    %dma_start3A_180 = tpu.memref_slice %arg9[%dma_start3A_177, %dma_start3A_178, %dma_start3A_179] : memref<2x128x256xf32, #tpu.memory_space<vmem>> -> memref<1x128x256xf32, #tpu.memory_space<vmem>>
    %dma_start3A_181 = tpu.memref_squeeze %dma_start3A_180 : memref<1x128x256xf32, #tpu.memory_space<vmem>> -> memref<128x256xf32, #tpu.memory_space<vmem>>
    %dma_start3A_182 = arith.constant 0 : i32
    %dma_start3A_183 = tpu.memref_slice %arg8[%dma_start3A_176, %dma_start3A_182] : memref<2x128xi32, #tpu.memory_space<vmem>> -> memref<1x128xi32, #tpu.memory_space<vmem>>
    %dma_start3A_184 = tpu.memref_squeeze %dma_start3A_183 : memref<1x128xi32, #tpu.memory_space<vmem>> -> memref<128xi32, #tpu.memory_space<vmem>>
    %dma_start3A_185 = arith.constant 0 : i32
    %dma_start3A_186 = arith.constant 0 : i32
    %dma_start3A_187 = tpu.memref_slice %arg2[%dma_start3A_185, %dma_start3A_186] : memref<10240x256xf32, #tpu.memory_space<hbm>> -> memref<10240x256xf32, #tpu.memory_space<hbm>>
    tpu.enqueue_indirect_dma source(%dma_start3A_187 : memref<10240x256xf32, #tpu.memory_space<hbm>>) target(%dma_start3A_181 : memref<128x256xf32, #tpu.memory_space<vmem>>) offsets(%dma_start3A_184 : memref<128xi32, #tpu.memory_space<vmem>>) semaphore(%arg13 : memref<!tpu.dma_semaphore, #tpu.memory_space<semaphore_mem>>)
    %add3A_188 = arith.constant 128 : i32
    %add3A_189 = arith.addi %mul3A_119, %add3A_188 : i32
    %min3A_190 = arith.constant 320000 : i32
    %min3A_191 = arith.minsi %add3A_189, %min3A_190 : i32
    %multiple_of3A_192 = tpu.assume_multiple %min3A_191, 8 : i32
    %dma_start3A_193 = arith.constant 1 : i32
    %dma_start3A_194 = arith.constant 0 : i32
    %dma_start3A_195 = tpu.memref_slice %arg8[%dma_start3A_193, %dma_start3A_194] : memref<2x128xi32, #tpu.memory_space<vmem>> -> memref<1x128xi32, #tpu.memory_space<vmem>>
    %dma_start3A_196 = tpu.memref_squeeze %dma_start3A_195 : memref<1x128xi32, #tpu.memory_space<vmem>> -> memref<128xi32, #tpu.memory_space<vmem>>
    %dma_start3A_197 = tpu.memref_slice %arg4[%multiple_of3A_192] : memref<320128xi32, #tpu.memory_space<hbm>> -> memref<128xi32, #tpu.memory_space<hbm>>
    %dma_start3A_198 = arith.constant 0 : i32
    %dma_start3A_199 = tpu.memref_slice %arg8[%dma_start3A_193, %dma_start3A_198] : memref<2x128xi32, #tpu.memory_space<vmem>> -> memref<1x128xi32, #tpu.memory_space<vmem>>
    %dma_start3A_200 = tpu.memref_squeeze %dma_start3A_199 : memref<1x128xi32, #tpu.memory_space<vmem>> -> memref<128xi32, #tpu.memory_space<vmem>>
    %dma_start3A_201 = tpu.memref_slice %arg4[%multiple_of3A_192] : memref<320128xi32, #tpu.memory_space<hbm>> -> memref<128xi32, #tpu.memory_space<hbm>>
    tpu.enqueue_dma source(%dma_start3A_201 : memref<128xi32, #tpu.memory_space<hbm>>) target(%dma_start3A_200 : memref<128xi32, #tpu.memory_space<vmem>>) target_semaphore(%arg12 : memref<!tpu.dma_semaphore, #tpu.memory_space<semaphore_mem>>)
    %dma_wait3A_202 = arith.constant 0 : i32
    %dma_wait3A_203 = arith.constant 0 : i32
    %dma_wait3A_204 = arith.constant 0 : i32
    %dma_wait3A_205 = tpu.memref_slice %arg9[%dma_wait3A_202, %dma_wait3A_203, %dma_wait3A_204] : memref<2x128x256xf32, #tpu.memory_space<vmem>> -> memref<1x128x256xf32, #tpu.memory_space<vmem>>
    %dma_wait3A_206 = tpu.memref_squeeze %dma_wait3A_205 : memref<1x128x256xf32, #tpu.memory_space<vmem>> -> memref<128x256xf32, #tpu.memory_space<vmem>>
    %dma_wait3A_207 = arith.constant 0 : i32
    %dma_wait3A_208 = arith.constant 0 : i32
    %dma_wait3A_209 = tpu.memref_slice %arg2[%dma_wait3A_207, %dma_wait3A_208] : memref<10240x256xf32, #tpu.memory_space<hbm>> -> memref<128x256xf32, #tpu.memory_space<hbm>>
    %dma_wait3A_210 = arith.constant 0 : i32
    %dma_wait3A_211 = arith.constant 0 : i32
    %dma_wait3A_212 = tpu.memref_slice %arg9[%dma_wait3A_202, %dma_wait3A_210, %dma_wait3A_211] : memref<2x128x256xf32, #tpu.memory_space<vmem>> -> memref<1x128x256xf32, #tpu.memory_space<vmem>>
    %dma_wait3A_213 = tpu.memref_squeeze %dma_wait3A_212 : memref<1x128x256xf32, #tpu.memory_space<vmem>> -> memref<128x256xf32, #tpu.memory_space<vmem>>
    %dma_wait3A_214 = arith.constant 0 : i32
    %dma_wait3A_215 = arith.constant 0 : i32
    %dma_wait3A_216 = tpu.memref_slice %arg2[%dma_wait3A_214, %dma_wait3A_215] : memref<10240x256xf32, #tpu.memory_space<hbm>> -> memref<128x256xf32, #tpu.memory_space<hbm>>
    tpu.wait_dma2 semaphore(%arg13 : memref<!tpu.dma_semaphore, #tpu.memory_space<semaphore_mem>>) src(%dma_wait3A_216 : memref<128x256xf32, #tpu.memory_space<hbm>>) dst(%dma_wait3A_213 : memref<128x256xf32, #tpu.memory_space<vmem>>)
    %dma_wait3A_217 = arith.constant 0 : i32
    %dma_wait3A_218 = arith.constant 0 : i32
    %dma_wait3A_219 = tpu.memref_slice %arg8[%dma_wait3A_217, %dma_wait3A_218] : memref<2x128xi32, #tpu.memory_space<vmem>> -> memref<1x128xi32, #tpu.memory_space<vmem>>
    %dma_wait3A_220 = tpu.memref_squeeze %dma_wait3A_219 : memref<1x128xi32, #tpu.memory_space<vmem>> -> memref<128xi32, #tpu.memory_space<vmem>>
    %dma_wait3A_221 = arith.constant 0 : i32
    %dma_wait3A_222 = tpu.memref_slice %arg4[%dma_wait3A_221] : memref<320128xi32, #tpu.memory_space<hbm>> -> memref<128xi32, #tpu.memory_space<hbm>>
    %dma_wait3A_223 = arith.constant 0 : i32
    %dma_wait3A_224 = tpu.memref_slice %arg8[%dma_wait3A_217, %dma_wait3A_223] : memref<2x128xi32, #tpu.memory_space<vmem>> -> memref<1x128xi32, #tpu.memory_space<vmem>>
    %dma_wait3A_225 = tpu.memref_squeeze %dma_wait3A_224 : memref<1x128xi32, #tpu.memory_space<vmem>> -> memref<128xi32, #tpu.memory_space<vmem>>
    %dma_wait3A_226 = arith.constant 0 : i32
    %dma_wait3A_227 = tpu.memref_slice %arg4[%dma_wait3A_226] : memref<320128xi32, #tpu.memory_space<hbm>> -> memref<128xi32, #tpu.memory_space<hbm>>
    tpu.wait_dma2 semaphore(%arg12 : memref<!tpu.dma_semaphore, #tpu.memory_space<semaphore_mem>>) src(%dma_wait3A_227 : memref<128xi32, #tpu.memory_space<hbm>>) dst(%dma_wait3A_225 : memref<128xi32, #tpu.memory_space<vmem>>)
    %dma_start3A_228 = arith.constant 1 : i32
    %dma_start3A_229 = arith.constant 1 : i32
    %dma_start3A_230 = arith.constant 0 : i32
    %dma_start3A_231 = arith.constant 0 : i32
    %dma_start3A_232 = tpu.memref_slice %arg9[%dma_start3A_229, %dma_start3A_230, %dma_start3A_231] : memref<2x128x256xf32, #tpu.memory_space<vmem>> -> memref<1x128x256xf32, #tpu.memory_space<vmem>>
    %dma_start3A_233 = tpu.memref_squeeze %dma_start3A_232 : memref<1x128x256xf32, #tpu.memory_space<vmem>> -> memref<128x256xf32, #tpu.memory_space<vmem>>
    %dma_start3A_234 = arith.constant 0 : i32
    %dma_start3A_235 = tpu.memref_slice %arg8[%dma_start3A_228, %dma_start3A_234] : memref<2x128xi32, #tpu.memory_space<vmem>> -> memref<1x128xi32, #tpu.memory_space<vmem>>
    %dma_start3A_236 = tpu.memref_squeeze %dma_start3A_235 : memref<1x128xi32, #tpu.memory_space<vmem>> -> memref<128xi32, #tpu.memory_space<vmem>>
    %dma_start3A_237 = arith.constant 0 : i32
    %dma_start3A_238 = arith.constant 0 : i32
    %dma_start3A_239 = tpu.memref_slice %arg2[%dma_start3A_237, %dma_start3A_238] : memref<10240x256xf32, #tpu.memory_space<hbm>> -> memref<10240x256xf32, #tpu.memory_space<hbm>>
    tpu.enqueue_indirect_dma source(%dma_start3A_239 : memref<10240x256xf32, #tpu.memory_space<hbm>>) target(%dma_start3A_233 : memref<128x256xf32, #tpu.memory_space<vmem>>) offsets(%dma_start3A_236 : memref<128xi32, #tpu.memory_space<vmem>>) semaphore(%arg13 : memref<!tpu.dma_semaphore, #tpu.memory_space<semaphore_mem>>)
    %add3A_240 = arith.constant 256 : i32
    %add3A_241 = arith.addi %mul3A_119, %add3A_240 : i32
    %min3A_242 = arith.constant 320000 : i32
    %min3A_243 = arith.minsi %add3A_241, %min3A_242 : i32
    %multiple_of3A_244 = tpu.assume_multiple %min3A_243, 8 : i32
    %dma_start3A_245 = arith.constant 0 : i32
    %dma_start3A_246 = arith.constant 0 : i32
    %dma_start3A_247 = tpu.memref_slice %arg8[%dma_start3A_245, %dma_start3A_246] : memref<2x128xi32, #tpu.memory_space<vmem>> -> memref<1x128xi32, #tpu.memory_space<vmem>>
    %dma_start3A_248 = tpu.memref_squeeze %dma_start3A_247 : memref<1x128xi32, #tpu.memory_space<vmem>> -> memref<128xi32, #tpu.memory_space<vmem>>
    %dma_start3A_249 = tpu.memref_slice %arg4[%multiple_of3A_244] : memref<320128xi32, #tpu.memory_space<hbm>> -> memref<128xi32, #tpu.memory_space<hbm>>
    %dma_start3A_250 = arith.constant 0 : i32
    %dma_start3A_251 = tpu.memref_slice %arg8[%dma_start3A_245, %dma_start3A_250] : memref<2x128xi32, #tpu.memory_space<vmem>> -> memref<1x128xi32, #tpu.memory_space<vmem>>
    %dma_start3A_252 = tpu.memref_squeeze %dma_start3A_251 : memref<1x128xi32, #tpu.memory_space<vmem>> -> memref<128xi32, #tpu.memory_space<vmem>>
    %dma_start3A_253 = tpu.memref_slice %arg4[%multiple_of3A_244] : memref<320128xi32, #tpu.memory_space<hbm>> -> memref<128xi32, #tpu.memory_space<hbm>>
    tpu.enqueue_dma source(%dma_start3A_253 : memref<128xi32, #tpu.memory_space<hbm>>) target(%dma_start3A_252 : memref<128xi32, #tpu.memory_space<vmem>>) target_semaphore(%arg12 : memref<!tpu.dma_semaphore, #tpu.memory_space<semaphore_mem>>)
    %while3A = arith.constant 0 : i32
    %while3A_254 = arith.constant 0 : i32
    %while3A_255 = arith.subi %add3A_153, %while3A : i32
    %while3A_256 = arith.addi %while3A, %while3A_255 : i32
    %while3A_257 = arith.constant 1 : i32
    %while3A_258 = arith.divsi %while3A_255, %while3A_257 : i32
    %while3A_259 = arith.muli %while3A_258, %while3A_257 : i32
    %while3A_260 = arith.addi %while3A, %while3A_259 : i32
    %while3A_261 = arith.constant 1 : i32
    %while3A_262:20 = scf.for %while3A_291 = %while3A to %while3A_260 step %while3A_261 iter_args(%while3A_292 = %select_n3A_39, %while3A_293 = %mul3A_119, %while3A_294 = %squeeze3A, %while3A_295 = %while3A_254, %while3A_296 = %broadcast_in_dim3A_86, %while3A_297 = %broadcast_in_dim3A_86, %while3A_298 = %broadcast_in_dim3A_86, %while3A_299 = %broadcast_in_dim3A_86, %while3A_300 = %broadcast_in_dim3A_86, %while3A_301 = %broadcast_in_dim3A_86, %while3A_302 = %broadcast_in_dim3A_86, %while3A_303 = %broadcast_in_dim3A_86, %while3A_304 = %broadcast_in_dim3A_86, %while3A_305 = %broadcast_in_dim3A_86, %while3A_306 = %broadcast_in_dim3A_86, %while3A_307 = %broadcast_in_dim3A_86, %while3A_308 = %broadcast_in_dim3A_86, %while3A_309 = %broadcast_in_dim3A_86, %while3A_310 = %broadcast_in_dim3A_86, %while3A_311 = %broadcast_in_dim3A_86) -> (i32, i32, i32, i32, vector<16xf32>, vector<16xf32>, vector<16xf32>, vector<16xf32>, vector<16xf32>, vector<16xf32>, vector<16xf32>, vector<16xf32>, vector<16xf32>, vector<16xf32>, vector<16xf32>, vector<16xf32>, vector<16xf32>, vector<16xf32>, vector<16xf32>, vector<16xf32>)  : i32 {
      %get3A_312 = arith.index_cast %while3A_292 : i32 to index
      %get3A_313 = tpu.vector_load %arg7[%get3A_312] {strides = array<i32>} : memref<10264xi32, #tpu.memory_space<vmem>>, vector<16xi32>,
      %get3A_314 = vector.shape_cast %get3A_313 : vector<16xi32> to vector<16xi32>
      %slice3A_315 = vector.extract_strided_slice %get3A_314 {offsets = [0], sizes = [1], strides = [1]} : vector<16xi32> to vector<1xi32>
      %squeeze3A_316 = vector.extract %slice3A_315[0] : i32 from vector<1xi32>
      %add3A_317 = arith.constant 1 : i32
      %add3A_318 = arith.addi %while3A_292, %add3A_317 : i32
      %get3A_319 = arith.index_cast %add3A_318 : i32 to index
      %get3A_320 = tpu.vector_load %arg7[%get3A_319] {strides = array<i32>} : memref<10264xi32, #tpu.memory_space<vmem>>, vector<16xi32>,
      %get3A_321 = vector.shape_cast %get3A_320 : vector<16xi32> to vector<16xi32>
      %slice3A_322 = vector.extract_strided_slice %get3A_321 {offsets = [0], sizes = [1], strides = [1]} : vector<16xi32> to vector<1xi32>
      %squeeze3A_323 = vector.extract %slice3A_322[0] : i32 from vector<1xi32>
      %add3A_324 = arith.constant 128 : i32
      %add3A_325 = arith.addi %while3A_293, %add3A_324 : i32
      %min3A_326 = arith.minsi %squeeze3A_323, %add3A_325 : i32
      %jit3A_327 = arith.constant 16 : i32
      %eq3A = arith.constant 0 : i32
      %eq3A_328 = arith.cmpi eq, %jit3A_327, %eq3A : i32
      %jit3A_329 = arith.constant 1 : i32
      %select_n3A_330 = arith.select %eq3A_328, %jit3A_329, %jit3A_327 : i32
      %rem3A_331 = arith.remsi %while3A_292, %select_n3A_330 : i32
      %ne3A_332 = arith.constant 0 : i32
      %ne3A_333 = arith.cmpi ne, %rem3A_331, %ne3A_332 : i32
      %lt3A = arith.constant 0 : i32
      %lt3A_334 = arith.cmpi slt, %rem3A_331, %lt3A : i32
      %lt3A_335 = arith.constant 0 : i32
      %lt3A_336 = arith.cmpi slt, %select_n3A_330, %lt3A_335 : i32
      %ne3A_337 = arith.xori %lt3A_334, %lt3A_336 : i1
      %and3A_338 = arith.andi %ne3A_337, %ne3A_333 : i1
      %add3A_339 = arith.addi %rem3A_331, %select_n3A_330 : i32
      %select_n3A_340 = arith.select %and3A_338, %add3A_339, %rem3A_331 : i32
      %eq3A_341 = arith.constant 0 : i32
      %eq3A_342 = arith.cmpi eq, %select_n3A_340, %eq3A_341 : i32
      %eq3A_343 = arith.cmpi eq, %while3A_294, %squeeze3A_316 : i32
      %and3A_344 = arith.andi %eq3A_342, %eq3A_343 : i1
      %convert_element_type3A = arith.extui %and3A_344 : i1 to i32
      %cond3A = arith.constant 0 : i32
      %cond3A_345 = arith.cmpi ne, %convert_element_type3A, %cond3A : i32
      scf.if %cond3A_345 {
        %multiple_of3A_480 = tpu.assume_multiple %while3A_292, 8 : i32
        %dma_start3A_481 = arith.constant 0 : i32
        %dma_start3A_482 = tpu.memref_slice %arg3[%multiple_of3A_480, %dma_start3A_481] : memref<10240x256xf32, #tpu.memory_space<hbm>> -> memref<16x256xf32, #tpu.memory_space<hbm>>
        %dma_start3A_483 = arith.constant 0 : i32
        %dma_start3A_484 = tpu.memref_slice %arg3[%multiple_of3A_480, %dma_start3A_483] : memref<10240x256xf32, #tpu.memory_space<hbm>> -> memref<16x256xf32, #tpu.memory_space<hbm>>
        tpu.enqueue_dma source(%dma_start3A_484 : memref<16x256xf32, #tpu.memory_space<hbm>>) target(%arg10 : memref<16x256xf32, #tpu.memory_space<vmem>>) target_semaphore(%arg14 : memref<!tpu.dma_semaphore, #tpu.memory_space<semaphore_mem>>)
        %dma_wait3A_485 = arith.constant 0 : i32
        %dma_wait3A_486 = tpu.memref_slice %arg3[%multiple_of3A_480, %dma_wait3A_485] : memref<10240x256xf32, #tpu.memory_space<hbm>> -> memref<16x256xf32, #tpu.memory_space<hbm>>
        %dma_wait3A_487 = arith.constant 0 : i32
        %dma_wait3A_488 = tpu.memref_slice %arg3[%multiple_of3A_480, %dma_wait3A_487] : memref<10240x256xf32, #tpu.memory_space<hbm>> -> memref<16x256xf32, #tpu.memory_space<hbm>>
        tpu.wait_dma2 semaphore(%arg14 : memref<!tpu.dma_semaphore, #tpu.memory_space<semaphore_mem>>) src(%dma_wait3A_488 : memref<16x256xf32, #tpu.memory_space<hbm>>) dst(%arg10 : memref<16x256xf32, #tpu.memory_space<vmem>>)
      } else {
      }
      %get3A_346 = arith.index_cast %select_n3A_340 : i32 to index
      %get3A_347 = arith.constant 0 : index
      %get3A_348 = tpu.vector_load %arg10[%get3A_346, %get3A_347] {strides = array<i32>} : memref<16x256xf32, #tpu.memory_space<vmem>>, vector<1x16xf32>,
      %get3A_349 = vector.shape_cast %get3A_348 : vector<1x16xf32> to vector<16xf32>
      %get3A_350 = arith.index_cast %select_n3A_340 : i32 to index
      %get3A_351 = arith.constant 16 : index
      %get3A_352 = tpu.vector_load %arg10[%get3A_350, %get3A_351] {strides = array<i32>} : memref<16x256xf32, #tpu.memory_space<vmem>>, vector<1x16xf32>,
      %get3A_353 = vector.shape_cast %get3A_352 : vector<1x16xf32> to vector<16xf32>
      %get3A_354 = arith.index_cast %select_n3A_340 : i32 to index
      %get3A_355 = arith.constant 32 : index
      %get3A_356 = tpu.vector_load %arg10[%get3A_354, %get3A_355] {strides = array<i32>} : memref<16x256xf32, #tpu.memory_space<vmem>>, vector<1x16xf32>,
      %get3A_357 = vector.shape_cast %get3A_356 : vector<1x16xf32> to vector<16xf32>
      %get3A_358 = arith.index_cast %select_n3A_340 : i32 to index
      %get3A_359 = arith.constant 48 : index
      %get3A_360 = tpu.vector_load %arg10[%get3A_358, %get3A_359] {strides = array<i32>} : memref<16x256xf32, #tpu.memory_space<vmem>>, vector<1x16xf32>,
      %get3A_361 = vector.shape_cast %get3A_360 : vector<1x16xf32> to vector<16xf32>
      %get3A_362 = arith.index_cast %select_n3A_340 : i32 to index
      %get3A_363 = arith.constant 64 : index
      %get3A_364 = tpu.vector_load %arg10[%get3A_362, %get3A_363] {strides = array<i32>} : memref<16x256xf32, #tpu.memory_space<vmem>>, vector<1x16xf32>,
      %get3A_365 = vector.shape_cast %get3A_364 : vector<1x16xf32> to vector<16xf32>
      %get3A_366 = arith.index_cast %select_n3A_340 : i32 to index
      %get3A_367 = arith.constant 80 : index
      %get3A_368 = tpu.vector_load %arg10[%get3A_366, %get3A_367] {strides = array<i32>} : memref<16x256xf32, #tpu.memory_space<vmem>>, vector<1x16xf32>,
      %get3A_369 = vector.shape_cast %get3A_368 : vector<1x16xf32> to vector<16xf32>
      %get3A_370 = arith.index_cast %select_n3A_340 : i32 to index
      %get3A_371 = arith.constant 96 : index
      %get3A_372 = tpu.vector_load %arg10[%get3A_370, %get3A_371] {strides = array<i32>} : memref<16x256xf32, #tpu.memory_space<vmem>>, vector<1x16xf32>,
      %get3A_373 = vector.shape_cast %get3A_372 : vector<1x16xf32> to vector<16xf32>
      %get3A_374 = arith.index_cast %select_n3A_340 : i32 to index
      %get3A_375 = arith.constant 112 : index
      %get3A_376 = tpu.vector_load %arg10[%get3A_374, %get3A_375] {strides = array<i32>} : memref<16x256xf32, #tpu.memory_space<vmem>>, vector<1x16xf32>,
      %get3A_377 = vector.shape_cast %get3A_376 : vector<1x16xf32> to vector<16xf32>
      %get3A_378 = arith.index_cast %select_n3A_340 : i32 to index
      %get3A_379 = arith.constant 128 : index
      %get3A_380 = tpu.vector_load %arg10[%get3A_378, %get3A_379] {strides = array<i32>} : memref<16x256xf32, #tpu.memory_space<vmem>>, vector<1x16xf32>,
      %get3A_381 = vector.shape_cast %get3A_380 : vector<1x16xf32> to vector<16xf32>
      %get3A_382 = arith.index_cast %select_n3A_340 : i32 to index
      %get3A_383 = arith.constant 144 : index
      %get3A_384 = tpu.vector_load %arg10[%get3A_382, %get3A_383] {strides = array<i32>} : memref<16x256xf32, #tpu.memory_space<vmem>>, vector<1x16xf32>,
      %get3A_385 = vector.shape_cast %get3A_384 : vector<1x16xf32> to vector<16xf32>
      %get3A_386 = arith.index_cast %select_n3A_340 : i32 to index
      %get3A_387 = arith.constant 160 : index
      %get3A_388 = tpu.vector_load %arg10[%get3A_386, %get3A_387] {strides = array<i32>} : memref<16x256xf32, #tpu.memory_space<vmem>>, vector<1x16xf32>,
      %get3A_389 = vector.shape_cast %get3A_388 : vector<1x16xf32> to vector<16xf32>
      %get3A_390 = arith.index_cast %select_n3A_340 : i32 to index
      %get3A_391 = arith.constant 176 : index
      %get3A_392 = tpu.vector_load %arg10[%get3A_390, %get3A_391] {strides = array<i32>} : memref<16x256xf32, #tpu.memory_space<vmem>>, vector<1x16xf32>,
      %get3A_393 = vector.shape_cast %get3A_392 : vector<1x16xf32> to vector<16xf32>
      %get3A_394 = arith.index_cast %select_n3A_340 : i32 to index
      %get3A_395 = arith.constant 192 : index
      %get3A_396 = tpu.vector_load %arg10[%get3A_394, %get3A_395] {strides = array<i32>} : memref<16x256xf32, #tpu.memory_space<vmem>>, vector<1x16xf32>,
      %get3A_397 = vector.shape_cast %get3A_396 : vector<1x16xf32> to vector<16xf32>
      %get3A_398 = arith.index_cast %select_n3A_340 : i32 to index
      %get3A_399 = arith.constant 208 : index
      %get3A_400 = tpu.vector_load %arg10[%get3A_398, %get3A_399] {strides = array<i32>} : memref<16x256xf32, #tpu.memory_space<vmem>>, vector<1x16xf32>,
      %get3A_401 = vector.shape_cast %get3A_400 : vector<1x16xf32> to vector<16xf32>
      %get3A_402 = arith.index_cast %select_n3A_340 : i32 to index
      %get3A_403 = arith.constant 224 : index
      %get3A_404 = tpu.vector_load %arg10[%get3A_402, %get3A_403] {strides = array<i32>} : memref<16x256xf32, #tpu.memory_space<vmem>>, vector<1x16xf32>,
      %get3A_405 = vector.shape_cast %get3A_404 : vector<1x16xf32> to vector<16xf32>
      %get3A_406 = arith.index_cast %select_n3A_340 : i32 to index
      %get3A_407 = arith.constant 240 : index
      %get3A_408 = tpu.vector_load %arg10[%get3A_406, %get3A_407] {strides = array<i32>} : memref<16x256xf32, #tpu.memory_space<vmem>>, vector<1x16xf32>,
      %get3A_409 = vector.shape_cast %get3A_408 : vector<1x16xf32> to vector<16xf32>
      %sub3A_410 = arith.subi %while3A_294, %while3A_293 : i32
      %sub3A_411 = arith.subi %min3A_326, %while3A_293 : i32
      %while3A_412 = arith.subi %sub3A_411, %sub3A_410 : i32
      %while3A_413 = arith.addi %sub3A_410, %while3A_412 : i32
      %while3A_414 = arith.constant 1 : i32
      %while3A_415 = arith.divsi %while3A_412, %while3A_414 : i32
      %while3A_416 = arith.muli %while3A_415, %while3A_414 : i32
      %while3A_417 = arith.addi %sub3A_410, %while3A_416 : i32
      %while3A_418 = arith.constant 1 : i32
      %while3A_419:16 = scf.for %while3A_480 = %sub3A_410 to %while3A_417 step %while3A_418 iter_args(%while3A_481 = %while3A_296, %while3A_482 = %while3A_297, %while3A_483 = %while3A_298, %while3A_484 = %while3A_299, %while3A_485 = %while3A_300, %while3A_486 = %while3A_301, %while3A_487 = %while3A_302, %while3A_488 = %while3A_303, %while3A_489 = %while3A_304, %while3A_490 = %while3A_305, %while3A_491 = %while3A_306, %while3A_492 = %while3A_307, %while3A_493 = %while3A_308, %while3A_494 = %while3A_309, %while3A_495 = %while3A_310, %while3A_496 = %while3A_311) -> (vector<16xf32>, vector<16xf32>, vector<16xf32>, vector<16xf32>, vector<16xf32>, vector<16xf32>, vector<16xf32>, vector<16xf32>, vector<16xf32>, vector<16xf32>, vector<16xf32>, vector<16xf32>, vector<16xf32>, vector<16xf32>, vector<16xf32>, vector<16xf32>)  : i32 {
        %get3A_497 = arith.index_cast %while3A_295 : i32 to index
        %get3A_498 = arith.index_cast %while3A_480 : i32 to index
        %get3A_499 = arith.constant 0 : index
        %get3A_500 = tpu.vector_load %arg9[%get3A_497, %get3A_498, %get3A_499] {strides = array<i32>} : memref<2x128x256xf32, #tpu.memory_space<vmem>>, vector<1x1x16xf32>,
        %get3A_501 = vector.shape_cast %get3A_500 : vector<1x1x16xf32> to vector<16xf32>
        %add3A_502 = arith.addf %get3A_501, %get3A_349 : vector<16xf32>
        %mul3A_503 = arith.mulf %add3A_502, %add3A_502 : vector<16xf32>
        %mul3A_504 = arith.constant -0.0713548139 : f32
        %mul3A_505 = vector.broadcast %mul3A_504 : f32 to vector<16xf32>
        %mul3A_506 = arith.mulf %mul3A_505, %mul3A_503 : vector<16xf32>
        %add3A_507 = arith.constant -1.59576917 : f32
        %add3A_508 = vector.broadcast %add3A_507 : f32 to vector<16xf32>
        %add3A_509 = arith.addf %add3A_508, %mul3A_506 : vector<16xf32>
        %mul3A_510 = arith.mulf %add3A_502, %add3A_509 : vector<16xf32>
        %exp3A = math.exp %mul3A_510 : vector<16xf32>
        %add3A_511 = arith.constant 1.000000e+00 : f32
        %add3A_512 = vector.broadcast %add3A_511 : f32 to vector<16xf32>
        %add3A_513 = arith.addf %add3A_512, %exp3A : vector<16xf32>
        %div3A_514 = arith.divf %add3A_502, %add3A_513 : vector<16xf32>
        %add3A_515 = arith.addf %while3A_481, %div3A_514 : vector<16xf32>
        %get3A_516 = arith.index_cast %while3A_295 : i32 to index
        %get3A_517 = arith.index_cast %while3A_480 : i32 to index
        %get3A_518 = arith.constant 16 : index
        %get3A_519 = tpu.vector_load %arg9[%get3A_516, %get3A_517, %get3A_518] {strides = array<i32>} : memref<2x128x256xf32, #tpu.memory_space<vmem>>, vector<1x1x16xf32>,
        %get3A_520 = vector.shape_cast %get3A_519 : vector<1x1x16xf32> to vector<16xf32>
        %add3A_521 = arith.addf %get3A_520, %get3A_353 : vector<16xf32>
        %mul3A_522 = arith.mulf %add3A_521, %add3A_521 : vector<16xf32>
        %mul3A_523 = arith.constant -0.0713548139 : f32
        %mul3A_524 = vector.broadcast %mul3A_523 : f32 to vector<16xf32>
        %mul3A_525 = arith.mulf %mul3A_524, %mul3A_522 : vector<16xf32>
        %add3A_526 = arith.constant -1.59576917 : f32
        %add3A_527 = vector.broadcast %add3A_526 : f32 to vector<16xf32>
        %add3A_528 = arith.addf %add3A_527, %mul3A_525 : vector<16xf32>
        %mul3A_529 = arith.mulf %add3A_521, %add3A_528 : vector<16xf32>
        %exp3A_530 = math.exp %mul3A_529 : vector<16xf32>
        %add3A_531 = arith.constant 1.000000e+00 : f32
        %add3A_532 = vector.broadcast %add3A_531 : f32 to vector<16xf32>
        %add3A_533 = arith.addf %add3A_532, %exp3A_530 : vector<16xf32>
        %div3A_534 = arith.divf %add3A_521, %add3A_533 : vector<16xf32>
        %add3A_535 = arith.addf %while3A_482, %div3A_534 : vector<16xf32>
        %get3A_536 = arith.index_cast %while3A_295 : i32 to index
        %get3A_537 = arith.index_cast %while3A_480 : i32 to index
        %get3A_538 = arith.constant 32 : index
        %get3A_539 = tpu.vector_load %arg9[%get3A_536, %get3A_537, %get3A_538] {strides = array<i32>} : memref<2x128x256xf32, #tpu.memory_space<vmem>>, vector<1x1x16xf32>,
        %get3A_540 = vector.shape_cast %get3A_539 : vector<1x1x16xf32> to vector<16xf32>
        %add3A_541 = arith.addf %get3A_540, %get3A_357 : vector<16xf32>
        %mul3A_542 = arith.mulf %add3A_541, %add3A_541 : vector<16xf32>
        %mul3A_543 = arith.constant -0.0713548139 : f32
        %mul3A_544 = vector.broadcast %mul3A_543 : f32 to vector<16xf32>
        %mul3A_545 = arith.mulf %mul3A_544, %mul3A_542 : vector<16xf32>
        %add3A_546 = arith.constant -1.59576917 : f32
        %add3A_547 = vector.broadcast %add3A_546 : f32 to vector<16xf32>
        %add3A_548 = arith.addf %add3A_547, %mul3A_545 : vector<16xf32>
        %mul3A_549 = arith.mulf %add3A_541, %add3A_548 : vector<16xf32>
        %exp3A_550 = math.exp %mul3A_549 : vector<16xf32>
        %add3A_551 = arith.constant 1.000000e+00 : f32
        %add3A_552 = vector.broadcast %add3A_551 : f32 to vector<16xf32>
        %add3A_553 = arith.addf %add3A_552, %exp3A_550 : vector<16xf32>
        %div3A_554 = arith.divf %add3A_541, %add3A_553 : vector<16xf32>
        %add3A_555 = arith.addf %while3A_483, %div3A_554 : vector<16xf32>
        %get3A_556 = arith.index_cast %while3A_295 : i32 to index
        %get3A_557 = arith.index_cast %while3A_480 : i32 to index
        %get3A_558 = arith.constant 48 : index
        %get3A_559 = tpu.vector_load %arg9[%get3A_556, %get3A_557, %get3A_558] {strides = array<i32>} : memref<2x128x256xf32, #tpu.memory_space<vmem>>, vector<1x1x16xf32>,
        %get3A_560 = vector.shape_cast %get3A_559 : vector<1x1x16xf32> to vector<16xf32>
        %add3A_561 = arith.addf %get3A_560, %get3A_361 : vector<16xf32>
        %mul3A_562 = arith.mulf %add3A_561, %add3A_561 : vector<16xf32>
        %mul3A_563 = arith.constant -0.0713548139 : f32
        %mul3A_564 = vector.broadcast %mul3A_563 : f32 to vector<16xf32>
        %mul3A_565 = arith.mulf %mul3A_564, %mul3A_562 : vector<16xf32>
        %add3A_566 = arith.constant -1.59576917 : f32
        %add3A_567 = vector.broadcast %add3A_566 : f32 to vector<16xf32>
        %add3A_568 = arith.addf %add3A_567, %mul3A_565 : vector<16xf32>
        %mul3A_569 = arith.mulf %add3A_561, %add3A_568 : vector<16xf32>
        %exp3A_570 = math.exp %mul3A_569 : vector<16xf32>
        %add3A_571 = arith.constant 1.000000e+00 : f32
        %add3A_572 = vector.broadcast %add3A_571 : f32 to vector<16xf32>
        %add3A_573 = arith.addf %add3A_572, %exp3A_570 : vector<16xf32>
        %div3A_574 = arith.divf %add3A_561, %add3A_573 : vector<16xf32>
        %add3A_575 = arith.addf %while3A_484, %div3A_574 : vector<16xf32>
        %get3A_576 = arith.index_cast %while3A_295 : i32 to index
        %get3A_577 = arith.index_cast %while3A_480 : i32 to index
        %get3A_578 = arith.constant 64 : index
        %get3A_579 = tpu.vector_load %arg9[%get3A_576, %get3A_577, %get3A_578] {strides = array<i32>} : memref<2x128x256xf32, #tpu.memory_space<vmem>>, vector<1x1x16xf32>,
        %get3A_580 = vector.shape_cast %get3A_579 : vector<1x1x16xf32> to vector<16xf32>
        %add3A_581 = arith.addf %get3A_580, %get3A_365 : vector<16xf32>
        %mul3A_582 = arith.mulf %add3A_581, %add3A_581 : vector<16xf32>
        %mul3A_583 = arith.constant -0.0713548139 : f32
        %mul3A_584 = vector.broadcast %mul3A_583 : f32 to vector<16xf32>
        %mul3A_585 = arith.mulf %mul3A_584, %mul3A_582 : vector<16xf32>
        %add3A_586 = arith.constant -1.59576917 : f32
        %add3A_587 = vector.broadcast %add3A_586 : f32 to vector<16xf32>
        %add3A_588 = arith.addf %add3A_587, %mul3A_585 : vector<16xf32>
        %mul3A_589 = arith.mulf %add3A_581, %add3A_588 : vector<16xf32>
        %exp3A_590 = math.exp %mul3A_589 : vector<16xf32>
        %add3A_591 = arith.constant 1.000000e+00 : f32
        %add3A_592 = vector.broadcast %add3A_591 : f32 to vector<16xf32>
        %add3A_593 = arith.addf %add3A_592, %exp3A_590 : vector<16xf32>
        %div3A_594 = arith.divf %add3A_581, %add3A_593 : vector<16xf32>
        %add3A_595 = arith.addf %while3A_485, %div3A_594 : vector<16xf32>
        %get3A_596 = arith.index_cast %while3A_295 : i32 to index
        %get3A_597 = arith.index_cast %while3A_480 : i32 to index
        %get3A_598 = arith.constant 80 : index
        %get3A_599 = tpu.vector_load %arg9[%get3A_596, %get3A_597, %get3A_598] {strides = array<i32>} : memref<2x128x256xf32, #tpu.memory_space<vmem>>, vector<1x1x16xf32>,
        %get3A_600 = vector.shape_cast %get3A_599 : vector<1x1x16xf32> to vector<16xf32>
        %add3A_601 = arith.addf %get3A_600, %get3A_369 : vector<16xf32>
        %mul3A_602 = arith.mulf %add3A_601, %add3A_601 : vector<16xf32>
        %mul3A_603 = arith.constant -0.0713548139 : f32
        %mul3A_604 = vector.broadcast %mul3A_603 : f32 to vector<16xf32>
        %mul3A_605 = arith.mulf %mul3A_604, %mul3A_602 : vector<16xf32>
        %add3A_606 = arith.constant -1.59576917 : f32
        %add3A_607 = vector.broadcast %add3A_606 : f32 to vector<16xf32>
        %add3A_608 = arith.addf %add3A_607, %mul3A_605 : vector<16xf32>
        %mul3A_609 = arith.mulf %add3A_601, %add3A_608 : vector<16xf32>
        %exp3A_610 = math.exp %mul3A_609 : vector<16xf32>
        %add3A_611 = arith.constant 1.000000e+00 : f32
        %add3A_612 = vector.broadcast %add3A_611 : f32 to vector<16xf32>
        %add3A_613 = arith.addf %add3A_612, %exp3A_610 : vector<16xf32>
        %div3A_614 = arith.divf %add3A_601, %add3A_613 : vector<16xf32>
        %add3A_615 = arith.addf %while3A_486, %div3A_614 : vector<16xf32>
        %get3A_616 = arith.index_cast %while3A_295 : i32 to index
        %get3A_617 = arith.index_cast %while3A_480 : i32 to index
        %get3A_618 = arith.constant 96 : index
        %get3A_619 = tpu.vector_load %arg9[%get3A_616, %get3A_617, %get3A_618] {strides = array<i32>} : memref<2x128x256xf32, #tpu.memory_space<vmem>>, vector<1x1x16xf32>,
        %get3A_620 = vector.shape_cast %get3A_619 : vector<1x1x16xf32> to vector<16xf32>
        %add3A_621 = arith.addf %get3A_620, %get3A_373 : vector<16xf32>
        %mul3A_622 = arith.mulf %add3A_621, %add3A_621 : vector<16xf32>
        %mul3A_623 = arith.constant -0.0713548139 : f32
        %mul3A_624 = vector.broadcast %mul3A_623 : f32 to vector<16xf32>
        %mul3A_625 = arith.mulf %mul3A_624, %mul3A_622 : vector<16xf32>
        %add3A_626 = arith.constant -1.59576917 : f32
        %add3A_627 = vector.broadcast %add3A_626 : f32 to vector<16xf32>
        %add3A_628 = arith.addf %add3A_627, %mul3A_625 : vector<16xf32>
        %mul3A_629 = arith.mulf %add3A_621, %add3A_628 : vector<16xf32>
        %exp3A_630 = math.exp %mul3A_629 : vector<16xf32>
        %add3A_631 = arith.constant 1.000000e+00 : f32
        %add3A_632 = vector.broadcast %add3A_631 : f32 to vector<16xf32>
        %add3A_633 = arith.addf %add3A_632, %exp3A_630 : vector<16xf32>
        %div3A_634 = arith.divf %add3A_621, %add3A_633 : vector<16xf32>
        %add3A_635 = arith.addf %while3A_487, %div3A_634 : vector<16xf32>
        %get3A_636 = arith.index_cast %while3A_295 : i32 to index
        %get3A_637 = arith.index_cast %while3A_480 : i32 to index
        %get3A_638 = arith.constant 112 : index
        %get3A_639 = tpu.vector_load %arg9[%get3A_636, %get3A_637, %get3A_638] {strides = array<i32>} : memref<2x128x256xf32, #tpu.memory_space<vmem>>, vector<1x1x16xf32>,
        %get3A_640 = vector.shape_cast %get3A_639 : vector<1x1x16xf32> to vector<16xf32>
        %add3A_641 = arith.addf %get3A_640, %get3A_377 : vector<16xf32>
        %mul3A_642 = arith.mulf %add3A_641, %add3A_641 : vector<16xf32>
        %mul3A_643 = arith.constant -0.0713548139 : f32
        %mul3A_644 = vector.broadcast %mul3A_643 : f32 to vector<16xf32>
        %mul3A_645 = arith.mulf %mul3A_644, %mul3A_642 : vector<16xf32>
        %add3A_646 = arith.constant -1.59576917 : f32
        %add3A_647 = vector.broadcast %add3A_646 : f32 to vector<16xf32>
        %add3A_648 = arith.addf %add3A_647, %mul3A_645 : vector<16xf32>
        %mul3A_649 = arith.mulf %add3A_641, %add3A_648 : vector<16xf32>
        %exp3A_650 = math.exp %mul3A_649 : vector<16xf32>
        %add3A_651 = arith.constant 1.000000e+00 : f32
        %add3A_652 = vector.broadcast %add3A_651 : f32 to vector<16xf32>
        %add3A_653 = arith.addf %add3A_652, %exp3A_650 : vector<16xf32>
        %div3A_654 = arith.divf %add3A_641, %add3A_653 : vector<16xf32>
        %add3A_655 = arith.addf %while3A_488, %div3A_654 : vector<16xf32>
        %get3A_656 = arith.index_cast %while3A_295 : i32 to index
        %get3A_657 = arith.index_cast %while3A_480 : i32 to index
        %get3A_658 = arith.constant 128 : index
        %get3A_659 = tpu.vector_load %arg9[%get3A_656, %get3A_657, %get3A_658] {strides = array<i32>} : memref<2x128x256xf32, #tpu.memory_space<vmem>>, vector<1x1x16xf32>,
        %get3A_660 = vector.shape_cast %get3A_659 : vector<1x1x16xf32> to vector<16xf32>
        %add3A_661 = arith.addf %get3A_660, %get3A_381 : vector<16xf32>
        %mul3A_662 = arith.mulf %add3A_661, %add3A_661 : vector<16xf32>
        %mul3A_663 = arith.constant -0.0713548139 : f32
        %mul3A_664 = vector.broadcast %mul3A_663 : f32 to vector<16xf32>
        %mul3A_665 = arith.mulf %mul3A_664, %mul3A_662 : vector<16xf32>
        %add3A_666 = arith.constant -1.59576917 : f32
        %add3A_667 = vector.broadcast %add3A_666 : f32 to vector<16xf32>
        %add3A_668 = arith.addf %add3A_667, %mul3A_665 : vector<16xf32>
        %mul3A_669 = arith.mulf %add3A_661, %add3A_668 : vector<16xf32>
        %exp3A_670 = math.exp %mul3A_669 : vector<16xf32>
        %add3A_671 = arith.constant 1.000000e+00 : f32
        %add3A_672 = vector.broadcast %add3A_671 : f32 to vector<16xf32>
        %add3A_673 = arith.addf %add3A_672, %exp3A_670 : vector<16xf32>
        %div3A_674 = arith.divf %add3A_661, %add3A_673 : vector<16xf32>
        %add3A_675 = arith.addf %while3A_489, %div3A_674 : vector<16xf32>
        %get3A_676 = arith.index_cast %while3A_295 : i32 to index
        %get3A_677 = arith.index_cast %while3A_480 : i32 to index
        %get3A_678 = arith.constant 144 : index
        %get3A_679 = tpu.vector_load %arg9[%get3A_676, %get3A_677, %get3A_678] {strides = array<i32>} : memref<2x128x256xf32, #tpu.memory_space<vmem>>, vector<1x1x16xf32>,
        %get3A_680 = vector.shape_cast %get3A_679 : vector<1x1x16xf32> to vector<16xf32>
        %add3A_681 = arith.addf %get3A_680, %get3A_385 : vector<16xf32>
        %mul3A_682 = arith.mulf %add3A_681, %add3A_681 : vector<16xf32>
        %mul3A_683 = arith.constant -0.0713548139 : f32
        %mul3A_684 = vector.broadcast %mul3A_683 : f32 to vector<16xf32>
        %mul3A_685 = arith.mulf %mul3A_684, %mul3A_682 : vector<16xf32>
        %add3A_686 = arith.constant -1.59576917 : f32
        %add3A_687 = vector.broadcast %add3A_686 : f32 to vector<16xf32>
        %add3A_688 = arith.addf %add3A_687, %mul3A_685 : vector<16xf32>
        %mul3A_689 = arith.mulf %add3A_681, %add3A_688 : vector<16xf32>
        %exp3A_690 = math.exp %mul3A_689 : vector<16xf32>
        %add3A_691 = arith.constant 1.000000e+00 : f32
        %add3A_692 = vector.broadcast %add3A_691 : f32 to vector<16xf32>
        %add3A_693 = arith.addf %add3A_692, %exp3A_690 : vector<16xf32>
        %div3A_694 = arith.divf %add3A_681, %add3A_693 : vector<16xf32>
        %add3A_695 = arith.addf %while3A_490, %div3A_694 : vector<16xf32>
        %get3A_696 = arith.index_cast %while3A_295 : i32 to index
        %get3A_697 = arith.index_cast %while3A_480 : i32 to index
        %get3A_698 = arith.constant 160 : index
        %get3A_699 = tpu.vector_load %arg9[%get3A_696, %get3A_697, %get3A_698] {strides = array<i32>} : memref<2x128x256xf32, #tpu.memory_space<vmem>>, vector<1x1x16xf32>,
        %get3A_700 = vector.shape_cast %get3A_699 : vector<1x1x16xf32> to vector<16xf32>
        %add3A_701 = arith.addf %get3A_700, %get3A_389 : vector<16xf32>
        %mul3A_702 = arith.mulf %add3A_701, %add3A_701 : vector<16xf32>
        %mul3A_703 = arith.constant -0.0713548139 : f32
        %mul3A_704 = vector.broadcast %mul3A_703 : f32 to vector<16xf32>
        %mul3A_705 = arith.mulf %mul3A_704, %mul3A_702 : vector<16xf32>
        %add3A_706 = arith.constant -1.59576917 : f32
        %add3A_707 = vector.broadcast %add3A_706 : f32 to vector<16xf32>
        %add3A_708 = arith.addf %add3A_707, %mul3A_705 : vector<16xf32>
        %mul3A_709 = arith.mulf %add3A_701, %add3A_708 : vector<16xf32>
        %exp3A_710 = math.exp %mul3A_709 : vector<16xf32>
        %add3A_711 = arith.constant 1.000000e+00 : f32
        %add3A_712 = vector.broadcast %add3A_711 : f32 to vector<16xf32>
        %add3A_713 = arith.addf %add3A_712, %exp3A_710 : vector<16xf32>
        %div3A_714 = arith.divf %add3A_701, %add3A_713 : vector<16xf32>
        %add3A_715 = arith.addf %while3A_491, %div3A_714 : vector<16xf32>
        %get3A_716 = arith.index_cast %while3A_295 : i32 to index
        %get3A_717 = arith.index_cast %while3A_480 : i32 to index
        %get3A_718 = arith.constant 176 : index
        %get3A_719 = tpu.vector_load %arg9[%get3A_716, %get3A_717, %get3A_718] {strides = array<i32>} : memref<2x128x256xf32, #tpu.memory_space<vmem>>, vector<1x1x16xf32>,
        %get3A_720 = vector.shape_cast %get3A_719 : vector<1x1x16xf32> to vector<16xf32>
        %add3A_721 = arith.addf %get3A_720, %get3A_393 : vector<16xf32>
        %mul3A_722 = arith.mulf %add3A_721, %add3A_721 : vector<16xf32>
        %mul3A_723 = arith.constant -0.0713548139 : f32
        %mul3A_724 = vector.broadcast %mul3A_723 : f32 to vector<16xf32>
        %mul3A_725 = arith.mulf %mul3A_724, %mul3A_722 : vector<16xf32>
        %add3A_726 = arith.constant -1.59576917 : f32
        %add3A_727 = vector.broadcast %add3A_726 : f32 to vector<16xf32>
        %add3A_728 = arith.addf %add3A_727, %mul3A_725 : vector<16xf32>
        %mul3A_729 = arith.mulf %add3A_721, %add3A_728 : vector<16xf32>
        %exp3A_730 = math.exp %mul3A_729 : vector<16xf32>
        %add3A_731 = arith.constant 1.000000e+00 : f32
        %add3A_732 = vector.broadcast %add3A_731 : f32 to vector<16xf32>
        %add3A_733 = arith.addf %add3A_732, %exp3A_730 : vector<16xf32>
        %div3A_734 = arith.divf %add3A_721, %add3A_733 : vector<16xf32>
        %add3A_735 = arith.addf %while3A_492, %div3A_734 : vector<16xf32>
        %get3A_736 = arith.index_cast %while3A_295 : i32 to index
        %get3A_737 = arith.index_cast %while3A_480 : i32 to index
        %get3A_738 = arith.constant 192 : index
        %get3A_739 = tpu.vector_load %arg9[%get3A_736, %get3A_737, %get3A_738] {strides = array<i32>} : memref<2x128x256xf32, #tpu.memory_space<vmem>>, vector<1x1x16xf32>,
        %get3A_740 = vector.shape_cast %get3A_739 : vector<1x1x16xf32> to vector<16xf32>
        %add3A_741 = arith.addf %get3A_740, %get3A_397 : vector<16xf32>
        %mul3A_742 = arith.mulf %add3A_741, %add3A_741 : vector<16xf32>
        %mul3A_743 = arith.constant -0.0713548139 : f32
        %mul3A_744 = vector.broadcast %mul3A_743 : f32 to vector<16xf32>
        %mul3A_745 = arith.mulf %mul3A_744, %mul3A_742 : vector<16xf32>
        %add3A_746 = arith.constant -1.59576917 : f32
        %add3A_747 = vector.broadcast %add3A_746 : f32 to vector<16xf32>
        %add3A_748 = arith.addf %add3A_747, %mul3A_745 : vector<16xf32>
        %mul3A_749 = arith.mulf %add3A_741, %add3A_748 : vector<16xf32>
        %exp3A_750 = math.exp %mul3A_749 : vector<16xf32>
        %add3A_751 = arith.constant 1.000000e+00 : f32
        %add3A_752 = vector.broadcast %add3A_751 : f32 to vector<16xf32>
        %add3A_753 = arith.addf %add3A_752, %exp3A_750 : vector<16xf32>
        %div3A_754 = arith.divf %add3A_741, %add3A_753 : vector<16xf32>
        %add3A_755 = arith.addf %while3A_493, %div3A_754 : vector<16xf32>
        %get3A_756 = arith.index_cast %while3A_295 : i32 to index
        %get3A_757 = arith.index_cast %while3A_480 : i32 to index
        %get3A_758 = arith.constant 208 : index
        %get3A_759 = tpu.vector_load %arg9[%get3A_756, %get3A_757, %get3A_758] {strides = array<i32>} : memref<2x128x256xf32, #tpu.memory_space<vmem>>, vector<1x1x16xf32>,
        %get3A_760 = vector.shape_cast %get3A_759 : vector<1x1x16xf32> to vector<16xf32>
        %add3A_761 = arith.addf %get3A_760, %get3A_401 : vector<16xf32>
        %mul3A_762 = arith.mulf %add3A_761, %add3A_761 : vector<16xf32>
        %mul3A_763 = arith.constant -0.0713548139 : f32
        %mul3A_764 = vector.broadcast %mul3A_763 : f32 to vector<16xf32>
        %mul3A_765 = arith.mulf %mul3A_764, %mul3A_762 : vector<16xf32>
        %add3A_766 = arith.constant -1.59576917 : f32
        %add3A_767 = vector.broadcast %add3A_766 : f32 to vector<16xf32>
        %add3A_768 = arith.addf %add3A_767, %mul3A_765 : vector<16xf32>
        %mul3A_769 = arith.mulf %add3A_761, %add3A_768 : vector<16xf32>
        %exp3A_770 = math.exp %mul3A_769 : vector<16xf32>
        %add3A_771 = arith.constant 1.000000e+00 : f32
        %add3A_772 = vector.broadcast %add3A_771 : f32 to vector<16xf32>
        %add3A_773 = arith.addf %add3A_772, %exp3A_770 : vector<16xf32>
        %div3A_774 = arith.divf %add3A_761, %add3A_773 : vector<16xf32>
        %add3A_775 = arith.addf %while3A_494, %div3A_774 : vector<16xf32>
        %get3A_776 = arith.index_cast %while3A_295 : i32 to index
        %get3A_777 = arith.index_cast %while3A_480 : i32 to index
        %get3A_778 = arith.constant 224 : index
        %get3A_779 = tpu.vector_load %arg9[%get3A_776, %get3A_777, %get3A_778] {strides = array<i32>} : memref<2x128x256xf32, #tpu.memory_space<vmem>>, vector<1x1x16xf32>,
        %get3A_780 = vector.shape_cast %get3A_779 : vector<1x1x16xf32> to vector<16xf32>
        %add3A_781 = arith.addf %get3A_780, %get3A_405 : vector<16xf32>
        %mul3A_782 = arith.mulf %add3A_781, %add3A_781 : vector<16xf32>
        %mul3A_783 = arith.constant -0.0713548139 : f32
        %mul3A_784 = vector.broadcast %mul3A_783 : f32 to vector<16xf32>
        %mul3A_785 = arith.mulf %mul3A_784, %mul3A_782 : vector<16xf32>
        %add3A_786 = arith.constant -1.59576917 : f32
        %add3A_787 = vector.broadcast %add3A_786 : f32 to vector<16xf32>
        %add3A_788 = arith.addf %add3A_787, %mul3A_785 : vector<16xf32>
        %mul3A_789 = arith.mulf %add3A_781, %add3A_788 : vector<16xf32>
        %exp3A_790 = math.exp %mul3A_789 : vector<16xf32>
        %add3A_791 = arith.constant 1.000000e+00 : f32
        %add3A_792 = vector.broadcast %add3A_791 : f32 to vector<16xf32>
        %add3A_793 = arith.addf %add3A_792, %exp3A_790 : vector<16xf32>
        %div3A_794 = arith.divf %add3A_781, %add3A_793 : vector<16xf32>
        %add3A_795 = arith.addf %while3A_495, %div3A_794 : vector<16xf32>
        %get3A_796 = arith.index_cast %while3A_295 : i32 to index
        %get3A_797 = arith.index_cast %while3A_480 : i32 to index
        %get3A_798 = arith.constant 240 : index
        %get3A_799 = tpu.vector_load %arg9[%get3A_796, %get3A_797, %get3A_798] {strides = array<i32>} : memref<2x128x256xf32, #tpu.memory_space<vmem>>, vector<1x1x16xf32>,
        %get3A_800 = vector.shape_cast %get3A_799 : vector<1x1x16xf32> to vector<16xf32>
        %add3A_801 = arith.addf %get3A_800, %get3A_409 : vector<16xf32>
        %mul3A_802 = arith.mulf %add3A_801, %add3A_801 : vector<16xf32>
        %mul3A_803 = arith.constant -0.0713548139 : f32
        %mul3A_804 = vector.broadcast %mul3A_803 : f32 to vector<16xf32>
        %mul3A_805 = arith.mulf %mul3A_804, %mul3A_802 : vector<16xf32>
        %add3A_806 = arith.constant -1.59576917 : f32
        %add3A_807 = vector.broadcast %add3A_806 : f32 to vector<16xf32>
        %add3A_808 = arith.addf %add3A_807, %mul3A_805 : vector<16xf32>
        %mul3A_809 = arith.mulf %add3A_801, %add3A_808 : vector<16xf32>
        %exp3A_810 = math.exp %mul3A_809 : vector<16xf32>
        %add3A_811 = arith.constant 1.000000e+00 : f32
        %add3A_812 = vector.broadcast %add3A_811 : f32 to vector<16xf32>
        %add3A_813 = arith.addf %add3A_812, %exp3A_810 : vector<16xf32>
        %div3A_814 = arith.divf %add3A_801, %add3A_813 : vector<16xf32>
        %add3A_815 = arith.addf %while3A_496, %div3A_814 : vector<16xf32>
        scf.yield %add3A_515, %add3A_535, %add3A_555, %add3A_575, %add3A_595, %add3A_615, %add3A_635, %add3A_655, %add3A_675, %add3A_695, %add3A_715, %add3A_735, %add3A_755, %add3A_775, %add3A_795, %add3A_815 : vector<16xf32>, vector<16xf32>, vector<16xf32>, vector<16xf32>, vector<16xf32>, vector<16xf32>, vector<16xf32>, vector<16xf32>, vector<16xf32>, vector<16xf32>, vector<16xf32>, vector<16xf32>, vector<16xf32>, vector<16xf32>, vector<16xf32>, vector<16xf32>
      }
      %while3A_420 = arith.constant 1 : i32
      %while3A_421:16 = scf.for %while3A_480 = %while3A_417 to %while3A_413 step %while3A_420 iter_args(%while3A_481 = %while3A_419#0, %while3A_482 = %while3A_419#1, %while3A_483 = %while3A_419#2, %while3A_484 = %while3A_419#3, %while3A_485 = %while3A_419#4, %while3A_486 = %while3A_419#5, %while3A_487 = %while3A_419#6, %while3A_488 = %while3A_419#7, %while3A_489 = %while3A_419#8, %while3A_490 = %while3A_419#9, %while3A_491 = %while3A_419#10, %while3A_492 = %while3A_419#11, %while3A_493 = %while3A_419#12, %while3A_494 = %while3A_419#13, %while3A_495 = %while3A_419#14, %while3A_496 = %while3A_419#15) -> (vector<16xf32>, vector<16xf32>, vector<16xf32>, vector<16xf32>, vector<16xf32>, vector<16xf32>, vector<16xf32>, vector<16xf32>, vector<16xf32>, vector<16xf32>, vector<16xf32>, vector<16xf32>, vector<16xf32>, vector<16xf32>, vector<16xf32>, vector<16xf32>)  : i32 {
        %get3A_497 = arith.index_cast %while3A_295 : i32 to index
        %get3A_498 = arith.index_cast %while3A_480 : i32 to index
        %get3A_499 = arith.constant 0 : index
        %get3A_500 = tpu.vector_load %arg9[%get3A_497, %get3A_498, %get3A_499] {strides = array<i32>} : memref<2x128x256xf32, #tpu.memory_space<vmem>>, vector<1x1x16xf32>,
        %get3A_501 = vector.shape_cast %get3A_500 : vector<1x1x16xf32> to vector<16xf32>
        %add3A_502 = arith.addf %get3A_501, %get3A_349 : vector<16xf32>
        %mul3A_503 = arith.mulf %add3A_502, %add3A_502 : vector<16xf32>
        %mul3A_504 = arith.constant -0.0713548139 : f32
        %mul3A_505 = vector.broadcast %mul3A_504 : f32 to vector<16xf32>
        %mul3A_506 = arith.mulf %mul3A_505, %mul3A_503 : vector<16xf32>
        %add3A_507 = arith.constant -1.59576917 : f32
        %add3A_508 = vector.broadcast %add3A_507 : f32 to vector<16xf32>
        %add3A_509 = arith.addf %add3A_508, %mul3A_506 : vector<16xf32>
        %mul3A_510 = arith.mulf %add3A_502, %add3A_509 : vector<16xf32>
        %exp3A = math.exp %mul3A_510 : vector<16xf32>
        %add3A_511 = arith.constant 1.000000e+00 : f32
        %add3A_512 = vector.broadcast %add3A_511 : f32 to vector<16xf32>
        %add3A_513 = arith.addf %add3A_512, %exp3A : vector<16xf32>
        %div3A_514 = arith.divf %add3A_502, %add3A_513 : vector<16xf32>
        %add3A_515 = arith.addf %while3A_481, %div3A_514 : vector<16xf32>
        %get3A_516 = arith.index_cast %while3A_295 : i32 to index
        %get3A_517 = arith.index_cast %while3A_480 : i32 to index
        %get3A_518 = arith.constant 16 : index
        %get3A_519 = tpu.vector_load %arg9[%get3A_516, %get3A_517, %get3A_518] {strides = array<i32>} : memref<2x128x256xf32, #tpu.memory_space<vmem>>, vector<1x1x16xf32>,
        %get3A_520 = vector.shape_cast %get3A_519 : vector<1x1x16xf32> to vector<16xf32>
        %add3A_521 = arith.addf %get3A_520, %get3A_353 : vector<16xf32>
        %mul3A_522 = arith.mulf %add3A_521, %add3A_521 : vector<16xf32>
        %mul3A_523 = arith.constant -0.0713548139 : f32
        %mul3A_524 = vector.broadcast %mul3A_523 : f32 to vector<16xf32>
        %mul3A_525 = arith.mulf %mul3A_524, %mul3A_522 : vector<16xf32>
        %add3A_526 = arith.constant -1.59576917 : f32
        %add3A_527 = vector.broadcast %add3A_526 : f32 to vector<16xf32>
        %add3A_528 = arith.addf %add3A_527, %mul3A_525 : vector<16xf32>
        %mul3A_529 = arith.mulf %add3A_521, %add3A_528 : vector<16xf32>
        %exp3A_530 = math.exp %mul3A_529 : vector<16xf32>
        %add3A_531 = arith.constant 1.000000e+00 : f32
        %add3A_532 = vector.broadcast %add3A_531 : f32 to vector<16xf32>
        %add3A_533 = arith.addf %add3A_532, %exp3A_530 : vector<16xf32>
        %div3A_534 = arith.divf %add3A_521, %add3A_533 : vector<16xf32>
        %add3A_535 = arith.addf %while3A_482, %div3A_534 : vector<16xf32>
        %get3A_536 = arith.index_cast %while3A_295 : i32 to index
        %get3A_537 = arith.index_cast %while3A_480 : i32 to index
        %get3A_538 = arith.constant 32 : index
        %get3A_539 = tpu.vector_load %arg9[%get3A_536, %get3A_537, %get3A_538] {strides = array<i32>} : memref<2x128x256xf32, #tpu.memory_space<vmem>>, vector<1x1x16xf32>,
        %get3A_540 = vector.shape_cast %get3A_539 : vector<1x1x16xf32> to vector<16xf32>
        %add3A_541 = arith.addf %get3A_540, %get3A_357 : vector<16xf32>
        %mul3A_542 = arith.mulf %add3A_541, %add3A_541 : vector<16xf32>
        %mul3A_543 = arith.constant -0.0713548139 : f32
        %mul3A_544 = vector.broadcast %mul3A_543 : f32 to vector<16xf32>
        %mul3A_545 = arith.mulf %mul3A_544, %mul3A_542 : vector<16xf32>
        %add3A_546 = arith.constant -1.59576917 : f32
        %add3A_547 = vector.broadcast %add3A_546 : f32 to vector<16xf32>
        %add3A_548 = arith.addf %add3A_547, %mul3A_545 : vector<16xf32>
        %mul3A_549 = arith.mulf %add3A_541, %add3A_548 : vector<16xf32>
        %exp3A_550 = math.exp %mul3A_549 : vector<16xf32>
        %add3A_551 = arith.constant 1.000000e+00 : f32
        %add3A_552 = vector.broadcast %add3A_551 : f32 to vector<16xf32>
        %add3A_553 = arith.addf %add3A_552, %exp3A_550 : vector<16xf32>
        %div3A_554 = arith.divf %add3A_541, %add3A_553 : vector<16xf32>
        %add3A_555 = arith.addf %while3A_483, %div3A_554 : vector<16xf32>
        %get3A_556 = arith.index_cast %while3A_295 : i32 to index
        %get3A_557 = arith.index_cast %while3A_480 : i32 to index
        %get3A_558 = arith.constant 48 : index
        %get3A_559 = tpu.vector_load %arg9[%get3A_556, %get3A_557, %get3A_558] {strides = array<i32>} : memref<2x128x256xf32, #tpu.memory_space<vmem>>, vector<1x1x16xf32>,
        %get3A_560 = vector.shape_cast %get3A_559 : vector<1x1x16xf32> to vector<16xf32>
        %add3A_561 = arith.addf %get3A_560, %get3A_361 : vector<16xf32>
        %mul3A_562 = arith.mulf %add3A_561, %add3A_561 : vector<16xf32>
        %mul3A_563 = arith.constant -0.0713548139 : f32
        %mul3A_564 = vector.broadcast %mul3A_563 : f32 to vector<16xf32>
        %mul3A_565 = arith.mulf %mul3A_564, %mul3A_562 : vector<16xf32>
        %add3A_566 = arith.constant -1.59576917 : f32
        %add3A_567 = vector.broadcast %add3A_566 : f32 to vector<16xf32>
        %add3A_568 = arith.addf %add3A_567, %mul3A_565 : vector<16xf32>
        %mul3A_569 = arith.mulf %add3A_561, %add3A_568 : vector<16xf32>
        %exp3A_570 = math.exp %mul3A_569 : vector<16xf32>
        %add3A_571 = arith.constant 1.000000e+00 : f32
        %add3A_572 = vector.broadcast %add3A_571 : f32 to vector<16xf32>
        %add3A_573 = arith.addf %add3A_572, %exp3A_570 : vector<16xf32>
        %div3A_574 = arith.divf %add3A_561, %add3A_573 : vector<16xf32>
        %add3A_575 = arith.addf %while3A_484, %div3A_574 : vector<16xf32>
        %get3A_576 = arith.index_cast %while3A_295 : i32 to index
        %get3A_577 = arith.index_cast %while3A_480 : i32 to index
        %get3A_578 = arith.constant 64 : index
        %get3A_579 = tpu.vector_load %arg9[%get3A_576, %get3A_577, %get3A_578] {strides = array<i32>} : memref<2x128x256xf32, #tpu.memory_space<vmem>>, vector<1x1x16xf32>,
        %get3A_580 = vector.shape_cast %get3A_579 : vector<1x1x16xf32> to vector<16xf32>
        %add3A_581 = arith.addf %get3A_580, %get3A_365 : vector<16xf32>
        %mul3A_582 = arith.mulf %add3A_581, %add3A_581 : vector<16xf32>
        %mul3A_583 = arith.constant -0.0713548139 : f32
        %mul3A_584 = vector.broadcast %mul3A_583 : f32 to vector<16xf32>
        %mul3A_585 = arith.mulf %mul3A_584, %mul3A_582 : vector<16xf32>
        %add3A_586 = arith.constant -1.59576917 : f32
        %add3A_587 = vector.broadcast %add3A_586 : f32 to vector<16xf32>
        %add3A_588 = arith.addf %add3A_587, %mul3A_585 : vector<16xf32>
        %mul3A_589 = arith.mulf %add3A_581, %add3A_588 : vector<16xf32>
        %exp3A_590 = math.exp %mul3A_589 : vector<16xf32>
        %add3A_591 = arith.constant 1.000000e+00 : f32
        %add3A_592 = vector.broadcast %add3A_591 : f32 to vector<16xf32>
        %add3A_593 = arith.addf %add3A_592, %exp3A_590 : vector<16xf32>
        %div3A_594 = arith.divf %add3A_581, %add3A_593 : vector<16xf32>
        %add3A_595 = arith.addf %while3A_485, %div3A_594 : vector<16xf32>
        %get3A_596 = arith.index_cast %while3A_295 : i32 to index
        %get3A_597 = arith.index_cast %while3A_480 : i32 to index
        %get3A_598 = arith.constant 80 : index
        %get3A_599 = tpu.vector_load %arg9[%get3A_596, %get3A_597, %get3A_598] {strides = array<i32>} : memref<2x128x256xf32, #tpu.memory_space<vmem>>, vector<1x1x16xf32>,
        %get3A_600 = vector.shape_cast %get3A_599 : vector<1x1x16xf32> to vector<16xf32>
        %add3A_601 = arith.addf %get3A_600, %get3A_369 : vector<16xf32>
        %mul3A_602 = arith.mulf %add3A_601, %add3A_601 : vector<16xf32>
        %mul3A_603 = arith.constant -0.0713548139 : f32
        %mul3A_604 = vector.broadcast %mul3A_603 : f32 to vector<16xf32>
        %mul3A_605 = arith.mulf %mul3A_604, %mul3A_602 : vector<16xf32>
        %add3A_606 = arith.constant -1.59576917 : f32
        %add3A_607 = vector.broadcast %add3A_606 : f32 to vector<16xf32>
        %add3A_608 = arith.addf %add3A_607, %mul3A_605 : vector<16xf32>
        %mul3A_609 = arith.mulf %add3A_601, %add3A_608 : vector<16xf32>
        %exp3A_610 = math.exp %mul3A_609 : vector<16xf32>
        %add3A_611 = arith.constant 1.000000e+00 : f32
        %add3A_612 = vector.broadcast %add3A_611 : f32 to vector<16xf32>
        %add3A_613 = arith.addf %add3A_612, %exp3A_610 : vector<16xf32>
        %div3A_614 = arith.divf %add3A_601, %add3A_613 : vector<16xf32>
        %add3A_615 = arith.addf %while3A_486, %div3A_614 : vector<16xf32>
        %get3A_616 = arith.index_cast %while3A_295 : i32 to index
        %get3A_617 = arith.index_cast %while3A_480 : i32 to index
        %get3A_618 = arith.constant 96 : index
        %get3A_619 = tpu.vector_load %arg9[%get3A_616, %get3A_617, %get3A_618] {strides = array<i32>} : memref<2x128x256xf32, #tpu.memory_space<vmem>>, vector<1x1x16xf32>,
        %get3A_620 = vector.shape_cast %get3A_619 : vector<1x1x16xf32> to vector<16xf32>
        %add3A_621 = arith.addf %get3A_620, %get3A_373 : vector<16xf32>
        %mul3A_622 = arith.mulf %add3A_621, %add3A_621 : vector<16xf32>
        %mul3A_623 = arith.constant -0.0713548139 : f32
        %mul3A_624 = vector.broadcast %mul3A_623 : f32 to vector<16xf32>
        %mul3A_625 = arith.mulf %mul3A_624, %mul3A_622 : vector<16xf32>
        %add3A_626 = arith.constant -1.59576917 : f32
        %add3A_627 = vector.broadcast %add3A_626 : f32 to vector<16xf32>
        %add3A_628 = arith.addf %add3A_627, %mul3A_625 : vector<16xf32>
        %mul3A_629 = arith.mulf %add3A_621, %add3A_628 : vector<16xf32>
        %exp3A_630 = math.exp %mul3A_629 : vector<16xf32>
        %add3A_631 = arith.constant 1.000000e+00 : f32
        %add3A_632 = vector.broadcast %add3A_631 : f32 to vector<16xf32>
        %add3A_633 = arith.addf %add3A_632, %exp3A_630 : vector<16xf32>
        %div3A_634 = arith.divf %add3A_621, %add3A_633 : vector<16xf32>
        %add3A_635 = arith.addf %while3A_487, %div3A_634 : vector<16xf32>
        %get3A_636 = arith.index_cast %while3A_295 : i32 to index
        %get3A_637 = arith.index_cast %while3A_480 : i32 to index
        %get3A_638 = arith.constant 112 : index
        %get3A_639 = tpu.vector_load %arg9[%get3A_636, %get3A_637, %get3A_638] {strides = array<i32>} : memref<2x128x256xf32, #tpu.memory_space<vmem>>, vector<1x1x16xf32>,
        %get3A_640 = vector.shape_cast %get3A_639 : vector<1x1x16xf32> to vector<16xf32>
        %add3A_641 = arith.addf %get3A_640, %get3A_377 : vector<16xf32>
        %mul3A_642 = arith.mulf %add3A_641, %add3A_641 : vector<16xf32>
        %mul3A_643 = arith.constant -0.0713548139 : f32
        %mul3A_644 = vector.broadcast %mul3A_643 : f32 to vector<16xf32>
        %mul3A_645 = arith.mulf %mul3A_644, %mul3A_642 : vector<16xf32>
        %add3A_646 = arith.constant -1.59576917 : f32
        %add3A_647 = vector.broadcast %add3A_646 : f32 to vector<16xf32>
        %add3A_648 = arith.addf %add3A_647, %mul3A_645 : vector<16xf32>
        %mul3A_649 = arith.mulf %add3A_641, %add3A_648 : vector<16xf32>
        %exp3A_650 = math.exp %mul3A_649 : vector<16xf32>
        %add3A_651 = arith.constant 1.000000e+00 : f32
        %add3A_652 = vector.broadcast %add3A_651 : f32 to vector<16xf32>
        %add3A_653 = arith.addf %add3A_652, %exp3A_650 : vector<16xf32>
        %div3A_654 = arith.divf %add3A_641, %add3A_653 : vector<16xf32>
        %add3A_655 = arith.addf %while3A_488, %div3A_654 : vector<16xf32>
        %get3A_656 = arith.index_cast %while3A_295 : i32 to index
        %get3A_657 = arith.index_cast %while3A_480 : i32 to index
        %get3A_658 = arith.constant 128 : index
        %get3A_659 = tpu.vector_load %arg9[%get3A_656, %get3A_657, %get3A_658] {strides = array<i32>} : memref<2x128x256xf32, #tpu.memory_space<vmem>>, vector<1x1x16xf32>,
        %get3A_660 = vector.shape_cast %get3A_659 : vector<1x1x16xf32> to vector<16xf32>
        %add3A_661 = arith.addf %get3A_660, %get3A_381 : vector<16xf32>
        %mul3A_662 = arith.mulf %add3A_661, %add3A_661 : vector<16xf32>
        %mul3A_663 = arith.constant -0.0713548139 : f32
        %mul3A_664 = vector.broadcast %mul3A_663 : f32 to vector<16xf32>
        %mul3A_665 = arith.mulf %mul3A_664, %mul3A_662 : vector<16xf32>
        %add3A_666 = arith.constant -1.59576917 : f32
        %add3A_667 = vector.broadcast %add3A_666 : f32 to vector<16xf32>
        %add3A_668 = arith.addf %add3A_667, %mul3A_665 : vector<16xf32>
        %mul3A_669 = arith.mulf %add3A_661, %add3A_668 : vector<16xf32>
        %exp3A_670 = math.exp %mul3A_669 : vector<16xf32>
        %add3A_671 = arith.constant 1.000000e+00 : f32
        %add3A_672 = vector.broadcast %add3A_671 : f32 to vector<16xf32>
        %add3A_673 = arith.addf %add3A_672, %exp3A_670 : vector<16xf32>
        %div3A_674 = arith.divf %add3A_661, %add3A_673 : vector<16xf32>
        %add3A_675 = arith.addf %while3A_489, %div3A_674 : vector<16xf32>
        %get3A_676 = arith.index_cast %while3A_295 : i32 to index
        %get3A_677 = arith.index_cast %while3A_480 : i32 to index
        %get3A_678 = arith.constant 144 : index
        %get3A_679 = tpu.vector_load %arg9[%get3A_676, %get3A_677, %get3A_678] {strides = array<i32>} : memref<2x128x256xf32, #tpu.memory_space<vmem>>, vector<1x1x16xf32>,
        %get3A_680 = vector.shape_cast %get3A_679 : vector<1x1x16xf32> to vector<16xf32>
        %add3A_681 = arith.addf %get3A_680, %get3A_385 : vector<16xf32>
        %mul3A_682 = arith.mulf %add3A_681, %add3A_681 : vector<16xf32>
        %mul3A_683 = arith.constant -0.0713548139 : f32
        %mul3A_684 = vector.broadcast %mul3A_683 : f32 to vector<16xf32>
        %mul3A_685 = arith.mulf %mul3A_684, %mul3A_682 : vector<16xf32>
        %add3A_686 = arith.constant -1.59576917 : f32
        %add3A_687 = vector.broadcast %add3A_686 : f32 to vector<16xf32>
        %add3A_688 = arith.addf %add3A_687, %mul3A_685 : vector<16xf32>
        %mul3A_689 = arith.mulf %add3A_681, %add3A_688 : vector<16xf32>
        %exp3A_690 = math.exp %mul3A_689 : vector<16xf32>
        %add3A_691 = arith.constant 1.000000e+00 : f32
        %add3A_692 = vector.broadcast %add3A_691 : f32 to vector<16xf32>
        %add3A_693 = arith.addf %add3A_692, %exp3A_690 : vector<16xf32>
        %div3A_694 = arith.divf %add3A_681, %add3A_693 : vector<16xf32>
        %add3A_695 = arith.addf %while3A_490, %div3A_694 : vector<16xf32>
        %get3A_696 = arith.index_cast %while3A_295 : i32 to index
        %get3A_697 = arith.index_cast %while3A_480 : i32 to index
        %get3A_698 = arith.constant 160 : index
        %get3A_699 = tpu.vector_load %arg9[%get3A_696, %get3A_697, %get3A_698] {strides = array<i32>} : memref<2x128x256xf32, #tpu.memory_space<vmem>>, vector<1x1x16xf32>,
        %get3A_700 = vector.shape_cast %get3A_699 : vector<1x1x16xf32> to vector<16xf32>
        %add3A_701 = arith.addf %get3A_700, %get3A_389 : vector<16xf32>
        %mul3A_702 = arith.mulf %add3A_701, %add3A_701 : vector<16xf32>
        %mul3A_703 = arith.constant -0.0713548139 : f32
        %mul3A_704 = vector.broadcast %mul3A_703 : f32 to vector<16xf32>
        %mul3A_705 = arith.mulf %mul3A_704, %mul3A_702 : vector<16xf32>
        %add3A_706 = arith.constant -1.59576917 : f32
        %add3A_707 = vector.broadcast %add3A_706 : f32 to vector<16xf32>
        %add3A_708 = arith.addf %add3A_707, %mul3A_705 : vector<16xf32>
        %mul3A_709 = arith.mulf %add3A_701, %add3A_708 : vector<16xf32>
        %exp3A_710 = math.exp %mul3A_709 : vector<16xf32>
        %add3A_711 = arith.constant 1.000000e+00 : f32
        %add3A_712 = vector.broadcast %add3A_711 : f32 to vector<16xf32>
        %add3A_713 = arith.addf %add3A_712, %exp3A_710 : vector<16xf32>
        %div3A_714 = arith.divf %add3A_701, %add3A_713 : vector<16xf32>
        %add3A_715 = arith.addf %while3A_491, %div3A_714 : vector<16xf32>
        %get3A_716 = arith.index_cast %while3A_295 : i32 to index
        %get3A_717 = arith.index_cast %while3A_480 : i32 to index
        %get3A_718 = arith.constant 176 : index
        %get3A_719 = tpu.vector_load %arg9[%get3A_716, %get3A_717, %get3A_718] {strides = array<i32>} : memref<2x128x256xf32, #tpu.memory_space<vmem>>, vector<1x1x16xf32>,
        %get3A_720 = vector.shape_cast %get3A_719 : vector<1x1x16xf32> to vector<16xf32>
        %add3A_721 = arith.addf %get3A_720, %get3A_393 : vector<16xf32>
        %mul3A_722 = arith.mulf %add3A_721, %add3A_721 : vector<16xf32>
        %mul3A_723 = arith.constant -0.0713548139 : f32
        %mul3A_724 = vector.broadcast %mul3A_723 : f32 to vector<16xf32>
        %mul3A_725 = arith.mulf %mul3A_724, %mul3A_722 : vector<16xf32>
        %add3A_726 = arith.constant -1.59576917 : f32
        %add3A_727 = vector.broadcast %add3A_726 : f32 to vector<16xf32>
        %add3A_728 = arith.addf %add3A_727, %mul3A_725 : vector<16xf32>
        %mul3A_729 = arith.mulf %add3A_721, %add3A_728 : vector<16xf32>
        %exp3A_730 = math.exp %mul3A_729 : vector<16xf32>
        %add3A_731 = arith.constant 1.000000e+00 : f32
        %add3A_732 = vector.broadcast %add3A_731 : f32 to vector<16xf32>
        %add3A_733 = arith.addf %add3A_732, %exp3A_730 : vector<16xf32>
        %div3A_734 = arith.divf %add3A_721, %add3A_733 : vector<16xf32>
        %add3A_735 = arith.addf %while3A_492, %div3A_734 : vector<16xf32>
        %get3A_736 = arith.index_cast %while3A_295 : i32 to index
        %get3A_737 = arith.index_cast %while3A_480 : i32 to index
        %get3A_738 = arith.constant 192 : index
        %get3A_739 = tpu.vector_load %arg9[%get3A_736, %get3A_737, %get3A_738] {strides = array<i32>} : memref<2x128x256xf32, #tpu.memory_space<vmem>>, vector<1x1x16xf32>,
        %get3A_740 = vector.shape_cast %get3A_739 : vector<1x1x16xf32> to vector<16xf32>
        %add3A_741 = arith.addf %get3A_740, %get3A_397 : vector<16xf32>
        %mul3A_742 = arith.mulf %add3A_741, %add3A_741 : vector<16xf32>
        %mul3A_743 = arith.constant -0.0713548139 : f32
        %mul3A_744 = vector.broadcast %mul3A_743 : f32 to vector<16xf32>
        %mul3A_745 = arith.mulf %mul3A_744, %mul3A_742 : vector<16xf32>
        %add3A_746 = arith.constant -1.59576917 : f32
        %add3A_747 = vector.broadcast %add3A_746 : f32 to vector<16xf32>
        %add3A_748 = arith.addf %add3A_747, %mul3A_745 : vector<16xf32>
        %mul3A_749 = arith.mulf %add3A_741, %add3A_748 : vector<16xf32>
        %exp3A_750 = math.exp %mul3A_749 : vector<16xf32>
        %add3A_751 = arith.constant 1.000000e+00 : f32
        %add3A_752 = vector.broadcast %add3A_751 : f32 to vector<16xf32>
        %add3A_753 = arith.addf %add3A_752, %exp3A_750 : vector<16xf32>
        %div3A_754 = arith.divf %add3A_741, %add3A_753 : vector<16xf32>
        %add3A_755 = arith.addf %while3A_493, %div3A_754 : vector<16xf32>
        %get3A_756 = arith.index_cast %while3A_295 : i32 to index
        %get3A_757 = arith.index_cast %while3A_480 : i32 to index
        %get3A_758 = arith.constant 208 : index
        %get3A_759 = tpu.vector_load %arg9[%get3A_756, %get3A_757, %get3A_758] {strides = array<i32>} : memref<2x128x256xf32, #tpu.memory_space<vmem>>, vector<1x1x16xf32>,
        %get3A_760 = vector.shape_cast %get3A_759 : vector<1x1x16xf32> to vector<16xf32>
        %add3A_761 = arith.addf %get3A_760, %get3A_401 : vector<16xf32>
        %mul3A_762 = arith.mulf %add3A_761, %add3A_761 : vector<16xf32>
        %mul3A_763 = arith.constant -0.0713548139 : f32
        %mul3A_764 = vector.broadcast %mul3A_763 : f32 to vector<16xf32>
        %mul3A_765 = arith.mulf %mul3A_764, %mul3A_762 : vector<16xf32>
        %add3A_766 = arith.constant -1.59576917 : f32
        %add3A_767 = vector.broadcast %add3A_766 : f32 to vector<16xf32>
        %add3A_768 = arith.addf %add3A_767, %mul3A_765 : vector<16xf32>
        %mul3A_769 = arith.mulf %add3A_761, %add3A_768 : vector<16xf32>
        %exp3A_770 = math.exp %mul3A_769 : vector<16xf32>
        %add3A_771 = arith.constant 1.000000e+00 : f32
        %add3A_772 = vector.broadcast %add3A_771 : f32 to vector<16xf32>
        %add3A_773 = arith.addf %add3A_772, %exp3A_770 : vector<16xf32>
        %div3A_774 = arith.divf %add3A_761, %add3A_773 : vector<16xf32>
        %add3A_775 = arith.addf %while3A_494, %div3A_774 : vector<16xf32>
        %get3A_776 = arith.index_cast %while3A_295 : i32 to index
        %get3A_777 = arith.index_cast %while3A_480 : i32 to index
        %get3A_778 = arith.constant 224 : index
        %get3A_779 = tpu.vector_load %arg9[%get3A_776, %get3A_777, %get3A_778] {strides = array<i32>} : memref<2x128x256xf32, #tpu.memory_space<vmem>>, vector<1x1x16xf32>,
        %get3A_780 = vector.shape_cast %get3A_779 : vector<1x1x16xf32> to vector<16xf32>
        %add3A_781 = arith.addf %get3A_780, %get3A_405 : vector<16xf32>
        %mul3A_782 = arith.mulf %add3A_781, %add3A_781 : vector<16xf32>
        %mul3A_783 = arith.constant -0.0713548139 : f32
        %mul3A_784 = vector.broadcast %mul3A_783 : f32 to vector<16xf32>
        %mul3A_785 = arith.mulf %mul3A_784, %mul3A_782 : vector<16xf32>
        %add3A_786 = arith.constant -1.59576917 : f32
        %add3A_787 = vector.broadcast %add3A_786 : f32 to vector<16xf32>
        %add3A_788 = arith.addf %add3A_787, %mul3A_785 : vector<16xf32>
        %mul3A_789 = arith.mulf %add3A_781, %add3A_788 : vector<16xf32>
        %exp3A_790 = math.exp %mul3A_789 : vector<16xf32>
        %add3A_791 = arith.constant 1.000000e+00 : f32
        %add3A_792 = vector.broadcast %add3A_791 : f32 to vector<16xf32>
        %add3A_793 = arith.addf %add3A_792, %exp3A_790 : vector<16xf32>
        %div3A_794 = arith.divf %add3A_781, %add3A_793 : vector<16xf32>
        %add3A_795 = arith.addf %while3A_495, %div3A_794 : vector<16xf32>
        %get3A_796 = arith.index_cast %while3A_295 : i32 to index
        %get3A_797 = arith.index_cast %while3A_480 : i32 to index
        %get3A_798 = arith.constant 240 : index
        %get3A_799 = tpu.vector_load %arg9[%get3A_796, %get3A_797, %get3A_798] {strides = array<i32>} : memref<2x128x256xf32, #tpu.memory_space<vmem>>, vector<1x1x16xf32>,
        %get3A_800 = vector.shape_cast %get3A_799 : vector<1x1x16xf32> to vector<16xf32>
        %add3A_801 = arith.addf %get3A_800, %get3A_409 : vector<16xf32>
        %mul3A_802 = arith.mulf %add3A_801, %add3A_801 : vector<16xf32>
        %mul3A_803 = arith.constant -0.0713548139 : f32
        %mul3A_804 = vector.broadcast %mul3A_803 : f32 to vector<16xf32>
        %mul3A_805 = arith.mulf %mul3A_804, %mul3A_802 : vector<16xf32>
        %add3A_806 = arith.constant -1.59576917 : f32
        %add3A_807 = vector.broadcast %add3A_806 : f32 to vector<16xf32>
        %add3A_808 = arith.addf %add3A_807, %mul3A_805 : vector<16xf32>
        %mul3A_809 = arith.mulf %add3A_801, %add3A_808 : vector<16xf32>
        %exp3A_810 = math.exp %mul3A_809 : vector<16xf32>
        %add3A_811 = arith.constant 1.000000e+00 : f32
        %add3A_812 = vector.broadcast %add3A_811 : f32 to vector<16xf32>
        %add3A_813 = arith.addf %add3A_812, %exp3A_810 : vector<16xf32>
        %div3A_814 = arith.divf %add3A_801, %add3A_813 : vector<16xf32>
        %add3A_815 = arith.addf %while3A_496, %div3A_814 : vector<16xf32>
        scf.yield %add3A_515, %add3A_535, %add3A_555, %add3A_575, %add3A_595, %add3A_615, %add3A_635, %add3A_655, %add3A_675, %add3A_695, %add3A_715, %add3A_735, %add3A_755, %add3A_775, %add3A_795, %add3A_815 : vector<16xf32>, vector<16xf32>, vector<16xf32>, vector<16xf32>, vector<16xf32>, vector<16xf32>, vector<16xf32>, vector<16xf32>, vector<16xf32>, vector<16xf32>, vector<16xf32>, vector<16xf32>, vector<16xf32>, vector<16xf32>, vector<16xf32>, vector<16xf32>
      }
      %le3A = arith.cmpi sle, %squeeze3A_323, %add3A_325 : i32
      %lt3A_422 = arith.cmpi slt, %while3A_292, %select_n3A_85 : i32
      %and3A_423 = arith.andi %le3A, %lt3A_422 : i1
      %convert_element_type3A_424 = arith.extui %and3A_423 : i1 to i32
      %cond3A_425 = arith.constant 0 : i32
      %cond3A_426 = arith.cmpi ne, %convert_element_type3A_424, %cond3A_425 : i32
      scf.if %cond3A_426 {
        %swap3A = arith.index_cast %select_n3A_340 : i32 to index
        %swap3A_480 = arith.constant 0 : index
        %swap3A_481 = tpu.vector_load %arg11[%swap3A, %swap3A_480] {strides = array<i32>} : memref<16x256xf32, #tpu.memory_space<vmem>>, vector<1x16xf32>,
        %swap3A_482 = vector.shape_cast %swap3A_481 : vector<1x16xf32> to vector<16xf32>
        %swap3A_483 = vector.shape_cast %while3A_421#0 : vector<16xf32> to vector<1x16xf32>
        tpu.vector_store %arg11[%swap3A, %swap3A_480], %swap3A_483 {strides = array<i32>} : memref<16x256xf32, #tpu.memory_space<vmem>>, vector<1x16xf32>,
        %swap3A_484 = arith.index_cast %select_n3A_340 : i32 to index
        %swap3A_485 = arith.constant 16 : index
        %swap3A_486 = tpu.vector_load %arg11[%swap3A_484, %swap3A_485] {strides = array<i32>} : memref<16x256xf32, #tpu.memory_space<vmem>>, vector<1x16xf32>,
        %swap3A_487 = vector.shape_cast %swap3A_486 : vector<1x16xf32> to vector<16xf32>
        %swap3A_488 = vector.shape_cast %while3A_421#1 : vector<16xf32> to vector<1x16xf32>
        tpu.vector_store %arg11[%swap3A_484, %swap3A_485], %swap3A_488 {strides = array<i32>} : memref<16x256xf32, #tpu.memory_space<vmem>>, vector<1x16xf32>,
        %swap3A_489 = arith.index_cast %select_n3A_340 : i32 to index
        %swap3A_490 = arith.constant 32 : index
        %swap3A_491 = tpu.vector_load %arg11[%swap3A_489, %swap3A_490] {strides = array<i32>} : memref<16x256xf32, #tpu.memory_space<vmem>>, vector<1x16xf32>,
        %swap3A_492 = vector.shape_cast %swap3A_491 : vector<1x16xf32> to vector<16xf32>
        %swap3A_493 = vector.shape_cast %while3A_421#2 : vector<16xf32> to vector<1x16xf32>
        tpu.vector_store %arg11[%swap3A_489, %swap3A_490], %swap3A_493 {strides = array<i32>} : memref<16x256xf32, #tpu.memory_space<vmem>>, vector<1x16xf32>,
        %swap3A_494 = arith.index_cast %select_n3A_340 : i32 to index
        %swap3A_495 = arith.constant 48 : index
        %swap3A_496 = tpu.vector_load %arg11[%swap3A_494, %swap3A_495] {strides = array<i32>} : memref<16x256xf32, #tpu.memory_space<vmem>>, vector<1x16xf32>,
        %swap3A_497 = vector.shape_cast %swap3A_496 : vector<1x16xf32> to vector<16xf32>
        %swap3A_498 = vector.shape_cast %while3A_421#3 : vector<16xf32> to vector<1x16xf32>
        tpu.vector_store %arg11[%swap3A_494, %swap3A_495], %swap3A_498 {strides = array<i32>} : memref<16x256xf32, #tpu.memory_space<vmem>>, vector<1x16xf32>,
        %swap3A_499 = arith.index_cast %select_n3A_340 : i32 to index
        %swap3A_500 = arith.constant 64 : index
        %swap3A_501 = tpu.vector_load %arg11[%swap3A_499, %swap3A_500] {strides = array<i32>} : memref<16x256xf32, #tpu.memory_space<vmem>>, vector<1x16xf32>,
        %swap3A_502 = vector.shape_cast %swap3A_501 : vector<1x16xf32> to vector<16xf32>
        %swap3A_503 = vector.shape_cast %while3A_421#4 : vector<16xf32> to vector<1x16xf32>
        tpu.vector_store %arg11[%swap3A_499, %swap3A_500], %swap3A_503 {strides = array<i32>} : memref<16x256xf32, #tpu.memory_space<vmem>>, vector<1x16xf32>,
        %swap3A_504 = arith.index_cast %select_n3A_340 : i32 to index
        %swap3A_505 = arith.constant 80 : index
        %swap3A_506 = tpu.vector_load %arg11[%swap3A_504, %swap3A_505] {strides = array<i32>} : memref<16x256xf32, #tpu.memory_space<vmem>>, vector<1x16xf32>,
        %swap3A_507 = vector.shape_cast %swap3A_506 : vector<1x16xf32> to vector<16xf32>
        %swap3A_508 = vector.shape_cast %while3A_421#5 : vector<16xf32> to vector<1x16xf32>
        tpu.vector_store %arg11[%swap3A_504, %swap3A_505], %swap3A_508 {strides = array<i32>} : memref<16x256xf32, #tpu.memory_space<vmem>>, vector<1x16xf32>,
        %swap3A_509 = arith.index_cast %select_n3A_340 : i32 to index
        %swap3A_510 = arith.constant 96 : index
        %swap3A_511 = tpu.vector_load %arg11[%swap3A_509, %swap3A_510] {strides = array<i32>} : memref<16x256xf32, #tpu.memory_space<vmem>>, vector<1x16xf32>,
        %swap3A_512 = vector.shape_cast %swap3A_511 : vector<1x16xf32> to vector<16xf32>
        %swap3A_513 = vector.shape_cast %while3A_421#6 : vector<16xf32> to vector<1x16xf32>
        tpu.vector_store %arg11[%swap3A_509, %swap3A_510], %swap3A_513 {strides = array<i32>} : memref<16x256xf32, #tpu.memory_space<vmem>>, vector<1x16xf32>,
        %swap3A_514 = arith.index_cast %select_n3A_340 : i32 to index
        %swap3A_515 = arith.constant 112 : index
        %swap3A_516 = tpu.vector_load %arg11[%swap3A_514, %swap3A_515] {strides = array<i32>} : memref<16x256xf32, #tpu.memory_space<vmem>>, vector<1x16xf32>,
        %swap3A_517 = vector.shape_cast %swap3A_516 : vector<1x16xf32> to vector<16xf32>
        %swap3A_518 = vector.shape_cast %while3A_421#7 : vector<16xf32> to vector<1x16xf32>
        tpu.vector_store %arg11[%swap3A_514, %swap3A_515], %swap3A_518 {strides = array<i32>} : memref<16x256xf32, #tpu.memory_space<vmem>>, vector<1x16xf32>,
        %swap3A_519 = arith.index_cast %select_n3A_340 : i32 to index
        %swap3A_520 = arith.constant 128 : index
        %swap3A_521 = tpu.vector_load %arg11[%swap3A_519, %swap3A_520] {strides = array<i32>} : memref<16x256xf32, #tpu.memory_space<vmem>>, vector<1x16xf32>,
        %swap3A_522 = vector.shape_cast %swap3A_521 : vector<1x16xf32> to vector<16xf32>
        %swap3A_523 = vector.shape_cast %while3A_421#8 : vector<16xf32> to vector<1x16xf32>
        tpu.vector_store %arg11[%swap3A_519, %swap3A_520], %swap3A_523 {strides = array<i32>} : memref<16x256xf32, #tpu.memory_space<vmem>>, vector<1x16xf32>,
        %swap3A_524 = arith.index_cast %select_n3A_340 : i32 to index
        %swap3A_525 = arith.constant 144 : index
        %swap3A_526 = tpu.vector_load %arg11[%swap3A_524, %swap3A_525] {strides = array<i32>} : memref<16x256xf32, #tpu.memory_space<vmem>>, vector<1x16xf32>,
        %swap3A_527 = vector.shape_cast %swap3A_526 : vector<1x16xf32> to vector<16xf32>
        %swap3A_528 = vector.shape_cast %while3A_421#9 : vector<16xf32> to vector<1x16xf32>
        tpu.vector_store %arg11[%swap3A_524, %swap3A_525], %swap3A_528 {strides = array<i32>} : memref<16x256xf32, #tpu.memory_space<vmem>>, vector<1x16xf32>,
        %swap3A_529 = arith.index_cast %select_n3A_340 : i32 to index
        %swap3A_530 = arith.constant 160 : index
        %swap3A_531 = tpu.vector_load %arg11[%swap3A_529, %swap3A_530] {strides = array<i32>} : memref<16x256xf32, #tpu.memory_space<vmem>>, vector<1x16xf32>,
        %swap3A_532 = vector.shape_cast %swap3A_531 : vector<1x16xf32> to vector<16xf32>
        %swap3A_533 = vector.shape_cast %while3A_421#10 : vector<16xf32> to vector<1x16xf32>
        tpu.vector_store %arg11[%swap3A_529, %swap3A_530], %swap3A_533 {strides = array<i32>} : memref<16x256xf32, #tpu.memory_space<vmem>>, vector<1x16xf32>,
        %swap3A_534 = arith.index_cast %select_n3A_340 : i32 to index
        %swap3A_535 = arith.constant 176 : index
        %swap3A_536 = tpu.vector_load %arg11[%swap3A_534, %swap3A_535] {strides = array<i32>} : memref<16x256xf32, #tpu.memory_space<vmem>>, vector<1x16xf32>,
        %swap3A_537 = vector.shape_cast %swap3A_536 : vector<1x16xf32> to vector<16xf32>
        %swap3A_538 = vector.shape_cast %while3A_421#11 : vector<16xf32> to vector<1x16xf32>
        tpu.vector_store %arg11[%swap3A_534, %swap3A_535], %swap3A_538 {strides = array<i32>} : memref<16x256xf32, #tpu.memory_space<vmem>>, vector<1x16xf32>,
        %swap3A_539 = arith.index_cast %select_n3A_340 : i32 to index
        %swap3A_540 = arith.constant 192 : index
        %swap3A_541 = tpu.vector_load %arg11[%swap3A_539, %swap3A_540] {strides = array<i32>} : memref<16x256xf32, #tpu.memory_space<vmem>>, vector<1x16xf32>,
        %swap3A_542 = vector.shape_cast %swap3A_541 : vector<1x16xf32> to vector<16xf32>
        %swap3A_543 = vector.shape_cast %while3A_421#12 : vector<16xf32> to vector<1x16xf32>
        tpu.vector_store %arg11[%swap3A_539, %swap3A_540], %swap3A_543 {strides = array<i32>} : memref<16x256xf32, #tpu.memory_space<vmem>>, vector<1x16xf32>,
        %swap3A_544 = arith.index_cast %select_n3A_340 : i32 to index
        %swap3A_545 = arith.constant 208 : index
        %swap3A_546 = tpu.vector_load %arg11[%swap3A_544, %swap3A_545] {strides = array<i32>} : memref<16x256xf32, #tpu.memory_space<vmem>>, vector<1x16xf32>,
        %swap3A_547 = vector.shape_cast %swap3A_546 : vector<1x16xf32> to vector<16xf32>
        %swap3A_548 = vector.shape_cast %while3A_421#13 : vector<16xf32> to vector<1x16xf32>
        tpu.vector_store %arg11[%swap3A_544, %swap3A_545], %swap3A_548 {strides = array<i32>} : memref<16x256xf32, #tpu.memory_space<vmem>>, vector<1x16xf32>,
        %swap3A_549 = arith.index_cast %select_n3A_340 : i32 to index
        %swap3A_550 = arith.constant 224 : index
        %swap3A_551 = tpu.vector_load %arg11[%swap3A_549, %swap3A_550] {strides = array<i32>} : memref<16x256xf32, #tpu.memory_space<vmem>>, vector<1x16xf32>,
        %swap3A_552 = vector.shape_cast %swap3A_551 : vector<1x16xf32> to vector<16xf32>
        %swap3A_553 = vector.shape_cast %while3A_421#14 : vector<16xf32> to vector<1x16xf32>
        tpu.vector_store %arg11[%swap3A_549, %swap3A_550], %swap3A_553 {strides = array<i32>} : memref<16x256xf32, #tpu.memory_space<vmem>>, vector<1x16xf32>,
        %swap3A_554 = arith.index_cast %select_n3A_340 : i32 to index
        %swap3A_555 = arith.constant 240 : index
        %swap3A_556 = tpu.vector_load %arg11[%swap3A_554, %swap3A_555] {strides = array<i32>} : memref<16x256xf32, #tpu.memory_space<vmem>>, vector<1x16xf32>,
        %swap3A_557 = vector.shape_cast %swap3A_556 : vector<1x16xf32> to vector<16xf32>
        %swap3A_558 = vector.shape_cast %while3A_421#15 : vector<16xf32> to vector<1x16xf32>
        tpu.vector_store %arg11[%swap3A_554, %swap3A_555], %swap3A_558 {strides = array<i32>} : memref<16x256xf32, #tpu.memory_space<vmem>>, vector<1x16xf32>,
      } else {
      }
      %eq3A_427 = arith.constant 15 : i32
      %eq3A_428 = arith.cmpi eq, %select_n3A_340, %eq3A_427 : i32
      %and3A_429 = arith.andi %and3A_423, %eq3A_428 : i1
      %convert_element_type3A_430 = arith.extui %and3A_429 : i1 to i32
      %cond3A_431 = arith.constant 0 : i32
      %cond3A_432 = arith.cmpi ne, %convert_element_type3A_430, %cond3A_431 : i32
      scf.if %cond3A_432 {
        %sub3A_480 = arith.constant 15 : i32
        %sub3A_481 = arith.subi %while3A_292, %sub3A_480 : i32
        %multiple_of3A_482 = tpu.assume_multiple %sub3A_481, 8 : i32
        %dma_start3A_483 = arith.constant 0 : i32
        %dma_start3A_484 = tpu.memref_slice %arg6[%multiple_of3A_482, %dma_start3A_483] : memref<10240x256xf32, #tpu.memory_space<hbm>> -> memref<16x256xf32, #tpu.memory_space<hbm>>
        %dma_start3A_485 = arith.constant 0 : i32
        %dma_start3A_486 = tpu.memref_slice %arg6[%multiple_of3A_482, %dma_start3A_485] : memref<10240x256xf32, #tpu.memory_space<hbm>> -> memref<16x256xf32, #tpu.memory_space<hbm>>
        tpu.enqueue_dma source(%arg11 : memref<16x256xf32, #tpu.memory_space<vmem>>) target(%dma_start3A_486 : memref<16x256xf32, #tpu.memory_space<hbm>>) target_semaphore(%arg14 : memref<!tpu.dma_semaphore, #tpu.memory_space<semaphore_mem>>)
        %dma_wait3A_487 = arith.constant 0 : i32
        %dma_wait3A_488 = tpu.memref_slice %arg6[%multiple_of3A_482, %dma_wait3A_487] : memref<10240x256xf32, #tpu.memory_space<hbm>> -> memref<16x256xf32, #tpu.memory_space<hbm>>
        %dma_wait3A_489 = arith.constant 0 : i32
        %dma_wait3A_490 = tpu.memref_slice %arg6[%multiple_of3A_482, %dma_wait3A_489] : memref<10240x256xf32, #tpu.memory_space<hbm>> -> memref<16x256xf32, #tpu.memory_space<hbm>>
        tpu.wait_dma2 semaphore(%arg14 : memref<!tpu.dma_semaphore, #tpu.memory_space<semaphore_mem>>) src(%arg11 : memref<16x256xf32, #tpu.memory_space<vmem>>) dst(%dma_wait3A_490 : memref<16x256xf32, #tpu.memory_space<hbm>>)
      } else {
      }
      %sub3A_433 = arith.constant 1 : i32
      %sub3A_434 = arith.subi %sub3A_433, %while3A_295 : i32
      %not3A = arith.constant true
      %not3A_435 = arith.xori %and3A_423, %not3A : i1
      %convert_element_type3A_436 = arith.extui %not3A_435 : i1 to i32
      %cond3A_437 = arith.constant 0 : i32
      %cond3A_438 = arith.cmpi ne, %convert_element_type3A_436, %cond3A_437 : i32
      scf.if %cond3A_438 {
        %dma_wait3A_480 = arith.constant 0 : i32
        %dma_wait3A_481 = arith.constant 0 : i32
        %dma_wait3A_482 = arith.constant 0 : i32
        %dma_wait3A_483 = tpu.memref_slice %arg9[%dma_wait3A_480, %dma_wait3A_481, %dma_wait3A_482] : memref<2x128x256xf32, #tpu.memory_space<vmem>> -> memref<1x128x256xf32, #tpu.memory_space<vmem>>
        %dma_wait3A_484 = tpu.memref_squeeze %dma_wait3A_483 : memref<1x128x256xf32, #tpu.memory_space<vmem>> -> memref<128x256xf32, #tpu.memory_space<vmem>>
        %dma_wait3A_485 = arith.constant 0 : i32
        %dma_wait3A_486 = arith.constant 0 : i32
        %dma_wait3A_487 = tpu.memref_slice %arg2[%dma_wait3A_485, %dma_wait3A_486] : memref<10240x256xf32, #tpu.memory_space<hbm>> -> memref<128x256xf32, #tpu.memory_space<hbm>>
        %dma_wait3A_488 = arith.constant 0 : i32
        %dma_wait3A_489 = arith.constant 0 : i32
        %dma_wait3A_490 = tpu.memref_slice %arg9[%dma_wait3A_480, %dma_wait3A_488, %dma_wait3A_489] : memref<2x128x256xf32, #tpu.memory_space<vmem>> -> memref<1x128x256xf32, #tpu.memory_space<vmem>>
        %dma_wait3A_491 = tpu.memref_squeeze %dma_wait3A_490 : memref<1x128x256xf32, #tpu.memory_space<vmem>> -> memref<128x256xf32, #tpu.memory_space<vmem>>
        %dma_wait3A_492 = arith.constant 0 : i32
        %dma_wait3A_493 = arith.constant 0 : i32
        %dma_wait3A_494 = tpu.memref_slice %arg2[%dma_wait3A_492, %dma_wait3A_493] : memref<10240x256xf32, #tpu.memory_space<hbm>> -> memref<128x256xf32, #tpu.memory_space<hbm>>
        tpu.wait_dma2 semaphore(%arg13 : memref<!tpu.dma_semaphore, #tpu.memory_space<semaphore_mem>>) src(%dma_wait3A_494 : memref<128x256xf32, #tpu.memory_space<hbm>>) dst(%dma_wait3A_491 : memref<128x256xf32, #tpu.memory_space<vmem>>)
        %dma_wait3A_495 = arith.constant 0 : i32
        %dma_wait3A_496 = arith.constant 0 : i32
        %dma_wait3A_497 = tpu.memref_slice %arg8[%dma_wait3A_495, %dma_wait3A_496] : memref<2x128xi32, #tpu.memory_space<vmem>> -> memref<1x128xi32, #tpu.memory_space<vmem>>
        %dma_wait3A_498 = tpu.memref_squeeze %dma_wait3A_497 : memref<1x128xi32, #tpu.memory_space<vmem>> -> memref<128xi32, #tpu.memory_space<vmem>>
        %dma_wait3A_499 = arith.constant 0 : i32
        %dma_wait3A_500 = tpu.memref_slice %arg4[%dma_wait3A_499] : memref<320128xi32, #tpu.memory_space<hbm>> -> memref<128xi32, #tpu.memory_space<hbm>>
        %dma_wait3A_501 = arith.constant 0 : i32
        %dma_wait3A_502 = tpu.memref_slice %arg8[%dma_wait3A_495, %dma_wait3A_501] : memref<2x128xi32, #tpu.memory_space<vmem>> -> memref<1x128xi32, #tpu.memory_space<vmem>>
        %dma_wait3A_503 = tpu.memref_squeeze %dma_wait3A_502 : memref<1x128xi32, #tpu.memory_space<vmem>> -> memref<128xi32, #tpu.memory_space<vmem>>
        %dma_wait3A_504 = arith.constant 0 : i32
        %dma_wait3A_505 = tpu.memref_slice %arg4[%dma_wait3A_504] : memref<320128xi32, #tpu.memory_space<hbm>> -> memref<128xi32, #tpu.memory_space<hbm>>
        tpu.wait_dma2 semaphore(%arg12 : memref<!tpu.dma_semaphore, #tpu.memory_space<semaphore_mem>>) src(%dma_wait3A_505 : memref<128xi32, #tpu.memory_space<hbm>>) dst(%dma_wait3A_503 : memref<128xi32, #tpu.memory_space<vmem>>)
        %dma_start3A_506 = arith.constant 0 : i32
        %dma_start3A_507 = arith.constant 0 : i32
        %dma_start3A_508 = tpu.memref_slice %arg9[%while3A_295, %dma_start3A_506, %dma_start3A_507] : memref<2x128x256xf32, #tpu.memory_space<vmem>> -> memref<1x128x256xf32, #tpu.memory_space<vmem>>
        %dma_start3A_509 = tpu.memref_squeeze %dma_start3A_508 : memref<1x128x256xf32, #tpu.memory_space<vmem>> -> memref<128x256xf32, #tpu.memory_space<vmem>>
        %dma_start3A_510 = arith.constant 0 : i32
        %dma_start3A_511 = tpu.memref_slice %arg8[%while3A_295, %dma_start3A_510] : memref<2x128xi32, #tpu.memory_space<vmem>> -> memref<1x128xi32, #tpu.memory_space<vmem>>
        %dma_start3A_512 = tpu.memref_squeeze %dma_start3A_511 : memref<1x128xi32, #tpu.memory_space<vmem>> -> memref<128xi32, #tpu.memory_space<vmem>>
        %dma_start3A_513 = arith.constant 0 : i32
        %dma_start3A_514 = arith.constant 0 : i32
        %dma_start3A_515 = tpu.memref_slice %arg2[%dma_start3A_513, %dma_start3A_514] : memref<10240x256xf32, #tpu.memory_space<hbm>> -> memref<10240x256xf32, #tpu.memory_space<hbm>>
        tpu.enqueue_indirect_dma source(%dma_start3A_515 : memref<10240x256xf32, #tpu.memory_space<hbm>>) target(%dma_start3A_509 : memref<128x256xf32, #tpu.memory_space<vmem>>) offsets(%dma_start3A_512 : memref<128xi32, #tpu.memory_space<vmem>>) semaphore(%arg13 : memref<!tpu.dma_semaphore, #tpu.memory_space<semaphore_mem>>)
        %add3A_516 = arith.constant 384 : i32
        %add3A_517 = arith.addi %while3A_293, %add3A_516 : i32
        %min3A_518 = arith.constant 320000 : i32
        %min3A_519 = arith.minsi %add3A_517, %min3A_518 : i32
        %multiple_of3A_520 = tpu.assume_multiple %min3A_519, 8 : i32
        %dma_start3A_521 = arith.constant 0 : i32
        %dma_start3A_522 = tpu.memref_slice %arg8[%sub3A_434, %dma_start3A_521] : memref<2x128xi32, #tpu.memory_space<vmem>> -> memref<1x128xi32, #tpu.memory_space<vmem>>
        %dma_start3A_523 = tpu.memref_squeeze %dma_start3A_522 : memref<1x128xi32, #tpu.memory_space<vmem>> -> memref<128xi32, #tpu.memory_space<vmem>>
        %dma_start3A_524 = tpu.memref_slice %arg4[%multiple_of3A_520] : memref<320128xi32, #tpu.memory_space<hbm>> -> memref<128xi32, #tpu.memory_space<hbm>>
        %dma_start3A_525 = arith.constant 0 : i32
        %dma_start3A_526 = tpu.memref_slice %arg8[%sub3A_434, %dma_start3A_525] : memref<2x128xi32, #tpu.memory_space<vmem>> -> memref<1x128xi32, #tpu.memory_space<vmem>>
        %dma_start3A_527 = tpu.memref_squeeze %dma_start3A_526 : memref<1x128xi32, #tpu.memory_space<vmem>> -> memref<128xi32, #tpu.memory_space<vmem>>
        %dma_start3A_528 = tpu.memref_slice %arg4[%multiple_of3A_520] : memref<320128xi32, #tpu.memory_space<hbm>> -> memref<128xi32, #tpu.memory_space<hbm>>
        tpu.enqueue_dma source(%dma_start3A_528 : memref<128xi32, #tpu.memory_space<hbm>>) target(%dma_start3A_527 : memref<128xi32, #tpu.memory_space<vmem>>) target_semaphore(%arg12 : memref<!tpu.dma_semaphore, #tpu.memory_space<semaphore_mem>>)
      } else {
      }
      %jit3A_439 = arith.constant 0.000000e+00 : f32
      %jit3A_440 = arith.constant 1.000000e+00 : f32
      %select_n3A_441 = arith.select %and3A_423, %jit3A_439, %jit3A_440 : f32
      %mul3A_442 = vector.broadcast %select_n3A_441 : f32 to vector<16xf32>
      %mul3A_443 = arith.mulf %while3A_421#0, %mul3A_442 : vector<16xf32>
      %mul3A_444 = vector.broadcast %select_n3A_441 : f32 to vector<16xf32>
      %mul3A_445 = arith.mulf %while3A_421#1, %mul3A_444 : vector<16xf32>
      %mul3A_446 = vector.broadcast %select_n3A_441 : f32 to vector<16xf32>
      %mul3A_447 = arith.mulf %while3A_421#2, %mul3A_446 : vector<16xf32>
      %mul3A_448 = vector.broadcast %select_n3A_441 : f32 to vector<16xf32>
      %mul3A_449 = arith.mulf %while3A_421#3, %mul3A_448 : vector<16xf32>
      %mul3A_450 = vector.broadcast %select_n3A_441 : f32 to vector<16xf32>
      %mul3A_451 = arith.mulf %while3A_421#4, %mul3A_450 : vector<16xf32>
      %mul3A_452 = vector.broadcast %select_n3A_441 : f32 to vector<16xf32>
      %mul3A_453 = arith.mulf %while3A_421#5, %mul3A_452 : vector<16xf32>
      %mul3A_454 = vector.broadcast %select_n3A_441 : f32 to vector<16xf32>
      %mul3A_455 = arith.mulf %while3A_421#6, %mul3A_454 : vector<16xf32>
      %mul3A_456 = vector.broadcast %select_n3A_441 : f32 to vector<16xf32>
      %mul3A_457 = arith.mulf %while3A_421#7, %mul3A_456 : vector<16xf32>
      %mul3A_458 = vector.broadcast %select_n3A_441 : f32 to vector<16xf32>
      %mul3A_459 = arith.mulf %while3A_421#8, %mul3A_458 : vector<16xf32>
      %mul3A_460 = vector.broadcast %select_n3A_441 : f32 to vector<16xf32>
      %mul3A_461 = arith.mulf %while3A_421#9, %mul3A_460 : vector<16xf32>
      %mul3A_462 = vector.broadcast %select_n3A_441 : f32 to vector<16xf32>
      %mul3A_463 = arith.mulf %while3A_421#10, %mul3A_462 : vector<16xf32>
      %mul3A_464 = vector.broadcast %select_n3A_441 : f32 to vector<16xf32>
      %mul3A_465 = arith.mulf %while3A_421#11, %mul3A_464 : vector<16xf32>
      %mul3A_466 = vector.broadcast %select_n3A_441 : f32 to vector<16xf32>
      %mul3A_467 = arith.mulf %while3A_421#12, %mul3A_466 : vector<16xf32>
      %mul3A_468 = vector.broadcast %select_n3A_441 : f32 to vector<16xf32>
      %mul3A_469 = arith.mulf %while3A_421#13, %mul3A_468 : vector<16xf32>
      %mul3A_470 = vector.broadcast %select_n3A_441 : f32 to vector<16xf32>
      %mul3A_471 = arith.mulf %while3A_421#14, %mul3A_470 : vector<16xf32>
      %mul3A_472 = vector.broadcast %select_n3A_441 : f32 to vector<16xf32>
      %mul3A_473 = arith.mulf %while3A_421#15, %mul3A_472 : vector<16xf32>
      %convert_element_type3A_474 = arith.extui %and3A_423 : i1 to i32
      %add3A_475 = arith.addi %while3A_292, %convert_element_type3A_474 : i32
      %add3A_476 = arith.constant 128 : i32
      %add3A_477 = arith.addi %while3A_293, %add3A_476 : i32
      %select_n3A_478 = arith.select %and3A_423, %while3A_293, %add3A_477 : i32
      %select_n3A_479 = arith.select %and3A_423, %while3A_295, %sub3A_434 : i32
      scf.yield %add3A_475, %select_n3A_478, %min3A_326, %select_n3A_479, %mul3A_443, %mul3A_445, %mul3A_447, %mul3A_449, %mul3A_451, %mul3A_453, %mul3A_455, %mul3A_457, %mul3A_459, %mul3A_461, %mul3A_463, %mul3A_465, %mul3A_467, %mul3A_469, %mul3A_471, %mul3A_473 : i32, i32, i32, i32, vector<16xf32>, vector<16xf32>, vector<16xf32>, vector<16xf32>, vector<16xf32>, vector<16xf32>, vector<16xf32>, vector<16xf32>, vector<16xf32>, vector<16xf32>, vector<16xf32>, vector<16xf32>, vector<16xf32>, vector<16xf32>, vector<16xf32>, vector<16xf32>
    }
    %while3A_263 = arith.constant 1 : i32
    %while3A_264:20 = scf.for %while3A_291 = %while3A_260 to %while3A_256 step %while3A_263 iter_args(%while3A_292 = %while3A_262#0, %while3A_293 = %while3A_262#1, %while3A_294 = %while3A_262#2, %while3A_295 = %while3A_262#3, %while3A_296 = %while3A_262#4, %while3A_297 = %while3A_262#5, %while3A_298 = %while3A_262#6, %while3A_299 = %while3A_262#7, %while3A_300 = %while3A_262#8, %while3A_301 = %while3A_262#9, %while3A_302 = %while3A_262#10, %while3A_303 = %while3A_262#11, %while3A_304 = %while3A_262#12, %while3A_305 = %while3A_262#13, %while3A_306 = %while3A_262#14, %while3A_307 = %while3A_262#15, %while3A_308 = %while3A_262#16, %while3A_309 = %while3A_262#17, %while3A_310 = %while3A_262#18, %while3A_311 = %while3A_262#19) -> (i32, i32, i32, i32, vector<16xf32>, vector<16xf32>, vector<16xf32>, vector<16xf32>, vector<16xf32>, vector<16xf32>, vector<16xf32>, vector<16xf32>, vector<16xf32>, vector<16xf32>, vector<16xf32>, vector<16xf32>, vector<16xf32>, vector<16xf32>, vector<16xf32>, vector<16xf32>)  : i32 {
      %get3A_312 = arith.index_cast %while3A_292 : i32 to index
      %get3A_313 = tpu.vector_load %arg7[%get3A_312] {strides = array<i32>} : memref<10264xi32, #tpu.memory_space<vmem>>, vector<16xi32>,
      %get3A_314 = vector.shape_cast %get3A_313 : vector<16xi32> to vector<16xi32>
      %slice3A_315 = vector.extract_strided_slice %get3A_314 {offsets = [0], sizes = [1], strides = [1]} : vector<16xi32> to vector<1xi32>
      %squeeze3A_316 = vector.extract %slice3A_315[0] : i32 from vector<1xi32>
      %add3A_317 = arith.constant 1 : i32
      %add3A_318 = arith.addi %while3A_292, %add3A_317 : i32
      %get3A_319 = arith.index_cast %add3A_318 : i32 to index
      %get3A_320 = tpu.vector_load %arg7[%get3A_319] {strides = array<i32>} : memref<10264xi32, #tpu.memory_space<vmem>>, vector<16xi32>,
      %get3A_321 = vector.shape_cast %get3A_320 : vector<16xi32> to vector<16xi32>
      %slice3A_322 = vector.extract_strided_slice %get3A_321 {offsets = [0], sizes = [1], strides = [1]} : vector<16xi32> to vector<1xi32>
      %squeeze3A_323 = vector.extract %slice3A_322[0] : i32 from vector<1xi32>
      %add3A_324 = arith.constant 128 : i32
      %add3A_325 = arith.addi %while3A_293, %add3A_324 : i32
      %min3A_326 = arith.minsi %squeeze3A_323, %add3A_325 : i32
      %jit3A_327 = arith.constant 16 : i32
      %eq3A = arith.constant 0 : i32
      %eq3A_328 = arith.cmpi eq, %jit3A_327, %eq3A : i32
      %jit3A_329 = arith.constant 1 : i32
      %select_n3A_330 = arith.select %eq3A_328, %jit3A_329, %jit3A_327 : i32
      %rem3A_331 = arith.remsi %while3A_292, %select_n3A_330 : i32
      %ne3A_332 = arith.constant 0 : i32
      %ne3A_333 = arith.cmpi ne, %rem3A_331, %ne3A_332 : i32
      %lt3A = arith.constant 0 : i32
      %lt3A_334 = arith.cmpi slt, %rem3A_331, %lt3A : i32
      %lt3A_335 = arith.constant 0 : i32
      %lt3A_336 = arith.cmpi slt, %select_n3A_330, %lt3A_335 : i32
      %ne3A_337 = arith.xori %lt3A_334, %lt3A_336 : i1
      %and3A_338 = arith.andi %ne3A_337, %ne3A_333 : i1
      %add3A_339 = arith.addi %rem3A_331, %select_n3A_330 : i32
      %select_n3A_340 = arith.select %and3A_338, %add3A_339, %rem3A_331 : i32
      %eq3A_341 = arith.constant 0 : i32
      %eq3A_342 = arith.cmpi eq, %select_n3A_340, %eq3A_341 : i32
      %eq3A_343 = arith.cmpi eq, %while3A_294, %squeeze3A_316 : i32
      %and3A_344 = arith.andi %eq3A_342, %eq3A_343 : i1
      %convert_element_type3A = arith.extui %and3A_344 : i1 to i32
      %cond3A = arith.constant 0 : i32
      %cond3A_345 = arith.cmpi ne, %convert_element_type3A, %cond3A : i32
      scf.if %cond3A_345 {
        %multiple_of3A_480 = tpu.assume_multiple %while3A_292, 8 : i32
        %dma_start3A_481 = arith.constant 0 : i32
        %dma_start3A_482 = tpu.memref_slice %arg3[%multiple_of3A_480, %dma_start3A_481] : memref<10240x256xf32, #tpu.memory_space<hbm>> -> memref<16x256xf32, #tpu.memory_space<hbm>>
        %dma_start3A_483 = arith.constant 0 : i32
        %dma_start3A_484 = tpu.memref_slice %arg3[%multiple_of3A_480, %dma_start3A_483] : memref<10240x256xf32, #tpu.memory_space<hbm>> -> memref<16x256xf32, #tpu.memory_space<hbm>>
        tpu.enqueue_dma source(%dma_start3A_484 : memref<16x256xf32, #tpu.memory_space<hbm>>) target(%arg10 : memref<16x256xf32, #tpu.memory_space<vmem>>) target_semaphore(%arg14 : memref<!tpu.dma_semaphore, #tpu.memory_space<semaphore_mem>>)
        %dma_wait3A_485 = arith.constant 0 : i32
        %dma_wait3A_486 = tpu.memref_slice %arg3[%multiple_of3A_480, %dma_wait3A_485] : memref<10240x256xf32, #tpu.memory_space<hbm>> -> memref<16x256xf32, #tpu.memory_space<hbm>>
        %dma_wait3A_487 = arith.constant 0 : i32
        %dma_wait3A_488 = tpu.memref_slice %arg3[%multiple_of3A_480, %dma_wait3A_487] : memref<10240x256xf32, #tpu.memory_space<hbm>> -> memref<16x256xf32, #tpu.memory_space<hbm>>
        tpu.wait_dma2 semaphore(%arg14 : memref<!tpu.dma_semaphore, #tpu.memory_space<semaphore_mem>>) src(%dma_wait3A_488 : memref<16x256xf32, #tpu.memory_space<hbm>>) dst(%arg10 : memref<16x256xf32, #tpu.memory_space<vmem>>)
      } else {
      }
      %get3A_346 = arith.index_cast %select_n3A_340 : i32 to index
      %get3A_347 = arith.constant 0 : index
      %get3A_348 = tpu.vector_load %arg10[%get3A_346, %get3A_347] {strides = array<i32>} : memref<16x256xf32, #tpu.memory_space<vmem>>, vector<1x16xf32>,
      %get3A_349 = vector.shape_cast %get3A_348 : vector<1x16xf32> to vector<16xf32>
      %get3A_350 = arith.index_cast %select_n3A_340 : i32 to index
      %get3A_351 = arith.constant 16 : index
      %get3A_352 = tpu.vector_load %arg10[%get3A_350, %get3A_351] {strides = array<i32>} : memref<16x256xf32, #tpu.memory_space<vmem>>, vector<1x16xf32>,
      %get3A_353 = vector.shape_cast %get3A_352 : vector<1x16xf32> to vector<16xf32>
      %get3A_354 = arith.index_cast %select_n3A_340 : i32 to index
      %get3A_355 = arith.constant 32 : index
      %get3A_356 = tpu.vector_load %arg10[%get3A_354, %get3A_355] {strides = array<i32>} : memref<16x256xf32, #tpu.memory_space<vmem>>, vector<1x16xf32>,
      %get3A_357 = vector.shape_cast %get3A_356 : vector<1x16xf32> to vector<16xf32>
      %get3A_358 = arith.index_cast %select_n3A_340 : i32 to index
      %get3A_359 = arith.constant 48 : index
      %get3A_360 = tpu.vector_load %arg10[%get3A_358, %get3A_359] {strides = array<i32>} : memref<16x256xf32, #tpu.memory_space<vmem>>, vector<1x16xf32>,
      %get3A_361 = vector.shape_cast %get3A_360 : vector<1x16xf32> to vector<16xf32>
      %get3A_362 = arith.index_cast %select_n3A_340 : i32 to index
      %get3A_363 = arith.constant 64 : index
      %get3A_364 = tpu.vector_load %arg10[%get3A_362, %get3A_363] {strides = array<i32>} : memref<16x256xf32, #tpu.memory_space<vmem>>, vector<1x16xf32>,
      %get3A_365 = vector.shape_cast %get3A_364 : vector<1x16xf32> to vector<16xf32>
      %get3A_366 = arith.index_cast %select_n3A_340 : i32 to index
      %get3A_367 = arith.constant 80 : index
      %get3A_368 = tpu.vector_load %arg10[%get3A_366, %get3A_367] {strides = array<i32>} : memref<16x256xf32, #tpu.memory_space<vmem>>, vector<1x16xf32>,
      %get3A_369 = vector.shape_cast %get3A_368 : vector<1x16xf32> to vector<16xf32>
      %get3A_370 = arith.index_cast %select_n3A_340 : i32 to index
      %get3A_371 = arith.constant 96 : index
      %get3A_372 = tpu.vector_load %arg10[%get3A_370, %get3A_371] {strides = array<i32>} : memref<16x256xf32, #tpu.memory_space<vmem>>, vector<1x16xf32>,
      %get3A_373 = vector.shape_cast %get3A_372 : vector<1x16xf32> to vector<16xf32>
      %get3A_374 = arith.index_cast %select_n3A_340 : i32 to index
      %get3A_375 = arith.constant 112 : index
      %get3A_376 = tpu.vector_load %arg10[%get3A_374, %get3A_375] {strides = array<i32>} : memref<16x256xf32, #tpu.memory_space<vmem>>, vector<1x16xf32>,
      %get3A_377 = vector.shape_cast %get3A_376 : vector<1x16xf32> to vector<16xf32>
      %get3A_378 = arith.index_cast %select_n3A_340 : i32 to index
      %get3A_379 = arith.constant 128 : index
      %get3A_380 = tpu.vector_load %arg10[%get3A_378, %get3A_379] {strides = array<i32>} : memref<16x256xf32, #tpu.memory_space<vmem>>, vector<1x16xf32>,
      %get3A_381 = vector.shape_cast %get3A_380 : vector<1x16xf32> to vector<16xf32>
      %get3A_382 = arith.index_cast %select_n3A_340 : i32 to index
      %get3A_383 = arith.constant 144 : index
      %get3A_384 = tpu.vector_load %arg10[%get3A_382, %get3A_383] {strides = array<i32>} : memref<16x256xf32, #tpu.memory_space<vmem>>, vector<1x16xf32>,
      %get3A_385 = vector.shape_cast %get3A_384 : vector<1x16xf32> to vector<16xf32>
      %get3A_386 = arith.index_cast %select_n3A_340 : i32 to index
      %get3A_387 = arith.constant 160 : index
      %get3A_388 = tpu.vector_load %arg10[%get3A_386, %get3A_387] {strides = array<i32>} : memref<16x256xf32, #tpu.memory_space<vmem>>, vector<1x16xf32>,
      %get3A_389 = vector.shape_cast %get3A_388 : vector<1x16xf32> to vector<16xf32>
      %get3A_390 = arith.index_cast %select_n3A_340 : i32 to index
      %get3A_391 = arith.constant 176 : index
      %get3A_392 = tpu.vector_load %arg10[%get3A_390, %get3A_391] {strides = array<i32>} : memref<16x256xf32, #tpu.memory_space<vmem>>, vector<1x16xf32>,
      %get3A_393 = vector.shape_cast %get3A_392 : vector<1x16xf32> to vector<16xf32>
      %get3A_394 = arith.index_cast %select_n3A_340 : i32 to index
      %get3A_395 = arith.constant 192 : index
      %get3A_396 = tpu.vector_load %arg10[%get3A_394, %get3A_395] {strides = array<i32>} : memref<16x256xf32, #tpu.memory_space<vmem>>, vector<1x16xf32>,
      %get3A_397 = vector.shape_cast %get3A_396 : vector<1x16xf32> to vector<16xf32>
      %get3A_398 = arith.index_cast %select_n3A_340 : i32 to index
      %get3A_399 = arith.constant 208 : index
      %get3A_400 = tpu.vector_load %arg10[%get3A_398, %get3A_399] {strides = array<i32>} : memref<16x256xf32, #tpu.memory_space<vmem>>, vector<1x16xf32>,
      %get3A_401 = vector.shape_cast %get3A_400 : vector<1x16xf32> to vector<16xf32>
      %get3A_402 = arith.index_cast %select_n3A_340 : i32 to index
      %get3A_403 = arith.constant 224 : index
      %get3A_404 = tpu.vector_load %arg10[%get3A_402, %get3A_403] {strides = array<i32>} : memref<16x256xf32, #tpu.memory_space<vmem>>, vector<1x16xf32>,
      %get3A_405 = vector.shape_cast %get3A_404 : vector<1x16xf32> to vector<16xf32>
      %get3A_406 = arith.index_cast %select_n3A_340 : i32 to index
      %get3A_407 = arith.constant 240 : index
      %get3A_408 = tpu.vector_load %arg10[%get3A_406, %get3A_407] {strides = array<i32>} : memref<16x256xf32, #tpu.memory_space<vmem>>, vector<1x16xf32>,
      %get3A_409 = vector.shape_cast %get3A_408 : vector<1x16xf32> to vector<16xf32>
      %sub3A_410 = arith.subi %while3A_294, %while3A_293 : i32
      %sub3A_411 = arith.subi %min3A_326, %while3A_293 : i32
      %while3A_412 = arith.subi %sub3A_411, %sub3A_410 : i32
      %while3A_413 = arith.addi %sub3A_410, %while3A_412 : i32
      %while3A_414 = arith.constant 1 : i32
      %while3A_415 = arith.divsi %while3A_412, %while3A_414 : i32
      %while3A_416 = arith.muli %while3A_415, %while3A_414 : i32
      %while3A_417 = arith.addi %sub3A_410, %while3A_416 : i32
      %while3A_418 = arith.constant 1 : i32
      %while3A_419:16 = scf.for %while3A_480 = %sub3A_410 to %while3A_417 step %while3A_418 iter_args(%while3A_481 = %while3A_296, %while3A_482 = %while3A_297, %while3A_483 = %while3A_298, %while3A_484 = %while3A_299, %while3A_485 = %while3A_300, %while3A_486 = %while3A_301, %while3A_487 = %while3A_302, %while3A_488 = %while3A_303, %while3A_489 = %while3A_304, %while3A_490 = %while3A_305, %while3A_491 = %while3A_306, %while3A_492 = %while3A_307, %while3A_493 = %while3A_308, %while3A_494 = %while3A_309, %while3A_495 = %while3A_310, %while3A_496 = %while3A_311) -> (vector<16xf32>, vector<16xf32>, vector<16xf32>, vector<16xf32>, vector<16xf32>, vector<16xf32>, vector<16xf32>, vector<16xf32>, vector<16xf32>, vector<16xf32>, vector<16xf32>, vector<16xf32>, vector<16xf32>, vector<16xf32>, vector<16xf32>, vector<16xf32>)  : i32 {
        %get3A_497 = arith.index_cast %while3A_295 : i32 to index
        %get3A_498 = arith.index_cast %while3A_480 : i32 to index
        %get3A_499 = arith.constant 0 : index
        %get3A_500 = tpu.vector_load %arg9[%get3A_497, %get3A_498, %get3A_499] {strides = array<i32>} : memref<2x128x256xf32, #tpu.memory_space<vmem>>, vector<1x1x16xf32>,
        %get3A_501 = vector.shape_cast %get3A_500 : vector<1x1x16xf32> to vector<16xf32>
        %add3A_502 = arith.addf %get3A_501, %get3A_349 : vector<16xf32>
        %mul3A_503 = arith.mulf %add3A_502, %add3A_502 : vector<16xf32>
        %mul3A_504 = arith.constant -0.0713548139 : f32
        %mul3A_505 = vector.broadcast %mul3A_504 : f32 to vector<16xf32>
        %mul3A_506 = arith.mulf %mul3A_505, %mul3A_503 : vector<16xf32>
        %add3A_507 = arith.constant -1.59576917 : f32
        %add3A_508 = vector.broadcast %add3A_507 : f32 to vector<16xf32>
        %add3A_509 = arith.addf %add3A_508, %mul3A_506 : vector<16xf32>
        %mul3A_510 = arith.mulf %add3A_502, %add3A_509 : vector<16xf32>
        %exp3A = math.exp %mul3A_510 : vector<16xf32>
        %add3A_511 = arith.constant 1.000000e+00 : f32
        %add3A_512 = vector.broadcast %add3A_511 : f32 to vector<16xf32>
        %add3A_513 = arith.addf %add3A_512, %exp3A : vector<16xf32>
        %div3A_514 = arith.divf %add3A_502, %add3A_513 : vector<16xf32>
        %add3A_515 = arith.addf %while3A_481, %div3A_514 : vector<16xf32>
        %get3A_516 = arith.index_cast %while3A_295 : i32 to index
        %get3A_517 = arith.index_cast %while3A_480 : i32 to index
        %get3A_518 = arith.constant 16 : index
        %get3A_519 = tpu.vector_load %arg9[%get3A_516, %get3A_517, %get3A_518] {strides = array<i32>} : memref<2x128x256xf32, #tpu.memory_space<vmem>>, vector<1x1x16xf32>,
        %get3A_520 = vector.shape_cast %get3A_519 : vector<1x1x16xf32> to vector<16xf32>
        %add3A_521 = arith.addf %get3A_520, %get3A_353 : vector<16xf32>
        %mul3A_522 = arith.mulf %add3A_521, %add3A_521 : vector<16xf32>
        %mul3A_523 = arith.constant -0.0713548139 : f32
        %mul3A_524 = vector.broadcast %mul3A_523 : f32 to vector<16xf32>
        %mul3A_525 = arith.mulf %mul3A_524, %mul3A_522 : vector<16xf32>
        %add3A_526 = arith.constant -1.59576917 : f32
        %add3A_527 = vector.broadcast %add3A_526 : f32 to vector<16xf32>
        %add3A_528 = arith.addf %add3A_527, %mul3A_525 : vector<16xf32>
        %mul3A_529 = arith.mulf %add3A_521, %add3A_528 : vector<16xf32>
        %exp3A_530 = math.exp %mul3A_529 : vector<16xf32>
        %add3A_531 = arith.constant 1.000000e+00 : f32
        %add3A_532 = vector.broadcast %add3A_531 : f32 to vector<16xf32>
        %add3A_533 = arith.addf %add3A_532, %exp3A_530 : vector<16xf32>
        %div3A_534 = arith.divf %add3A_521, %add3A_533 : vector<16xf32>
        %add3A_535 = arith.addf %while3A_482, %div3A_534 : vector<16xf32>
        %get3A_536 = arith.index_cast %while3A_295 : i32 to index
        %get3A_537 = arith.index_cast %while3A_480 : i32 to index
        %get3A_538 = arith.constant 32 : index
        %get3A_539 = tpu.vector_load %arg9[%get3A_536, %get3A_537, %get3A_538] {strides = array<i32>} : memref<2x128x256xf32, #tpu.memory_space<vmem>>, vector<1x1x16xf32>,
        %get3A_540 = vector.shape_cast %get3A_539 : vector<1x1x16xf32> to vector<16xf32>
        %add3A_541 = arith.addf %get3A_540, %get3A_357 : vector<16xf32>
        %mul3A_542 = arith.mulf %add3A_541, %add3A_541 : vector<16xf32>
        %mul3A_543 = arith.constant -0.0713548139 : f32
        %mul3A_544 = vector.broadcast %mul3A_543 : f32 to vector<16xf32>
        %mul3A_545 = arith.mulf %mul3A_544, %mul3A_542 : vector<16xf32>
        %add3A_546 = arith.constant -1.59576917 : f32
        %add3A_547 = vector.broadcast %add3A_546 : f32 to vector<16xf32>
        %add3A_548 = arith.addf %add3A_547, %mul3A_545 : vector<16xf32>
        %mul3A_549 = arith.mulf %add3A_541, %add3A_548 : vector<16xf32>
        %exp3A_550 = math.exp %mul3A_549 : vector<16xf32>
        %add3A_551 = arith.constant 1.000000e+00 : f32
        %add3A_552 = vector.broadcast %add3A_551 : f32 to vector<16xf32>
        %add3A_553 = arith.addf %add3A_552, %exp3A_550 : vector<16xf32>
        %div3A_554 = arith.divf %add3A_541, %add3A_553 : vector<16xf32>
        %add3A_555 = arith.addf %while3A_483, %div3A_554 : vector<16xf32>
        %get3A_556 = arith.index_cast %while3A_295 : i32 to index
        %get3A_557 = arith.index_cast %while3A_480 : i32 to index
        %get3A_558 = arith.constant 48 : index
        %get3A_559 = tpu.vector_load %arg9[%get3A_556, %get3A_557, %get3A_558] {strides = array<i32>} : memref<2x128x256xf32, #tpu.memory_space<vmem>>, vector<1x1x16xf32>,
        %get3A_560 = vector.shape_cast %get3A_559 : vector<1x1x16xf32> to vector<16xf32>
        %add3A_561 = arith.addf %get3A_560, %get3A_361 : vector<16xf32>
        %mul3A_562 = arith.mulf %add3A_561, %add3A_561 : vector<16xf32>
        %mul3A_563 = arith.constant -0.0713548139 : f32
        %mul3A_564 = vector.broadcast %mul3A_563 : f32 to vector<16xf32>
        %mul3A_565 = arith.mulf %mul3A_564, %mul3A_562 : vector<16xf32>
        %add3A_566 = arith.constant -1.59576917 : f32
        %add3A_567 = vector.broadcast %add3A_566 : f32 to vector<16xf32>
        %add3A_568 = arith.addf %add3A_567, %mul3A_565 : vector<16xf32>
        %mul3A_569 = arith.mulf %add3A_561, %add3A_568 : vector<16xf32>
        %exp3A_570 = math.exp %mul3A_569 : vector<16xf32>
        %add3A_571 = arith.constant 1.000000e+00 : f32
        %add3A_572 = vector.broadcast %add3A_571 : f32 to vector<16xf32>
        %add3A_573 = arith.addf %add3A_572, %exp3A_570 : vector<16xf32>
        %div3A_574 = arith.divf %add3A_561, %add3A_573 : vector<16xf32>
        %add3A_575 = arith.addf %while3A_484, %div3A_574 : vector<16xf32>
        %get3A_576 = arith.index_cast %while3A_295 : i32 to index
        %get3A_577 = arith.index_cast %while3A_480 : i32 to index
        %get3A_578 = arith.constant 64 : index
        %get3A_579 = tpu.vector_load %arg9[%get3A_576, %get3A_577, %get3A_578] {strides = array<i32>} : memref<2x128x256xf32, #tpu.memory_space<vmem>>, vector<1x1x16xf32>,
        %get3A_580 = vector.shape_cast %get3A_579 : vector<1x1x16xf32> to vector<16xf32>
        %add3A_581 = arith.addf %get3A_580, %get3A_365 : vector<16xf32>
        %mul3A_582 = arith.mulf %add3A_581, %add3A_581 : vector<16xf32>
        %mul3A_583 = arith.constant -0.0713548139 : f32
        %mul3A_584 = vector.broadcast %mul3A_583 : f32 to vector<16xf32>
        %mul3A_585 = arith.mulf %mul3A_584, %mul3A_582 : vector<16xf32>
        %add3A_586 = arith.constant -1.59576917 : f32
        %add3A_587 = vector.broadcast %add3A_586 : f32 to vector<16xf32>
        %add3A_588 = arith.addf %add3A_587, %mul3A_585 : vector<16xf32>
        %mul3A_589 = arith.mulf %add3A_581, %add3A_588 : vector<16xf32>
        %exp3A_590 = math.exp %mul3A_589 : vector<16xf32>
        %add3A_591 = arith.constant 1.000000e+00 : f32
        %add3A_592 = vector.broadcast %add3A_591 : f32 to vector<16xf32>
        %add3A_593 = arith.addf %add3A_592, %exp3A_590 : vector<16xf32>
        %div3A_594 = arith.divf %add3A_581, %add3A_593 : vector<16xf32>
        %add3A_595 = arith.addf %while3A_485, %div3A_594 : vector<16xf32>
        %get3A_596 = arith.index_cast %while3A_295 : i32 to index
        %get3A_597 = arith.index_cast %while3A_480 : i32 to index
        %get3A_598 = arith.constant 80 : index
        %get3A_599 = tpu.vector_load %arg9[%get3A_596, %get3A_597, %get3A_598] {strides = array<i32>} : memref<2x128x256xf32, #tpu.memory_space<vmem>>, vector<1x1x16xf32>,
        %get3A_600 = vector.shape_cast %get3A_599 : vector<1x1x16xf32> to vector<16xf32>
        %add3A_601 = arith.addf %get3A_600, %get3A_369 : vector<16xf32>
        %mul3A_602 = arith.mulf %add3A_601, %add3A_601 : vector<16xf32>
        %mul3A_603 = arith.constant -0.0713548139 : f32
        %mul3A_604 = vector.broadcast %mul3A_603 : f32 to vector<16xf32>
        %mul3A_605 = arith.mulf %mul3A_604, %mul3A_602 : vector<16xf32>
        %add3A_606 = arith.constant -1.59576917 : f32
        %add3A_607 = vector.broadcast %add3A_606 : f32 to vector<16xf32>
        %add3A_608 = arith.addf %add3A_607, %mul3A_605 : vector<16xf32>
        %mul3A_609 = arith.mulf %add3A_601, %add3A_608 : vector<16xf32>
        %exp3A_610 = math.exp %mul3A_609 : vector<16xf32>
        %add3A_611 = arith.constant 1.000000e+00 : f32
        %add3A_612 = vector.broadcast %add3A_611 : f32 to vector<16xf32>
        %add3A_613 = arith.addf %add3A_612, %exp3A_610 : vector<16xf32>
        %div3A_614 = arith.divf %add3A_601, %add3A_613 : vector<16xf32>
        %add3A_615 = arith.addf %while3A_486, %div3A_614 : vector<16xf32>
        %get3A_616 = arith.index_cast %while3A_295 : i32 to index
        %get3A_617 = arith.index_cast %while3A_480 : i32 to index
        %get3A_618 = arith.constant 96 : index
        %get3A_619 = tpu.vector_load %arg9[%get3A_616, %get3A_617, %get3A_618] {strides = array<i32>} : memref<2x128x256xf32, #tpu.memory_space<vmem>>, vector<1x1x16xf32>,
        %get3A_620 = vector.shape_cast %get3A_619 : vector<1x1x16xf32> to vector<16xf32>
        %add3A_621 = arith.addf %get3A_620, %get3A_373 : vector<16xf32>
        %mul3A_622 = arith.mulf %add3A_621, %add3A_621 : vector<16xf32>
        %mul3A_623 = arith.constant -0.0713548139 : f32
        %mul3A_624 = vector.broadcast %mul3A_623 : f32 to vector<16xf32>
        %mul3A_625 = arith.mulf %mul3A_624, %mul3A_622 : vector<16xf32>
        %add3A_626 = arith.constant -1.59576917 : f32
        %add3A_627 = vector.broadcast %add3A_626 : f32 to vector<16xf32>
        %add3A_628 = arith.addf %add3A_627, %mul3A_625 : vector<16xf32>
        %mul3A_629 = arith.mulf %add3A_621, %add3A_628 : vector<16xf32>
        %exp3A_630 = math.exp %mul3A_629 : vector<16xf32>
        %add3A_631 = arith.constant 1.000000e+00 : f32
        %add3A_632 = vector.broadcast %add3A_631 : f32 to vector<16xf32>
        %add3A_633 = arith.addf %add3A_632, %exp3A_630 : vector<16xf32>
        %div3A_634 = arith.divf %add3A_621, %add3A_633 : vector<16xf32>
        %add3A_635 = arith.addf %while3A_487, %div3A_634 : vector<16xf32>
        %get3A_636 = arith.index_cast %while3A_295 : i32 to index
        %get3A_637 = arith.index_cast %while3A_480 : i32 to index
        %get3A_638 = arith.constant 112 : index
        %get3A_639 = tpu.vector_load %arg9[%get3A_636, %get3A_637, %get3A_638] {strides = array<i32>} : memref<2x128x256xf32, #tpu.memory_space<vmem>>, vector<1x1x16xf32>,
        %get3A_640 = vector.shape_cast %get3A_639 : vector<1x1x16xf32> to vector<16xf32>
        %add3A_641 = arith.addf %get3A_640, %get3A_377 : vector<16xf32>
        %mul3A_642 = arith.mulf %add3A_641, %add3A_641 : vector<16xf32>
        %mul3A_643 = arith.constant -0.0713548139 : f32
        %mul3A_644 = vector.broadcast %mul3A_643 : f32 to vector<16xf32>
        %mul3A_645 = arith.mulf %mul3A_644, %mul3A_642 : vector<16xf32>
        %add3A_646 = arith.constant -1.59576917 : f32
        %add3A_647 = vector.broadcast %add3A_646 : f32 to vector<16xf32>
        %add3A_648 = arith.addf %add3A_647, %mul3A_645 : vector<16xf32>
        %mul3A_649 = arith.mulf %add3A_641, %add3A_648 : vector<16xf32>
        %exp3A_650 = math.exp %mul3A_649 : vector<16xf32>
        %add3A_651 = arith.constant 1.000000e+00 : f32
        %add3A_652 = vector.broadcast %add3A_651 : f32 to vector<16xf32>
        %add3A_653 = arith.addf %add3A_652, %exp3A_650 : vector<16xf32>
        %div3A_654 = arith.divf %add3A_641, %add3A_653 : vector<16xf32>
        %add3A_655 = arith.addf %while3A_488, %div3A_654 : vector<16xf32>
        %get3A_656 = arith.index_cast %while3A_295 : i32 to index
        %get3A_657 = arith.index_cast %while3A_480 : i32 to index
        %get3A_658 = arith.constant 128 : index
        %get3A_659 = tpu.vector_load %arg9[%get3A_656, %get3A_657, %get3A_658] {strides = array<i32>} : memref<2x128x256xf32, #tpu.memory_space<vmem>>, vector<1x1x16xf32>,
        %get3A_660 = vector.shape_cast %get3A_659 : vector<1x1x16xf32> to vector<16xf32>
        %add3A_661 = arith.addf %get3A_660, %get3A_381 : vector<16xf32>
        %mul3A_662 = arith.mulf %add3A_661, %add3A_661 : vector<16xf32>
        %mul3A_663 = arith.constant -0.0713548139 : f32
        %mul3A_664 = vector.broadcast %mul3A_663 : f32 to vector<16xf32>
        %mul3A_665 = arith.mulf %mul3A_664, %mul3A_662 : vector<16xf32>
        %add3A_666 = arith.constant -1.59576917 : f32
        %add3A_667 = vector.broadcast %add3A_666 : f32 to vector<16xf32>
        %add3A_668 = arith.addf %add3A_667, %mul3A_665 : vector<16xf32>
        %mul3A_669 = arith.mulf %add3A_661, %add3A_668 : vector<16xf32>
        %exp3A_670 = math.exp %mul3A_669 : vector<16xf32>
        %add3A_671 = arith.constant 1.000000e+00 : f32
        %add3A_672 = vector.broadcast %add3A_671 : f32 to vector<16xf32>
        %add3A_673 = arith.addf %add3A_672, %exp3A_670 : vector<16xf32>
        %div3A_674 = arith.divf %add3A_661, %add3A_673 : vector<16xf32>
        %add3A_675 = arith.addf %while3A_489, %div3A_674 : vector<16xf32>
        %get3A_676 = arith.index_cast %while3A_295 : i32 to index
        %get3A_677 = arith.index_cast %while3A_480 : i32 to index
        %get3A_678 = arith.constant 144 : index
        %get3A_679 = tpu.vector_load %arg9[%get3A_676, %get3A_677, %get3A_678] {strides = array<i32>} : memref<2x128x256xf32, #tpu.memory_space<vmem>>, vector<1x1x16xf32>,
        %get3A_680 = vector.shape_cast %get3A_679 : vector<1x1x16xf32> to vector<16xf32>
        %add3A_681 = arith.addf %get3A_680, %get3A_385 : vector<16xf32>
        %mul3A_682 = arith.mulf %add3A_681, %add3A_681 : vector<16xf32>
        %mul3A_683 = arith.constant -0.0713548139 : f32
        %mul3A_684 = vector.broadcast %mul3A_683 : f32 to vector<16xf32>
        %mul3A_685 = arith.mulf %mul3A_684, %mul3A_682 : vector<16xf32>
        %add3A_686 = arith.constant -1.59576917 : f32
        %add3A_687 = vector.broadcast %add3A_686 : f32 to vector<16xf32>
        %add3A_688 = arith.addf %add3A_687, %mul3A_685 : vector<16xf32>
        %mul3A_689 = arith.mulf %add3A_681, %add3A_688 : vector<16xf32>
        %exp3A_690 = math.exp %mul3A_689 : vector<16xf32>
        %add3A_691 = arith.constant 1.000000e+00 : f32
        %add3A_692 = vector.broadcast %add3A_691 : f32 to vector<16xf32>
        %add3A_693 = arith.addf %add3A_692, %exp3A_690 : vector<16xf32>
        %div3A_694 = arith.divf %add3A_681, %add3A_693 : vector<16xf32>
        %add3A_695 = arith.addf %while3A_490, %div3A_694 : vector<16xf32>
        %get3A_696 = arith.index_cast %while3A_295 : i32 to index
        %get3A_697 = arith.index_cast %while3A_480 : i32 to index
        %get3A_698 = arith.constant 160 : index
        %get3A_699 = tpu.vector_load %arg9[%get3A_696, %get3A_697, %get3A_698] {strides = array<i32>} : memref<2x128x256xf32, #tpu.memory_space<vmem>>, vector<1x1x16xf32>,
        %get3A_700 = vector.shape_cast %get3A_699 : vector<1x1x16xf32> to vector<16xf32>
        %add3A_701 = arith.addf %get3A_700, %get3A_389 : vector<16xf32>
        %mul3A_702 = arith.mulf %add3A_701, %add3A_701 : vector<16xf32>
        %mul3A_703 = arith.constant -0.0713548139 : f32
        %mul3A_704 = vector.broadcast %mul3A_703 : f32 to vector<16xf32>
        %mul3A_705 = arith.mulf %mul3A_704, %mul3A_702 : vector<16xf32>
        %add3A_706 = arith.constant -1.59576917 : f32
        %add3A_707 = vector.broadcast %add3A_706 : f32 to vector<16xf32>
        %add3A_708 = arith.addf %add3A_707, %mul3A_705 : vector<16xf32>
        %mul3A_709 = arith.mulf %add3A_701, %add3A_708 : vector<16xf32>
        %exp3A_710 = math.exp %mul3A_709 : vector<16xf32>
        %add3A_711 = arith.constant 1.000000e+00 : f32
        %add3A_712 = vector.broadcast %add3A_711 : f32 to vector<16xf32>
        %add3A_713 = arith.addf %add3A_712, %exp3A_710 : vector<16xf32>
        %div3A_714 = arith.divf %add3A_701, %add3A_713 : vector<16xf32>
        %add3A_715 = arith.addf %while3A_491, %div3A_714 : vector<16xf32>
        %get3A_716 = arith.index_cast %while3A_295 : i32 to index
        %get3A_717 = arith.index_cast %while3A_480 : i32 to index
        %get3A_718 = arith.constant 176 : index
        %get3A_719 = tpu.vector_load %arg9[%get3A_716, %get3A_717, %get3A_718] {strides = array<i32>} : memref<2x128x256xf32, #tpu.memory_space<vmem>>, vector<1x1x16xf32>,
        %get3A_720 = vector.shape_cast %get3A_719 : vector<1x1x16xf32> to vector<16xf32>
        %add3A_721 = arith.addf %get3A_720, %get3A_393 : vector<16xf32>
        %mul3A_722 = arith.mulf %add3A_721, %add3A_721 : vector<16xf32>
        %mul3A_723 = arith.constant -0.0713548139 : f32
        %mul3A_724 = vector.broadcast %mul3A_723 : f32 to vector<16xf32>
        %mul3A_725 = arith.mulf %mul3A_724, %mul3A_722 : vector<16xf32>
        %add3A_726 = arith.constant -1.59576917 : f32
        %add3A_727 = vector.broadcast %add3A_726 : f32 to vector<16xf32>
        %add3A_728 = arith.addf %add3A_727, %mul3A_725 : vector<16xf32>
        %mul3A_729 = arith.mulf %add3A_721, %add3A_728 : vector<16xf32>
        %exp3A_730 = math.exp %mul3A_729 : vector<16xf32>
        %add3A_731 = arith.constant 1.000000e+00 : f32
        %add3A_732 = vector.broadcast %add3A_731 : f32 to vector<16xf32>
        %add3A_733 = arith.addf %add3A_732, %exp3A_730 : vector<16xf32>
        %div3A_734 = arith.divf %add3A_721, %add3A_733 : vector<16xf32>
        %add3A_735 = arith.addf %while3A_492, %div3A_734 : vector<16xf32>
        %get3A_736 = arith.index_cast %while3A_295 : i32 to index
        %get3A_737 = arith.index_cast %while3A_480 : i32 to index
        %get3A_738 = arith.constant 192 : index
        %get3A_739 = tpu.vector_load %arg9[%get3A_736, %get3A_737, %get3A_738] {strides = array<i32>} : memref<2x128x256xf32, #tpu.memory_space<vmem>>, vector<1x1x16xf32>,
        %get3A_740 = vector.shape_cast %get3A_739 : vector<1x1x16xf32> to vector<16xf32>
        %add3A_741 = arith.addf %get3A_740, %get3A_397 : vector<16xf32>
        %mul3A_742 = arith.mulf %add3A_741, %add3A_741 : vector<16xf32>
        %mul3A_743 = arith.constant -0.0713548139 : f32
        %mul3A_744 = vector.broadcast %mul3A_743 : f32 to vector<16xf32>
        %mul3A_745 = arith.mulf %mul3A_744, %mul3A_742 : vector<16xf32>
        %add3A_746 = arith.constant -1.59576917 : f32
        %add3A_747 = vector.broadcast %add3A_746 : f32 to vector<16xf32>
        %add3A_748 = arith.addf %add3A_747, %mul3A_745 : vector<16xf32>
        %mul3A_749 = arith.mulf %add3A_741, %add3A_748 : vector<16xf32>
        %exp3A_750 = math.exp %mul3A_749 : vector<16xf32>
        %add3A_751 = arith.constant 1.000000e+00 : f32
        %add3A_752 = vector.broadcast %add3A_751 : f32 to vector<16xf32>
        %add3A_753 = arith.addf %add3A_752, %exp3A_750 : vector<16xf32>
        %div3A_754 = arith.divf %add3A_741, %add3A_753 : vector<16xf32>
        %add3A_755 = arith.addf %while3A_493, %div3A_754 : vector<16xf32>
        %get3A_756 = arith.index_cast %while3A_295 : i32 to index
        %get3A_757 = arith.index_cast %while3A_480 : i32 to index
        %get3A_758 = arith.constant 208 : index
        %get3A_759 = tpu.vector_load %arg9[%get3A_756, %get3A_757, %get3A_758] {strides = array<i32>} : memref<2x128x256xf32, #tpu.memory_space<vmem>>, vector<1x1x16xf32>,
        %get3A_760 = vector.shape_cast %get3A_759 : vector<1x1x16xf32> to vector<16xf32>
        %add3A_761 = arith.addf %get3A_760, %get3A_401 : vector<16xf32>
        %mul3A_762 = arith.mulf %add3A_761, %add3A_761 : vector<16xf32>
        %mul3A_763 = arith.constant -0.0713548139 : f32
        %mul3A_764 = vector.broadcast %mul3A_763 : f32 to vector<16xf32>
        %mul3A_765 = arith.mulf %mul3A_764, %mul3A_762 : vector<16xf32>
        %add3A_766 = arith.constant -1.59576917 : f32
        %add3A_767 = vector.broadcast %add3A_766 : f32 to vector<16xf32>
        %add3A_768 = arith.addf %add3A_767, %mul3A_765 : vector<16xf32>
        %mul3A_769 = arith.mulf %add3A_761, %add3A_768 : vector<16xf32>
        %exp3A_770 = math.exp %mul3A_769 : vector<16xf32>
        %add3A_771 = arith.constant 1.000000e+00 : f32
        %add3A_772 = vector.broadcast %add3A_771 : f32 to vector<16xf32>
        %add3A_773 = arith.addf %add3A_772, %exp3A_770 : vector<16xf32>
        %div3A_774 = arith.divf %add3A_761, %add3A_773 : vector<16xf32>
        %add3A_775 = arith.addf %while3A_494, %div3A_774 : vector<16xf32>
        %get3A_776 = arith.index_cast %while3A_295 : i32 to index
        %get3A_777 = arith.index_cast %while3A_480 : i32 to index
        %get3A_778 = arith.constant 224 : index
        %get3A_779 = tpu.vector_load %arg9[%get3A_776, %get3A_777, %get3A_778] {strides = array<i32>} : memref<2x128x256xf32, #tpu.memory_space<vmem>>, vector<1x1x16xf32>,
        %get3A_780 = vector.shape_cast %get3A_779 : vector<1x1x16xf32> to vector<16xf32>
        %add3A_781 = arith.addf %get3A_780, %get3A_405 : vector<16xf32>
        %mul3A_782 = arith.mulf %add3A_781, %add3A_781 : vector<16xf32>
        %mul3A_783 = arith.constant -0.0713548139 : f32
        %mul3A_784 = vector.broadcast %mul3A_783 : f32 to vector<16xf32>
        %mul3A_785 = arith.mulf %mul3A_784, %mul3A_782 : vector<16xf32>
        %add3A_786 = arith.constant -1.59576917 : f32
        %add3A_787 = vector.broadcast %add3A_786 : f32 to vector<16xf32>
        %add3A_788 = arith.addf %add3A_787, %mul3A_785 : vector<16xf32>
        %mul3A_789 = arith.mulf %add3A_781, %add3A_788 : vector<16xf32>
        %exp3A_790 = math.exp %mul3A_789 : vector<16xf32>
        %add3A_791 = arith.constant 1.000000e+00 : f32
        %add3A_792 = vector.broadcast %add3A_791 : f32 to vector<16xf32>
        %add3A_793 = arith.addf %add3A_792, %exp3A_790 : vector<16xf32>
        %div3A_794 = arith.divf %add3A_781, %add3A_793 : vector<16xf32>
        %add3A_795 = arith.addf %while3A_495, %div3A_794 : vector<16xf32>
        %get3A_796 = arith.index_cast %while3A_295 : i32 to index
        %get3A_797 = arith.index_cast %while3A_480 : i32 to index
        %get3A_798 = arith.constant 240 : index
        %get3A_799 = tpu.vector_load %arg9[%get3A_796, %get3A_797, %get3A_798] {strides = array<i32>} : memref<2x128x256xf32, #tpu.memory_space<vmem>>, vector<1x1x16xf32>,
        %get3A_800 = vector.shape_cast %get3A_799 : vector<1x1x16xf32> to vector<16xf32>
        %add3A_801 = arith.addf %get3A_800, %get3A_409 : vector<16xf32>
        %mul3A_802 = arith.mulf %add3A_801, %add3A_801 : vector<16xf32>
        %mul3A_803 = arith.constant -0.0713548139 : f32
        %mul3A_804 = vector.broadcast %mul3A_803 : f32 to vector<16xf32>
        %mul3A_805 = arith.mulf %mul3A_804, %mul3A_802 : vector<16xf32>
        %add3A_806 = arith.constant -1.59576917 : f32
        %add3A_807 = vector.broadcast %add3A_806 : f32 to vector<16xf32>
        %add3A_808 = arith.addf %add3A_807, %mul3A_805 : vector<16xf32>
        %mul3A_809 = arith.mulf %add3A_801, %add3A_808 : vector<16xf32>
        %exp3A_810 = math.exp %mul3A_809 : vector<16xf32>
        %add3A_811 = arith.constant 1.000000e+00 : f32
        %add3A_812 = vector.broadcast %add3A_811 : f32 to vector<16xf32>
        %add3A_813 = arith.addf %add3A_812, %exp3A_810 : vector<16xf32>
        %div3A_814 = arith.divf %add3A_801, %add3A_813 : vector<16xf32>
        %add3A_815 = arith.addf %while3A_496, %div3A_814 : vector<16xf32>
        scf.yield %add3A_515, %add3A_535, %add3A_555, %add3A_575, %add3A_595, %add3A_615, %add3A_635, %add3A_655, %add3A_675, %add3A_695, %add3A_715, %add3A_735, %add3A_755, %add3A_775, %add3A_795, %add3A_815 : vector<16xf32>, vector<16xf32>, vector<16xf32>, vector<16xf32>, vector<16xf32>, vector<16xf32>, vector<16xf32>, vector<16xf32>, vector<16xf32>, vector<16xf32>, vector<16xf32>, vector<16xf32>, vector<16xf32>, vector<16xf32>, vector<16xf32>, vector<16xf32>
      }
      %while3A_420 = arith.constant 1 : i32
      %while3A_421:16 = scf.for %while3A_480 = %while3A_417 to %while3A_413 step %while3A_420 iter_args(%while3A_481 = %while3A_419#0, %while3A_482 = %while3A_419#1, %while3A_483 = %while3A_419#2, %while3A_484 = %while3A_419#3, %while3A_485 = %while3A_419#4, %while3A_486 = %while3A_419#5, %while3A_487 = %while3A_419#6, %while3A_488 = %while3A_419#7, %while3A_489 = %while3A_419#8, %while3A_490 = %while3A_419#9, %while3A_491 = %while3A_419#10, %while3A_492 = %while3A_419#11, %while3A_493 = %while3A_419#12, %while3A_494 = %while3A_419#13, %while3A_495 = %while3A_419#14, %while3A_496 = %while3A_419#15) -> (vector<16xf32>, vector<16xf32>, vector<16xf32>, vector<16xf32>, vector<16xf32>, vector<16xf32>, vector<16xf32>, vector<16xf32>, vector<16xf32>, vector<16xf32>, vector<16xf32>, vector<16xf32>, vector<16xf32>, vector<16xf32>, vector<16xf32>, vector<16xf32>)  : i32 {
        %get3A_497 = arith.index_cast %while3A_295 : i32 to index
        %get3A_498 = arith.index_cast %while3A_480 : i32 to index
        %get3A_499 = arith.constant 0 : index
        %get3A_500 = tpu.vector_load %arg9[%get3A_497, %get3A_498, %get3A_499] {strides = array<i32>} : memref<2x128x256xf32, #tpu.memory_space<vmem>>, vector<1x1x16xf32>,
        %get3A_501 = vector.shape_cast %get3A_500 : vector<1x1x16xf32> to vector<16xf32>
        %add3A_502 = arith.addf %get3A_501, %get3A_349 : vector<16xf32>
        %mul3A_503 = arith.mulf %add3A_502, %add3A_502 : vector<16xf32>
        %mul3A_504 = arith.constant -0.0713548139 : f32
        %mul3A_505 = vector.broadcast %mul3A_504 : f32 to vector<16xf32>
        %mul3A_506 = arith.mulf %mul3A_505, %mul3A_503 : vector<16xf32>
        %add3A_507 = arith.constant -1.59576917 : f32
        %add3A_508 = vector.broadcast %add3A_507 : f32 to vector<16xf32>
        %add3A_509 = arith.addf %add3A_508, %mul3A_506 : vector<16xf32>
        %mul3A_510 = arith.mulf %add3A_502, %add3A_509 : vector<16xf32>
        %exp3A = math.exp %mul3A_510 : vector<16xf32>
        %add3A_511 = arith.constant 1.000000e+00 : f32
        %add3A_512 = vector.broadcast %add3A_511 : f32 to vector<16xf32>
        %add3A_513 = arith.addf %add3A_512, %exp3A : vector<16xf32>
        %div3A_514 = arith.divf %add3A_502, %add3A_513 : vector<16xf32>
        %add3A_515 = arith.addf %while3A_481, %div3A_514 : vector<16xf32>
        %get3A_516 = arith.index_cast %while3A_295 : i32 to index
        %get3A_517 = arith.index_cast %while3A_480 : i32 to index
        %get3A_518 = arith.constant 16 : index
        %get3A_519 = tpu.vector_load %arg9[%get3A_516, %get3A_517, %get3A_518] {strides = array<i32>} : memref<2x128x256xf32, #tpu.memory_space<vmem>>, vector<1x1x16xf32>,
        %get3A_520 = vector.shape_cast %get3A_519 : vector<1x1x16xf32> to vector<16xf32>
        %add3A_521 = arith.addf %get3A_520, %get3A_353 : vector<16xf32>
        %mul3A_522 = arith.mulf %add3A_521, %add3A_521 : vector<16xf32>
        %mul3A_523 = arith.constant -0.0713548139 : f32
        %mul3A_524 = vector.broadcast %mul3A_523 : f32 to vector<16xf32>
        %mul3A_525 = arith.mulf %mul3A_524, %mul3A_522 : vector<16xf32>
        %add3A_526 = arith.constant -1.59576917 : f32
        %add3A_527 = vector.broadcast %add3A_526 : f32 to vector<16xf32>
        %add3A_528 = arith.addf %add3A_527, %mul3A_525 : vector<16xf32>
        %mul3A_529 = arith.mulf %add3A_521, %add3A_528 : vector<16xf32>
        %exp3A_530 = math.exp %mul3A_529 : vector<16xf32>
        %add3A_531 = arith.constant 1.000000e+00 : f32
        %add3A_532 = vector.broadcast %add3A_531 : f32 to vector<16xf32>
        %add3A_533 = arith.addf %add3A_532, %exp3A_530 : vector<16xf32>
        %div3A_534 = arith.divf %add3A_521, %add3A_533 : vector<16xf32>
        %add3A_535 = arith.addf %while3A_482, %div3A_534 : vector<16xf32>
        %get3A_536 = arith.index_cast %while3A_295 : i32 to index
        %get3A_537 = arith.index_cast %while3A_480 : i32 to index
        %get3A_538 = arith.constant 32 : index
        %get3A_539 = tpu.vector_load %arg9[%get3A_536, %get3A_537, %get3A_538] {strides = array<i32>} : memref<2x128x256xf32, #tpu.memory_space<vmem>>, vector<1x1x16xf32>,
        %get3A_540 = vector.shape_cast %get3A_539 : vector<1x1x16xf32> to vector<16xf32>
        %add3A_541 = arith.addf %get3A_540, %get3A_357 : vector<16xf32>
        %mul3A_542 = arith.mulf %add3A_541, %add3A_541 : vector<16xf32>
        %mul3A_543 = arith.constant -0.0713548139 : f32
        %mul3A_544 = vector.broadcast %mul3A_543 : f32 to vector<16xf32>
        %mul3A_545 = arith.mulf %mul3A_544, %mul3A_542 : vector<16xf32>
        %add3A_546 = arith.constant -1.59576917 : f32
        %add3A_547 = vector.broadcast %add3A_546 : f32 to vector<16xf32>
        %add3A_548 = arith.addf %add3A_547, %mul3A_545 : vector<16xf32>
        %mul3A_549 = arith.mulf %add3A_541, %add3A_548 : vector<16xf32>
        %exp3A_550 = math.exp %mul3A_549 : vector<16xf32>
        %add3A_551 = arith.constant 1.000000e+00 : f32
        %add3A_552 = vector.broadcast %add3A_551 : f32 to vector<16xf32>
        %add3A_553 = arith.addf %add3A_552, %exp3A_550 : vector<16xf32>
        %div3A_554 = arith.divf %add3A_541, %add3A_553 : vector<16xf32>
        %add3A_555 = arith.addf %while3A_483, %div3A_554 : vector<16xf32>
        %get3A_556 = arith.index_cast %while3A_295 : i32 to index
        %get3A_557 = arith.index_cast %while3A_480 : i32 to index
        %get3A_558 = arith.constant 48 : index
        %get3A_559 = tpu.vector_load %arg9[%get3A_556, %get3A_557, %get3A_558] {strides = array<i32>} : memref<2x128x256xf32, #tpu.memory_space<vmem>>, vector<1x1x16xf32>,
        %get3A_560 = vector.shape_cast %get3A_559 : vector<1x1x16xf32> to vector<16xf32>
        %add3A_561 = arith.addf %get3A_560, %get3A_361 : vector<16xf32>
        %mul3A_562 = arith.mulf %add3A_561, %add3A_561 : vector<16xf32>
        %mul3A_563 = arith.constant -0.0713548139 : f32
        %mul3A_564 = vector.broadcast %mul3A_563 : f32 to vector<16xf32>
        %mul3A_565 = arith.mulf %mul3A_564, %mul3A_562 : vector<16xf32>
        %add3A_566 = arith.constant -1.59576917 : f32
        %add3A_567 = vector.broadcast %add3A_566 : f32 to vector<16xf32>
        %add3A_568 = arith.addf %add3A_567, %mul3A_565 : vector<16xf32>
        %mul3A_569 = arith.mulf %add3A_561, %add3A_568 : vector<16xf32>
        %exp3A_570 = math.exp %mul3A_569 : vector<16xf32>
        %add3A_571 = arith.constant 1.000000e+00 : f32
        %add3A_572 = vector.broadcast %add3A_571 : f32 to vector<16xf32>
        %add3A_573 = arith.addf %add3A_572, %exp3A_570 : vector<16xf32>
        %div3A_574 = arith.divf %add3A_561, %add3A_573 : vector<16xf32>
        %add3A_575 = arith.addf %while3A_484, %div3A_574 : vector<16xf32>
        %get3A_576 = arith.index_cast %while3A_295 : i32 to index
        %get3A_577 = arith.index_cast %while3A_480 : i32 to index
        %get3A_578 = arith.constant 64 : index
        %get3A_579 = tpu.vector_load %arg9[%get3A_576, %get3A_577, %get3A_578] {strides = array<i32>} : memref<2x128x256xf32, #tpu.memory_space<vmem>>, vector<1x1x16xf32>,
        %get3A_580 = vector.shape_cast %get3A_579 : vector<1x1x16xf32> to vector<16xf32>
        %add3A_581 = arith.addf %get3A_580, %get3A_365 : vector<16xf32>
        %mul3A_582 = arith.mulf %add3A_581, %add3A_581 : vector<16xf32>
        %mul3A_583 = arith.constant -0.0713548139 : f32
        %mul3A_584 = vector.broadcast %mul3A_583 : f32 to vector<16xf32>
        %mul3A_585 = arith.mulf %mul3A_584, %mul3A_582 : vector<16xf32>
        %add3A_586 = arith.constant -1.59576917 : f32
        %add3A_587 = vector.broadcast %add3A_586 : f32 to vector<16xf32>
        %add3A_588 = arith.addf %add3A_587, %mul3A_585 : vector<16xf32>
        %mul3A_589 = arith.mulf %add3A_581, %add3A_588 : vector<16xf32>
        %exp3A_590 = math.exp %mul3A_589 : vector<16xf32>
        %add3A_591 = arith.constant 1.000000e+00 : f32
        %add3A_592 = vector.broadcast %add3A_591 : f32 to vector<16xf32>
        %add3A_593 = arith.addf %add3A_592, %exp3A_590 : vector<16xf32>
        %div3A_594 = arith.divf %add3A_581, %add3A_593 : vector<16xf32>
        %add3A_595 = arith.addf %while3A_485, %div3A_594 : vector<16xf32>
        %get3A_596 = arith.index_cast %while3A_295 : i32 to index
        %get3A_597 = arith.index_cast %while3A_480 : i32 to index
        %get3A_598 = arith.constant 80 : index
        %get3A_599 = tpu.vector_load %arg9[%get3A_596, %get3A_597, %get3A_598] {strides = array<i32>} : memref<2x128x256xf32, #tpu.memory_space<vmem>>, vector<1x1x16xf32>,
        %get3A_600 = vector.shape_cast %get3A_599 : vector<1x1x16xf32> to vector<16xf32>
        %add3A_601 = arith.addf %get3A_600, %get3A_369 : vector<16xf32>
        %mul3A_602 = arith.mulf %add3A_601, %add3A_601 : vector<16xf32>
        %mul3A_603 = arith.constant -0.0713548139 : f32
        %mul3A_604 = vector.broadcast %mul3A_603 : f32 to vector<16xf32>
        %mul3A_605 = arith.mulf %mul3A_604, %mul3A_602 : vector<16xf32>
        %add3A_606 = arith.constant -1.59576917 : f32
        %add3A_607 = vector.broadcast %add3A_606 : f32 to vector<16xf32>
        %add3A_608 = arith.addf %add3A_607, %mul3A_605 : vector<16xf32>
        %mul3A_609 = arith.mulf %add3A_601, %add3A_608 : vector<16xf32>
        %exp3A_610 = math.exp %mul3A_609 : vector<16xf32>
        %add3A_611 = arith.constant 1.000000e+00 : f32
        %add3A_612 = vector.broadcast %add3A_611 : f32 to vector<16xf32>
        %add3A_613 = arith.addf %add3A_612, %exp3A_610 : vector<16xf32>
        %div3A_614 = arith.divf %add3A_601, %add3A_613 : vector<16xf32>
        %add3A_615 = arith.addf %while3A_486, %div3A_614 : vector<16xf32>
        %get3A_616 = arith.index_cast %while3A_295 : i32 to index
        %get3A_617 = arith.index_cast %while3A_480 : i32 to index
        %get3A_618 = arith.constant 96 : index
        %get3A_619 = tpu.vector_load %arg9[%get3A_616, %get3A_617, %get3A_618] {strides = array<i32>} : memref<2x128x256xf32, #tpu.memory_space<vmem>>, vector<1x1x16xf32>,
        %get3A_620 = vector.shape_cast %get3A_619 : vector<1x1x16xf32> to vector<16xf32>
        %add3A_621 = arith.addf %get3A_620, %get3A_373 : vector<16xf32>
        %mul3A_622 = arith.mulf %add3A_621, %add3A_621 : vector<16xf32>
        %mul3A_623 = arith.constant -0.0713548139 : f32
        %mul3A_624 = vector.broadcast %mul3A_623 : f32 to vector<16xf32>
        %mul3A_625 = arith.mulf %mul3A_624, %mul3A_622 : vector<16xf32>
        %add3A_626 = arith.constant -1.59576917 : f32
        %add3A_627 = vector.broadcast %add3A_626 : f32 to vector<16xf32>
        %add3A_628 = arith.addf %add3A_627, %mul3A_625 : vector<16xf32>
        %mul3A_629 = arith.mulf %add3A_621, %add3A_628 : vector<16xf32>
        %exp3A_630 = math.exp %mul3A_629 : vector<16xf32>
        %add3A_631 = arith.constant 1.000000e+00 : f32
        %add3A_632 = vector.broadcast %add3A_631 : f32 to vector<16xf32>
        %add3A_633 = arith.addf %add3A_632, %exp3A_630 : vector<16xf32>
        %div3A_634 = arith.divf %add3A_621, %add3A_633 : vector<16xf32>
        %add3A_635 = arith.addf %while3A_487, %div3A_634 : vector<16xf32>
        %get3A_636 = arith.index_cast %while3A_295 : i32 to index
        %get3A_637 = arith.index_cast %while3A_480 : i32 to index
        %get3A_638 = arith.constant 112 : index
        %get3A_639 = tpu.vector_load %arg9[%get3A_636, %get3A_637, %get3A_638] {strides = array<i32>} : memref<2x128x256xf32, #tpu.memory_space<vmem>>, vector<1x1x16xf32>,
        %get3A_640 = vector.shape_cast %get3A_639 : vector<1x1x16xf32> to vector<16xf32>
        %add3A_641 = arith.addf %get3A_640, %get3A_377 : vector<16xf32>
        %mul3A_642 = arith.mulf %add3A_641, %add3A_641 : vector<16xf32>
        %mul3A_643 = arith.constant -0.0713548139 : f32
        %mul3A_644 = vector.broadcast %mul3A_643 : f32 to vector<16xf32>
        %mul3A_645 = arith.mulf %mul3A_644, %mul3A_642 : vector<16xf32>
        %add3A_646 = arith.constant -1.59576917 : f32
        %add3A_647 = vector.broadcast %add3A_646 : f32 to vector<16xf32>
        %add3A_648 = arith.addf %add3A_647, %mul3A_645 : vector<16xf32>
        %mul3A_649 = arith.mulf %add3A_641, %add3A_648 : vector<16xf32>
        %exp3A_650 = math.exp %mul3A_649 : vector<16xf32>
        %add3A_651 = arith.constant 1.000000e+00 : f32
        %add3A_652 = vector.broadcast %add3A_651 : f32 to vector<16xf32>
        %add3A_653 = arith.addf %add3A_652, %exp3A_650 : vector<16xf32>
        %div3A_654 = arith.divf %add3A_641, %add3A_653 : vector<16xf32>
        %add3A_655 = arith.addf %while3A_488, %div3A_654 : vector<16xf32>
        %get3A_656 = arith.index_cast %while3A_295 : i32 to index
        %get3A_657 = arith.index_cast %while3A_480 : i32 to index
        %get3A_658 = arith.constant 128 : index
        %get3A_659 = tpu.vector_load %arg9[%get3A_656, %get3A_657, %get3A_658] {strides = array<i32>} : memref<2x128x256xf32, #tpu.memory_space<vmem>>, vector<1x1x16xf32>,
        %get3A_660 = vector.shape_cast %get3A_659 : vector<1x1x16xf32> to vector<16xf32>
        %add3A_661 = arith.addf %get3A_660, %get3A_381 : vector<16xf32>
        %mul3A_662 = arith.mulf %add3A_661, %add3A_661 : vector<16xf32>
        %mul3A_663 = arith.constant -0.0713548139 : f32
        %mul3A_664 = vector.broadcast %mul3A_663 : f32 to vector<16xf32>
        %mul3A_665 = arith.mulf %mul3A_664, %mul3A_662 : vector<16xf32>
        %add3A_666 = arith.constant -1.59576917 : f32
        %add3A_667 = vector.broadcast %add3A_666 : f32 to vector<16xf32>
        %add3A_668 = arith.addf %add3A_667, %mul3A_665 : vector<16xf32>
        %mul3A_669 = arith.mulf %add3A_661, %add3A_668 : vector<16xf32>
        %exp3A_670 = math.exp %mul3A_669 : vector<16xf32>
        %add3A_671 = arith.constant 1.000000e+00 : f32
        %add3A_672 = vector.broadcast %add3A_671 : f32 to vector<16xf32>
        %add3A_673 = arith.addf %add3A_672, %exp3A_670 : vector<16xf32>
        %div3A_674 = arith.divf %add3A_661, %add3A_673 : vector<16xf32>
        %add3A_675 = arith.addf %while3A_489, %div3A_674 : vector<16xf32>
        %get3A_676 = arith.index_cast %while3A_295 : i32 to index
        %get3A_677 = arith.index_cast %while3A_480 : i32 to index
        %get3A_678 = arith.constant 144 : index
        %get3A_679 = tpu.vector_load %arg9[%get3A_676, %get3A_677, %get3A_678] {strides = array<i32>} : memref<2x128x256xf32, #tpu.memory_space<vmem>>, vector<1x1x16xf32>,
        %get3A_680 = vector.shape_cast %get3A_679 : vector<1x1x16xf32> to vector<16xf32>
        %add3A_681 = arith.addf %get3A_680, %get3A_385 : vector<16xf32>
        %mul3A_682 = arith.mulf %add3A_681, %add3A_681 : vector<16xf32>
        %mul3A_683 = arith.constant -0.0713548139 : f32
        %mul3A_684 = vector.broadcast %mul3A_683 : f32 to vector<16xf32>
        %mul3A_685 = arith.mulf %mul3A_684, %mul3A_682 : vector<16xf32>
        %add3A_686 = arith.constant -1.59576917 : f32
        %add3A_687 = vector.broadcast %add3A_686 : f32 to vector<16xf32>
        %add3A_688 = arith.addf %add3A_687, %mul3A_685 : vector<16xf32>
        %mul3A_689 = arith.mulf %add3A_681, %add3A_688 : vector<16xf32>
        %exp3A_690 = math.exp %mul3A_689 : vector<16xf32>
        %add3A_691 = arith.constant 1.000000e+00 : f32
        %add3A_692 = vector.broadcast %add3A_691 : f32 to vector<16xf32>
        %add3A_693 = arith.addf %add3A_692, %exp3A_690 : vector<16xf32>
        %div3A_694 = arith.divf %add3A_681, %add3A_693 : vector<16xf32>
        %add3A_695 = arith.addf %while3A_490, %div3A_694 : vector<16xf32>
        %get3A_696 = arith.index_cast %while3A_295 : i32 to index
        %get3A_697 = arith.index_cast %while3A_480 : i32 to index
        %get3A_698 = arith.constant 160 : index
        %get3A_699 = tpu.vector_load %arg9[%get3A_696, %get3A_697, %get3A_698] {strides = array<i32>} : memref<2x128x256xf32, #tpu.memory_space<vmem>>, vector<1x1x16xf32>,
        %get3A_700 = vector.shape_cast %get3A_699 : vector<1x1x16xf32> to vector<16xf32>
        %add3A_701 = arith.addf %get3A_700, %get3A_389 : vector<16xf32>
        %mul3A_702 = arith.mulf %add3A_701, %add3A_701 : vector<16xf32>
        %mul3A_703 = arith.constant -0.0713548139 : f32
        %mul3A_704 = vector.broadcast %mul3A_703 : f32 to vector<16xf32>
        %mul3A_705 = arith.mulf %mul3A_704, %mul3A_702 : vector<16xf32>
        %add3A_706 = arith.constant -1.59576917 : f32
        %add3A_707 = vector.broadcast %add3A_706 : f32 to vector<16xf32>
        %add3A_708 = arith.addf %add3A_707, %mul3A_705 : vector<16xf32>
        %mul3A_709 = arith.mulf %add3A_701, %add3A_708 : vector<16xf32>
        %exp3A_710 = math.exp %mul3A_709 : vector<16xf32>
        %add3A_711 = arith.constant 1.000000e+00 : f32
        %add3A_712 = vector.broadcast %add3A_711 : f32 to vector<16xf32>
        %add3A_713 = arith.addf %add3A_712, %exp3A_710 : vector<16xf32>
        %div3A_714 = arith.divf %add3A_701, %add3A_713 : vector<16xf32>
        %add3A_715 = arith.addf %while3A_491, %div3A_714 : vector<16xf32>
        %get3A_716 = arith.index_cast %while3A_295 : i32 to index
        %get3A_717 = arith.index_cast %while3A_480 : i32 to index
        %get3A_718 = arith.constant 176 : index
        %get3A_719 = tpu.vector_load %arg9[%get3A_716, %get3A_717, %get3A_718] {strides = array<i32>} : memref<2x128x256xf32, #tpu.memory_space<vmem>>, vector<1x1x16xf32>,
        %get3A_720 = vector.shape_cast %get3A_719 : vector<1x1x16xf32> to vector<16xf32>
        %add3A_721 = arith.addf %get3A_720, %get3A_393 : vector<16xf32>
        %mul3A_722 = arith.mulf %add3A_721, %add3A_721 : vector<16xf32>
        %mul3A_723 = arith.constant -0.0713548139 : f32
        %mul3A_724 = vector.broadcast %mul3A_723 : f32 to vector<16xf32>
        %mul3A_725 = arith.mulf %mul3A_724, %mul3A_722 : vector<16xf32>
        %add3A_726 = arith.constant -1.59576917 : f32
        %add3A_727 = vector.broadcast %add3A_726 : f32 to vector<16xf32>
        %add3A_728 = arith.addf %add3A_727, %mul3A_725 : vector<16xf32>
        %mul3A_729 = arith.mulf %add3A_721, %add3A_728 : vector<16xf32>
        %exp3A_730 = math.exp %mul3A_729 : vector<16xf32>
        %add3A_731 = arith.constant 1.000000e+00 : f32
        %add3A_732 = vector.broadcast %add3A_731 : f32 to vector<16xf32>
        %add3A_733 = arith.addf %add3A_732, %exp3A_730 : vector<16xf32>
        %div3A_734 = arith.divf %add3A_721, %add3A_733 : vector<16xf32>
        %add3A_735 = arith.addf %while3A_492, %div3A_734 : vector<16xf32>
        %get3A_736 = arith.index_cast %while3A_295 : i32 to index
        %get3A_737 = arith.index_cast %while3A_480 : i32 to index
        %get3A_738 = arith.constant 192 : index
        %get3A_739 = tpu.vector_load %arg9[%get3A_736, %get3A_737, %get3A_738] {strides = array<i32>} : memref<2x128x256xf32, #tpu.memory_space<vmem>>, vector<1x1x16xf32>,
        %get3A_740 = vector.shape_cast %get3A_739 : vector<1x1x16xf32> to vector<16xf32>
        %add3A_741 = arith.addf %get3A_740, %get3A_397 : vector<16xf32>
        %mul3A_742 = arith.mulf %add3A_741, %add3A_741 : vector<16xf32>
        %mul3A_743 = arith.constant -0.0713548139 : f32
        %mul3A_744 = vector.broadcast %mul3A_743 : f32 to vector<16xf32>
        %mul3A_745 = arith.mulf %mul3A_744, %mul3A_742 : vector<16xf32>
        %add3A_746 = arith.constant -1.59576917 : f32
        %add3A_747 = vector.broadcast %add3A_746 : f32 to vector<16xf32>
        %add3A_748 = arith.addf %add3A_747, %mul3A_745 : vector<16xf32>
        %mul3A_749 = arith.mulf %add3A_741, %add3A_748 : vector<16xf32>
        %exp3A_750 = math.exp %mul3A_749 : vector<16xf32>
        %add3A_751 = arith.constant 1.000000e+00 : f32
        %add3A_752 = vector.broadcast %add3A_751 : f32 to vector<16xf32>
        %add3A_753 = arith.addf %add3A_752, %exp3A_750 : vector<16xf32>
        %div3A_754 = arith.divf %add3A_741, %add3A_753 : vector<16xf32>
        %add3A_755 = arith.addf %while3A_493, %div3A_754 : vector<16xf32>
        %get3A_756 = arith.index_cast %while3A_295 : i32 to index
        %get3A_757 = arith.index_cast %while3A_480 : i32 to index
        %get3A_758 = arith.constant 208 : index
        %get3A_759 = tpu.vector_load %arg9[%get3A_756, %get3A_757, %get3A_758] {strides = array<i32>} : memref<2x128x256xf32, #tpu.memory_space<vmem>>, vector<1x1x16xf32>,
        %get3A_760 = vector.shape_cast %get3A_759 : vector<1x1x16xf32> to vector<16xf32>
        %add3A_761 = arith.addf %get3A_760, %get3A_401 : vector<16xf32>
        %mul3A_762 = arith.mulf %add3A_761, %add3A_761 : vector<16xf32>
        %mul3A_763 = arith.constant -0.0713548139 : f32
        %mul3A_764 = vector.broadcast %mul3A_763 : f32 to vector<16xf32>
        %mul3A_765 = arith.mulf %mul3A_764, %mul3A_762 : vector<16xf32>
        %add3A_766 = arith.constant -1.59576917 : f32
        %add3A_767 = vector.broadcast %add3A_766 : f32 to vector<16xf32>
        %add3A_768 = arith.addf %add3A_767, %mul3A_765 : vector<16xf32>
        %mul3A_769 = arith.mulf %add3A_761, %add3A_768 : vector<16xf32>
        %exp3A_770 = math.exp %mul3A_769 : vector<16xf32>
        %add3A_771 = arith.constant 1.000000e+00 : f32
        %add3A_772 = vector.broadcast %add3A_771 : f32 to vector<16xf32>
        %add3A_773 = arith.addf %add3A_772, %exp3A_770 : vector<16xf32>
        %div3A_774 = arith.divf %add3A_761, %add3A_773 : vector<16xf32>
        %add3A_775 = arith.addf %while3A_494, %div3A_774 : vector<16xf32>
        %get3A_776 = arith.index_cast %while3A_295 : i32 to index
        %get3A_777 = arith.index_cast %while3A_480 : i32 to index
        %get3A_778 = arith.constant 224 : index
        %get3A_779 = tpu.vector_load %arg9[%get3A_776, %get3A_777, %get3A_778] {strides = array<i32>} : memref<2x128x256xf32, #tpu.memory_space<vmem>>, vector<1x1x16xf32>,
        %get3A_780 = vector.shape_cast %get3A_779 : vector<1x1x16xf32> to vector<16xf32>
        %add3A_781 = arith.addf %get3A_780, %get3A_405 : vector<16xf32>
        %mul3A_782 = arith.mulf %add3A_781, %add3A_781 : vector<16xf32>
        %mul3A_783 = arith.constant -0.0713548139 : f32
        %mul3A_784 = vector.broadcast %mul3A_783 : f32 to vector<16xf32>
        %mul3A_785 = arith.mulf %mul3A_784, %mul3A_782 : vector<16xf32>
        %add3A_786 = arith.constant -1.59576917 : f32
        %add3A_787 = vector.broadcast %add3A_786 : f32 to vector<16xf32>
        %add3A_788 = arith.addf %add3A_787, %mul3A_785 : vector<16xf32>
        %mul3A_789 = arith.mulf %add3A_781, %add3A_788 : vector<16xf32>
        %exp3A_790 = math.exp %mul3A_789 : vector<16xf32>
        %add3A_791 = arith.constant 1.000000e+00 : f32
        %add3A_792 = vector.broadcast %add3A_791 : f32 to vector<16xf32>
        %add3A_793 = arith.addf %add3A_792, %exp3A_790 : vector<16xf32>
        %div3A_794 = arith.divf %add3A_781, %add3A_793 : vector<16xf32>
        %add3A_795 = arith.addf %while3A_495, %div3A_794 : vector<16xf32>
        %get3A_796 = arith.index_cast %while3A_295 : i32 to index
        %get3A_797 = arith.index_cast %while3A_480 : i32 to index
        %get3A_798 = arith.constant 240 : index
        %get3A_799 = tpu.vector_load %arg9[%get3A_796, %get3A_797, %get3A_798] {strides = array<i32>} : memref<2x128x256xf32, #tpu.memory_space<vmem>>, vector<1x1x16xf32>,
        %get3A_800 = vector.shape_cast %get3A_799 : vector<1x1x16xf32> to vector<16xf32>
        %add3A_801 = arith.addf %get3A_800, %get3A_409 : vector<16xf32>
        %mul3A_802 = arith.mulf %add3A_801, %add3A_801 : vector<16xf32>
        %mul3A_803 = arith.constant -0.0713548139 : f32
        %mul3A_804 = vector.broadcast %mul3A_803 : f32 to vector<16xf32>
        %mul3A_805 = arith.mulf %mul3A_804, %mul3A_802 : vector<16xf32>
        %add3A_806 = arith.constant -1.59576917 : f32
        %add3A_807 = vector.broadcast %add3A_806 : f32 to vector<16xf32>
        %add3A_808 = arith.addf %add3A_807, %mul3A_805 : vector<16xf32>
        %mul3A_809 = arith.mulf %add3A_801, %add3A_808 : vector<16xf32>
        %exp3A_810 = math.exp %mul3A_809 : vector<16xf32>
        %add3A_811 = arith.constant 1.000000e+00 : f32
        %add3A_812 = vector.broadcast %add3A_811 : f32 to vector<16xf32>
        %add3A_813 = arith.addf %add3A_812, %exp3A_810 : vector<16xf32>
        %div3A_814 = arith.divf %add3A_801, %add3A_813 : vector<16xf32>
        %add3A_815 = arith.addf %while3A_496, %div3A_814 : vector<16xf32>
        scf.yield %add3A_515, %add3A_535, %add3A_555, %add3A_575, %add3A_595, %add3A_615, %add3A_635, %add3A_655, %add3A_675, %add3A_695, %add3A_715, %add3A_735, %add3A_755, %add3A_775, %add3A_795, %add3A_815 : vector<16xf32>, vector<16xf32>, vector<16xf32>, vector<16xf32>, vector<16xf32>, vector<16xf32>, vector<16xf32>, vector<16xf32>, vector<16xf32>, vector<16xf32>, vector<16xf32>, vector<16xf32>, vector<16xf32>, vector<16xf32>, vector<16xf32>, vector<16xf32>
      }
      %le3A = arith.cmpi sle, %squeeze3A_323, %add3A_325 : i32
      %lt3A_422 = arith.cmpi slt, %while3A_292, %select_n3A_85 : i32
      %and3A_423 = arith.andi %le3A, %lt3A_422 : i1
      %convert_element_type3A_424 = arith.extui %and3A_423 : i1 to i32
      %cond3A_425 = arith.constant 0 : i32
      %cond3A_426 = arith.cmpi ne, %convert_element_type3A_424, %cond3A_425 : i32
      scf.if %cond3A_426 {
        %swap3A = arith.index_cast %select_n3A_340 : i32 to index
        %swap3A_480 = arith.constant 0 : index
        %swap3A_481 = tpu.vector_load %arg11[%swap3A, %swap3A_480] {strides = array<i32>} : memref<16x256xf32, #tpu.memory_space<vmem>>, vector<1x16xf32>,
        %swap3A_482 = vector.shape_cast %swap3A_481 : vector<1x16xf32> to vector<16xf32>
        %swap3A_483 = vector.shape_cast %while3A_421#0 : vector<16xf32> to vector<1x16xf32>
        tpu.vector_store %arg11[%swap3A, %swap3A_480], %swap3A_483 {strides = array<i32>} : memref<16x256xf32, #tpu.memory_space<vmem>>, vector<1x16xf32>,
        %swap3A_484 = arith.index_cast %select_n3A_340 : i32 to index
        %swap3A_485 = arith.constant 16 : index
        %swap3A_486 = tpu.vector_load %arg11[%swap3A_484, %swap3A_485] {strides = array<i32>} : memref<16x256xf32, #tpu.memory_space<vmem>>, vector<1x16xf32>,
        %swap3A_487 = vector.shape_cast %swap3A_486 : vector<1x16xf32> to vector<16xf32>
        %swap3A_488 = vector.shape_cast %while3A_421#1 : vector<16xf32> to vector<1x16xf32>
        tpu.vector_store %arg11[%swap3A_484, %swap3A_485], %swap3A_488 {strides = array<i32>} : memref<16x256xf32, #tpu.memory_space<vmem>>, vector<1x16xf32>,
        %swap3A_489 = arith.index_cast %select_n3A_340 : i32 to index
        %swap3A_490 = arith.constant 32 : index
        %swap3A_491 = tpu.vector_load %arg11[%swap3A_489, %swap3A_490] {strides = array<i32>} : memref<16x256xf32, #tpu.memory_space<vmem>>, vector<1x16xf32>,
        %swap3A_492 = vector.shape_cast %swap3A_491 : vector<1x16xf32> to vector<16xf32>
        %swap3A_493 = vector.shape_cast %while3A_421#2 : vector<16xf32> to vector<1x16xf32>
        tpu.vector_store %arg11[%swap3A_489, %swap3A_490], %swap3A_493 {strides = array<i32>} : memref<16x256xf32, #tpu.memory_space<vmem>>, vector<1x16xf32>,
        %swap3A_494 = arith.index_cast %select_n3A_340 : i32 to index
        %swap3A_495 = arith.constant 48 : index
        %swap3A_496 = tpu.vector_load %arg11[%swap3A_494, %swap3A_495] {strides = array<i32>} : memref<16x256xf32, #tpu.memory_space<vmem>>, vector<1x16xf32>,
        %swap3A_497 = vector.shape_cast %swap3A_496 : vector<1x16xf32> to vector<16xf32>
        %swap3A_498 = vector.shape_cast %while3A_421#3 : vector<16xf32> to vector<1x16xf32>
        tpu.vector_store %arg11[%swap3A_494, %swap3A_495], %swap3A_498 {strides = array<i32>} : memref<16x256xf32, #tpu.memory_space<vmem>>, vector<1x16xf32>,
        %swap3A_499 = arith.index_cast %select_n3A_340 : i32 to index
        %swap3A_500 = arith.constant 64 : index
        %swap3A_501 = tpu.vector_load %arg11[%swap3A_499, %swap3A_500] {strides = array<i32>} : memref<16x256xf32, #tpu.memory_space<vmem>>, vector<1x16xf32>,
        %swap3A_502 = vector.shape_cast %swap3A_501 : vector<1x16xf32> to vector<16xf32>
        %swap3A_503 = vector.shape_cast %while3A_421#4 : vector<16xf32> to vector<1x16xf32>
        tpu.vector_store %arg11[%swap3A_499, %swap3A_500], %swap3A_503 {strides = array<i32>} : memref<16x256xf32, #tpu.memory_space<vmem>>, vector<1x16xf32>,
        %swap3A_504 = arith.index_cast %select_n3A_340 : i32 to index
        %swap3A_505 = arith.constant 80 : index
        %swap3A_506 = tpu.vector_load %arg11[%swap3A_504, %swap3A_505] {strides = array<i32>} : memref<16x256xf32, #tpu.memory_space<vmem>>, vector<1x16xf32>,
        %swap3A_507 = vector.shape_cast %swap3A_506 : vector<1x16xf32> to vector<16xf32>
        %swap3A_508 = vector.shape_cast %while3A_421#5 : vector<16xf32> to vector<1x16xf32>
        tpu.vector_store %arg11[%swap3A_504, %swap3A_505], %swap3A_508 {strides = array<i32>} : memref<16x256xf32, #tpu.memory_space<vmem>>, vector<1x16xf32>,
        %swap3A_509 = arith.index_cast %select_n3A_340 : i32 to index
        %swap3A_510 = arith.constant 96 : index
        %swap3A_511 = tpu.vector_load %arg11[%swap3A_509, %swap3A_510] {strides = array<i32>} : memref<16x256xf32, #tpu.memory_space<vmem>>, vector<1x16xf32>,
        %swap3A_512 = vector.shape_cast %swap3A_511 : vector<1x16xf32> to vector<16xf32>
        %swap3A_513 = vector.shape_cast %while3A_421#6 : vector<16xf32> to vector<1x16xf32>
        tpu.vector_store %arg11[%swap3A_509, %swap3A_510], %swap3A_513 {strides = array<i32>} : memref<16x256xf32, #tpu.memory_space<vmem>>, vector<1x16xf32>,
        %swap3A_514 = arith.index_cast %select_n3A_340 : i32 to index
        %swap3A_515 = arith.constant 112 : index
        %swap3A_516 = tpu.vector_load %arg11[%swap3A_514, %swap3A_515] {strides = array<i32>} : memref<16x256xf32, #tpu.memory_space<vmem>>, vector<1x16xf32>,
        %swap3A_517 = vector.shape_cast %swap3A_516 : vector<1x16xf32> to vector<16xf32>
        %swap3A_518 = vector.shape_cast %while3A_421#7 : vector<16xf32> to vector<1x16xf32>
        tpu.vector_store %arg11[%swap3A_514, %swap3A_515], %swap3A_518 {strides = array<i32>} : memref<16x256xf32, #tpu.memory_space<vmem>>, vector<1x16xf32>,
        %swap3A_519 = arith.index_cast %select_n3A_340 : i32 to index
        %swap3A_520 = arith.constant 128 : index
        %swap3A_521 = tpu.vector_load %arg11[%swap3A_519, %swap3A_520] {strides = array<i32>} : memref<16x256xf32, #tpu.memory_space<vmem>>, vector<1x16xf32>,
        %swap3A_522 = vector.shape_cast %swap3A_521 : vector<1x16xf32> to vector<16xf32>
        %swap3A_523 = vector.shape_cast %while3A_421#8 : vector<16xf32> to vector<1x16xf32>
        tpu.vector_store %arg11[%swap3A_519, %swap3A_520], %swap3A_523 {strides = array<i32>} : memref<16x256xf32, #tpu.memory_space<vmem>>, vector<1x16xf32>,
        %swap3A_524 = arith.index_cast %select_n3A_340 : i32 to index
        %swap3A_525 = arith.constant 144 : index
        %swap3A_526 = tpu.vector_load %arg11[%swap3A_524, %swap3A_525] {strides = array<i32>} : memref<16x256xf32, #tpu.memory_space<vmem>>, vector<1x16xf32>,
        %swap3A_527 = vector.shape_cast %swap3A_526 : vector<1x16xf32> to vector<16xf32>
        %swap3A_528 = vector.shape_cast %while3A_421#9 : vector<16xf32> to vector<1x16xf32>
        tpu.vector_store %arg11[%swap3A_524, %swap3A_525], %swap3A_528 {strides = array<i32>} : memref<16x256xf32, #tpu.memory_space<vmem>>, vector<1x16xf32>,
        %swap3A_529 = arith.index_cast %select_n3A_340 : i32 to index
        %swap3A_530 = arith.constant 160 : index
        %swap3A_531 = tpu.vector_load %arg11[%swap3A_529, %swap3A_530] {strides = array<i32>} : memref<16x256xf32, #tpu.memory_space<vmem>>, vector<1x16xf32>,
        %swap3A_532 = vector.shape_cast %swap3A_531 : vector<1x16xf32> to vector<16xf32>
        %swap3A_533 = vector.shape_cast %while3A_421#10 : vector<16xf32> to vector<1x16xf32>
        tpu.vector_store %arg11[%swap3A_529, %swap3A_530], %swap3A_533 {strides = array<i32>} : memref<16x256xf32, #tpu.memory_space<vmem>>, vector<1x16xf32>,
        %swap3A_534 = arith.index_cast %select_n3A_340 : i32 to index
        %swap3A_535 = arith.constant 176 : index
        %swap3A_536 = tpu.vector_load %arg11[%swap3A_534, %swap3A_535] {strides = array<i32>} : memref<16x256xf32, #tpu.memory_space<vmem>>, vector<1x16xf32>,
        %swap3A_537 = vector.shape_cast %swap3A_536 : vector<1x16xf32> to vector<16xf32>
        %swap3A_538 = vector.shape_cast %while3A_421#11 : vector<16xf32> to vector<1x16xf32>
        tpu.vector_store %arg11[%swap3A_534, %swap3A_535], %swap3A_538 {strides = array<i32>} : memref<16x256xf32, #tpu.memory_space<vmem>>, vector<1x16xf32>,
        %swap3A_539 = arith.index_cast %select_n3A_340 : i32 to index
        %swap3A_540 = arith.constant 192 : index
        %swap3A_541 = tpu.vector_load %arg11[%swap3A_539, %swap3A_540] {strides = array<i32>} : memref<16x256xf32, #tpu.memory_space<vmem>>, vector<1x16xf32>,
        %swap3A_542 = vector.shape_cast %swap3A_541 : vector<1x16xf32> to vector<16xf32>
        %swap3A_543 = vector.shape_cast %while3A_421#12 : vector<16xf32> to vector<1x16xf32>
        tpu.vector_store %arg11[%swap3A_539, %swap3A_540], %swap3A_543 {strides = array<i32>} : memref<16x256xf32, #tpu.memory_space<vmem>>, vector<1x16xf32>,
        %swap3A_544 = arith.index_cast %select_n3A_340 : i32 to index
        %swap3A_545 = arith.constant 208 : index
        %swap3A_546 = tpu.vector_load %arg11[%swap3A_544, %swap3A_545] {strides = array<i32>} : memref<16x256xf32, #tpu.memory_space<vmem>>, vector<1x16xf32>,
        %swap3A_547 = vector.shape_cast %swap3A_546 : vector<1x16xf32> to vector<16xf32>
        %swap3A_548 = vector.shape_cast %while3A_421#13 : vector<16xf32> to vector<1x16xf32>
        tpu.vector_store %arg11[%swap3A_544, %swap3A_545], %swap3A_548 {strides = array<i32>} : memref<16x256xf32, #tpu.memory_space<vmem>>, vector<1x16xf32>,
        %swap3A_549 = arith.index_cast %select_n3A_340 : i32 to index
        %swap3A_550 = arith.constant 224 : index
        %swap3A_551 = tpu.vector_load %arg11[%swap3A_549, %swap3A_550] {strides = array<i32>} : memref<16x256xf32, #tpu.memory_space<vmem>>, vector<1x16xf32>,
        %swap3A_552 = vector.shape_cast %swap3A_551 : vector<1x16xf32> to vector<16xf32>
        %swap3A_553 = vector.shape_cast %while3A_421#14 : vector<16xf32> to vector<1x16xf32>
        tpu.vector_store %arg11[%swap3A_549, %swap3A_550], %swap3A_553 {strides = array<i32>} : memref<16x256xf32, #tpu.memory_space<vmem>>, vector<1x16xf32>,
        %swap3A_554 = arith.index_cast %select_n3A_340 : i32 to index
        %swap3A_555 = arith.constant 240 : index
        %swap3A_556 = tpu.vector_load %arg11[%swap3A_554, %swap3A_555] {strides = array<i32>} : memref<16x256xf32, #tpu.memory_space<vmem>>, vector<1x16xf32>,
        %swap3A_557 = vector.shape_cast %swap3A_556 : vector<1x16xf32> to vector<16xf32>
        %swap3A_558 = vector.shape_cast %while3A_421#15 : vector<16xf32> to vector<1x16xf32>
        tpu.vector_store %arg11[%swap3A_554, %swap3A_555], %swap3A_558 {strides = array<i32>} : memref<16x256xf32, #tpu.memory_space<vmem>>, vector<1x16xf32>,
      } else {
      }
      %eq3A_427 = arith.constant 15 : i32
      %eq3A_428 = arith.cmpi eq, %select_n3A_340, %eq3A_427 : i32
      %and3A_429 = arith.andi %and3A_423, %eq3A_428 : i1
      %convert_element_type3A_430 = arith.extui %and3A_429 : i1 to i32
      %cond3A_431 = arith.constant 0 : i32
      %cond3A_432 = arith.cmpi ne, %convert_element_type3A_430, %cond3A_431 : i32
      scf.if %cond3A_432 {
        %sub3A_480 = arith.constant 15 : i32
        %sub3A_481 = arith.subi %while3A_292, %sub3A_480 : i32
        %multiple_of3A_482 = tpu.assume_multiple %sub3A_481, 8 : i32
        %dma_start3A_483 = arith.constant 0 : i32
        %dma_start3A_484 = tpu.memref_slice %arg6[%multiple_of3A_482, %dma_start3A_483] : memref<10240x256xf32, #tpu.memory_space<hbm>> -> memref<16x256xf32, #tpu.memory_space<hbm>>
        %dma_start3A_485 = arith.constant 0 : i32
        %dma_start3A_486 = tpu.memref_slice %arg6[%multiple_of3A_482, %dma_start3A_485] : memref<10240x256xf32, #tpu.memory_space<hbm>> -> memref<16x256xf32, #tpu.memory_space<hbm>>
        tpu.enqueue_dma source(%arg11 : memref<16x256xf32, #tpu.memory_space<vmem>>) target(%dma_start3A_486 : memref<16x256xf32, #tpu.memory_space<hbm>>) target_semaphore(%arg14 : memref<!tpu.dma_semaphore, #tpu.memory_space<semaphore_mem>>)
        %dma_wait3A_487 = arith.constant 0 : i32
        %dma_wait3A_488 = tpu.memref_slice %arg6[%multiple_of3A_482, %dma_wait3A_487] : memref<10240x256xf32, #tpu.memory_space<hbm>> -> memref<16x256xf32, #tpu.memory_space<hbm>>
        %dma_wait3A_489 = arith.constant 0 : i32
        %dma_wait3A_490 = tpu.memref_slice %arg6[%multiple_of3A_482, %dma_wait3A_489] : memref<10240x256xf32, #tpu.memory_space<hbm>> -> memref<16x256xf32, #tpu.memory_space<hbm>>
        tpu.wait_dma2 semaphore(%arg14 : memref<!tpu.dma_semaphore, #tpu.memory_space<semaphore_mem>>) src(%arg11 : memref<16x256xf32, #tpu.memory_space<vmem>>) dst(%dma_wait3A_490 : memref<16x256xf32, #tpu.memory_space<hbm>>)
      } else {
      }
      %sub3A_433 = arith.constant 1 : i32
      %sub3A_434 = arith.subi %sub3A_433, %while3A_295 : i32
      %not3A = arith.constant true
      %not3A_435 = arith.xori %and3A_423, %not3A : i1
      %convert_element_type3A_436 = arith.extui %not3A_435 : i1 to i32
      %cond3A_437 = arith.constant 0 : i32
      %cond3A_438 = arith.cmpi ne, %convert_element_type3A_436, %cond3A_437 : i32
      scf.if %cond3A_438 {
        %dma_wait3A_480 = arith.constant 0 : i32
        %dma_wait3A_481 = arith.constant 0 : i32
        %dma_wait3A_482 = arith.constant 0 : i32
        %dma_wait3A_483 = tpu.memref_slice %arg9[%dma_wait3A_480, %dma_wait3A_481, %dma_wait3A_482] : memref<2x128x256xf32, #tpu.memory_space<vmem>> -> memref<1x128x256xf32, #tpu.memory_space<vmem>>
        %dma_wait3A_484 = tpu.memref_squeeze %dma_wait3A_483 : memref<1x128x256xf32, #tpu.memory_space<vmem>> -> memref<128x256xf32, #tpu.memory_space<vmem>>
        %dma_wait3A_485 = arith.constant 0 : i32
        %dma_wait3A_486 = arith.constant 0 : i32
        %dma_wait3A_487 = tpu.memref_slice %arg2[%dma_wait3A_485, %dma_wait3A_486] : memref<10240x256xf32, #tpu.memory_space<hbm>> -> memref<128x256xf32, #tpu.memory_space<hbm>>
        %dma_wait3A_488 = arith.constant 0 : i32
        %dma_wait3A_489 = arith.constant 0 : i32
        %dma_wait3A_490 = tpu.memref_slice %arg9[%dma_wait3A_480, %dma_wait3A_488, %dma_wait3A_489] : memref<2x128x256xf32, #tpu.memory_space<vmem>> -> memref<1x128x256xf32, #tpu.memory_space<vmem>>
        %dma_wait3A_491 = tpu.memref_squeeze %dma_wait3A_490 : memref<1x128x256xf32, #tpu.memory_space<vmem>> -> memref<128x256xf32, #tpu.memory_space<vmem>>
        %dma_wait3A_492 = arith.constant 0 : i32
        %dma_wait3A_493 = arith.constant 0 : i32
        %dma_wait3A_494 = tpu.memref_slice %arg2[%dma_wait3A_492, %dma_wait3A_493] : memref<10240x256xf32, #tpu.memory_space<hbm>> -> memref<128x256xf32, #tpu.memory_space<hbm>>
        tpu.wait_dma2 semaphore(%arg13 : memref<!tpu.dma_semaphore, #tpu.memory_space<semaphore_mem>>) src(%dma_wait3A_494 : memref<128x256xf32, #tpu.memory_space<hbm>>) dst(%dma_wait3A_491 : memref<128x256xf32, #tpu.memory_space<vmem>>)
        %dma_wait3A_495 = arith.constant 0 : i32
        %dma_wait3A_496 = arith.constant 0 : i32
        %dma_wait3A_497 = tpu.memref_slice %arg8[%dma_wait3A_495, %dma_wait3A_496] : memref<2x128xi32, #tpu.memory_space<vmem>> -> memref<1x128xi32, #tpu.memory_space<vmem>>
        %dma_wait3A_498 = tpu.memref_squeeze %dma_wait3A_497 : memref<1x128xi32, #tpu.memory_space<vmem>> -> memref<128xi32, #tpu.memory_space<vmem>>
        %dma_wait3A_499 = arith.constant 0 : i32
        %dma_wait3A_500 = tpu.memref_slice %arg4[%dma_wait3A_499] : memref<320128xi32, #tpu.memory_space<hbm>> -> memref<128xi32, #tpu.memory_space<hbm>>
        %dma_wait3A_501 = arith.constant 0 : i32
        %dma_wait3A_502 = tpu.memref_slice %arg8[%dma_wait3A_495, %dma_wait3A_501] : memref<2x128xi32, #tpu.memory_space<vmem>> -> memref<1x128xi32, #tpu.memory_space<vmem>>
        %dma_wait3A_503 = tpu.memref_squeeze %dma_wait3A_502 : memref<1x128xi32, #tpu.memory_space<vmem>> -> memref<128xi32, #tpu.memory_space<vmem>>
        %dma_wait3A_504 = arith.constant 0 : i32
        %dma_wait3A_505 = tpu.memref_slice %arg4[%dma_wait3A_504] : memref<320128xi32, #tpu.memory_space<hbm>> -> memref<128xi32, #tpu.memory_space<hbm>>
        tpu.wait_dma2 semaphore(%arg12 : memref<!tpu.dma_semaphore, #tpu.memory_space<semaphore_mem>>) src(%dma_wait3A_505 : memref<128xi32, #tpu.memory_space<hbm>>) dst(%dma_wait3A_503 : memref<128xi32, #tpu.memory_space<vmem>>)
        %dma_start3A_506 = arith.constant 0 : i32
        %dma_start3A_507 = arith.constant 0 : i32
        %dma_start3A_508 = tpu.memref_slice %arg9[%while3A_295, %dma_start3A_506, %dma_start3A_507] : memref<2x128x256xf32, #tpu.memory_space<vmem>> -> memref<1x128x256xf32, #tpu.memory_space<vmem>>
        %dma_start3A_509 = tpu.memref_squeeze %dma_start3A_508 : memref<1x128x256xf32, #tpu.memory_space<vmem>> -> memref<128x256xf32, #tpu.memory_space<vmem>>
        %dma_start3A_510 = arith.constant 0 : i32
        %dma_start3A_511 = tpu.memref_slice %arg8[%while3A_295, %dma_start3A_510] : memref<2x128xi32, #tpu.memory_space<vmem>> -> memref<1x128xi32, #tpu.memory_space<vmem>>
        %dma_start3A_512 = tpu.memref_squeeze %dma_start3A_511 : memref<1x128xi32, #tpu.memory_space<vmem>> -> memref<128xi32, #tpu.memory_space<vmem>>
        %dma_start3A_513 = arith.constant 0 : i32
        %dma_start3A_514 = arith.constant 0 : i32
        %dma_start3A_515 = tpu.memref_slice %arg2[%dma_start3A_513, %dma_start3A_514] : memref<10240x256xf32, #tpu.memory_space<hbm>> -> memref<10240x256xf32, #tpu.memory_space<hbm>>
        tpu.enqueue_indirect_dma source(%dma_start3A_515 : memref<10240x256xf32, #tpu.memory_space<hbm>>) target(%dma_start3A_509 : memref<128x256xf32, #tpu.memory_space<vmem>>) offsets(%dma_start3A_512 : memref<128xi32, #tpu.memory_space<vmem>>) semaphore(%arg13 : memref<!tpu.dma_semaphore, #tpu.memory_space<semaphore_mem>>)
        %add3A_516 = arith.constant 384 : i32
        %add3A_517 = arith.addi %while3A_293, %add3A_516 : i32
        %min3A_518 = arith.constant 320000 : i32
        %min3A_519 = arith.minsi %add3A_517, %min3A_518 : i32
        %multiple_of3A_520 = tpu.assume_multiple %min3A_519, 8 : i32
        %dma_start3A_521 = arith.constant 0 : i32
        %dma_start3A_522 = tpu.memref_slice %arg8[%sub3A_434, %dma_start3A_521] : memref<2x128xi32, #tpu.memory_space<vmem>> -> memref<1x128xi32, #tpu.memory_space<vmem>>
        %dma_start3A_523 = tpu.memref_squeeze %dma_start3A_522 : memref<1x128xi32, #tpu.memory_space<vmem>> -> memref<128xi32, #tpu.memory_space<vmem>>
        %dma_start3A_524 = tpu.memref_slice %arg4[%multiple_of3A_520] : memref<320128xi32, #tpu.memory_space<hbm>> -> memref<128xi32, #tpu.memory_space<hbm>>
        %dma_start3A_525 = arith.constant 0 : i32
        %dma_start3A_526 = tpu.memref_slice %arg8[%sub3A_434, %dma_start3A_525] : memref<2x128xi32, #tpu.memory_space<vmem>> -> memref<1x128xi32, #tpu.memory_space<vmem>>
        %dma_start3A_527 = tpu.memref_squeeze %dma_start3A_526 : memref<1x128xi32, #tpu.memory_space<vmem>> -> memref<128xi32, #tpu.memory_space<vmem>>
        %dma_start3A_528 = tpu.memref_slice %arg4[%multiple_of3A_520] : memref<320128xi32, #tpu.memory_space<hbm>> -> memref<128xi32, #tpu.memory_space<hbm>>
        tpu.enqueue_dma source(%dma_start3A_528 : memref<128xi32, #tpu.memory_space<hbm>>) target(%dma_start3A_527 : memref<128xi32, #tpu.memory_space<vmem>>) target_semaphore(%arg12 : memref<!tpu.dma_semaphore, #tpu.memory_space<semaphore_mem>>)
      } else {
      }
      %jit3A_439 = arith.constant 0.000000e+00 : f32
      %jit3A_440 = arith.constant 1.000000e+00 : f32
      %select_n3A_441 = arith.select %and3A_423, %jit3A_439, %jit3A_440 : f32
      %mul3A_442 = vector.broadcast %select_n3A_441 : f32 to vector<16xf32>
      %mul3A_443 = arith.mulf %while3A_421#0, %mul3A_442 : vector<16xf32>
      %mul3A_444 = vector.broadcast %select_n3A_441 : f32 to vector<16xf32>
      %mul3A_445 = arith.mulf %while3A_421#1, %mul3A_444 : vector<16xf32>
      %mul3A_446 = vector.broadcast %select_n3A_441 : f32 to vector<16xf32>
      %mul3A_447 = arith.mulf %while3A_421#2, %mul3A_446 : vector<16xf32>
      %mul3A_448 = vector.broadcast %select_n3A_441 : f32 to vector<16xf32>
      %mul3A_449 = arith.mulf %while3A_421#3, %mul3A_448 : vector<16xf32>
      %mul3A_450 = vector.broadcast %select_n3A_441 : f32 to vector<16xf32>
      %mul3A_451 = arith.mulf %while3A_421#4, %mul3A_450 : vector<16xf32>
      %mul3A_452 = vector.broadcast %select_n3A_441 : f32 to vector<16xf32>
      %mul3A_453 = arith.mulf %while3A_421#5, %mul3A_452 : vector<16xf32>
      %mul3A_454 = vector.broadcast %select_n3A_441 : f32 to vector<16xf32>
      %mul3A_455 = arith.mulf %while3A_421#6, %mul3A_454 : vector<16xf32>
      %mul3A_456 = vector.broadcast %select_n3A_441 : f32 to vector<16xf32>
      %mul3A_457 = arith.mulf %while3A_421#7, %mul3A_456 : vector<16xf32>
      %mul3A_458 = vector.broadcast %select_n3A_441 : f32 to vector<16xf32>
      %mul3A_459 = arith.mulf %while3A_421#8, %mul3A_458 : vector<16xf32>
      %mul3A_460 = vector.broadcast %select_n3A_441 : f32 to vector<16xf32>
      %mul3A_461 = arith.mulf %while3A_421#9, %mul3A_460 : vector<16xf32>
      %mul3A_462 = vector.broadcast %select_n3A_441 : f32 to vector<16xf32>
      %mul3A_463 = arith.mulf %while3A_421#10, %mul3A_462 : vector<16xf32>
      %mul3A_464 = vector.broadcast %select_n3A_441 : f32 to vector<16xf32>
      %mul3A_465 = arith.mulf %while3A_421#11, %mul3A_464 : vector<16xf32>
      %mul3A_466 = vector.broadcast %select_n3A_441 : f32 to vector<16xf32>
      %mul3A_467 = arith.mulf %while3A_421#12, %mul3A_466 : vector<16xf32>
      %mul3A_468 = vector.broadcast %select_n3A_441 : f32 to vector<16xf32>
      %mul3A_469 = arith.mulf %while3A_421#13, %mul3A_468 : vector<16xf32>
      %mul3A_470 = vector.broadcast %select_n3A_441 : f32 to vector<16xf32>
      %mul3A_471 = arith.mulf %while3A_421#14, %mul3A_470 : vector<16xf32>
      %mul3A_472 = vector.broadcast %select_n3A_441 : f32 to vector<16xf32>
      %mul3A_473 = arith.mulf %while3A_421#15, %mul3A_472 : vector<16xf32>
      %convert_element_type3A_474 = arith.extui %and3A_423 : i1 to i32
      %add3A_475 = arith.addi %while3A_292, %convert_element_type3A_474 : i32
      %add3A_476 = arith.constant 128 : i32
      %add3A_477 = arith.addi %while3A_293, %add3A_476 : i32
      %select_n3A_478 = arith.select %and3A_423, %while3A_293, %add3A_477 : i32
      %select_n3A_479 = arith.select %and3A_423, %while3A_295, %sub3A_434 : i32
      scf.yield %add3A_475, %select_n3A_478, %min3A_326, %select_n3A_479, %mul3A_443, %mul3A_445, %mul3A_447, %mul3A_449, %mul3A_451, %mul3A_453, %mul3A_455, %mul3A_457, %mul3A_459, %mul3A_461, %mul3A_463, %mul3A_465, %mul3A_467, %mul3A_469, %mul3A_471, %mul3A_473 : i32, i32, i32, i32, vector<16xf32>, vector<16xf32>, vector<16xf32>, vector<16xf32>, vector<16xf32>, vector<16xf32>, vector<16xf32>, vector<16xf32>, vector<16xf32>, vector<16xf32>, vector<16xf32>, vector<16xf32>, vector<16xf32>, vector<16xf32>, vector<16xf32>, vector<16xf32>
    }
    %dma_wait3A_265 = arith.constant 0 : i32
    %dma_wait3A_266 = arith.constant 0 : i32
    %dma_wait3A_267 = arith.constant 0 : i32
    %dma_wait3A_268 = tpu.memref_slice %arg9[%dma_wait3A_265, %dma_wait3A_266, %dma_wait3A_267] : memref<2x128x256xf32, #tpu.memory_space<vmem>> -> memref<1x128x256xf32, #tpu.memory_space<vmem>>
    %dma_wait3A_269 = tpu.memref_squeeze %dma_wait3A_268 : memref<1x128x256xf32, #tpu.memory_space<vmem>> -> memref<128x256xf32, #tpu.memory_space<vmem>>
    %dma_wait3A_270 = arith.constant 0 : i32
    %dma_wait3A_271 = arith.constant 0 : i32
    %dma_wait3A_272 = tpu.memref_slice %arg2[%dma_wait3A_270, %dma_wait3A_271] : memref<10240x256xf32, #tpu.memory_space<hbm>> -> memref<128x256xf32, #tpu.memory_space<hbm>>
    %dma_wait3A_273 = arith.constant 0 : i32
    %dma_wait3A_274 = arith.constant 0 : i32
    %dma_wait3A_275 = tpu.memref_slice %arg9[%dma_wait3A_265, %dma_wait3A_273, %dma_wait3A_274] : memref<2x128x256xf32, #tpu.memory_space<vmem>> -> memref<1x128x256xf32, #tpu.memory_space<vmem>>
    %dma_wait3A_276 = tpu.memref_squeeze %dma_wait3A_275 : memref<1x128x256xf32, #tpu.memory_space<vmem>> -> memref<128x256xf32, #tpu.memory_space<vmem>>
    %dma_wait3A_277 = arith.constant 0 : i32
    %dma_wait3A_278 = arith.constant 0 : i32
    %dma_wait3A_279 = tpu.memref_slice %arg2[%dma_wait3A_277, %dma_wait3A_278] : memref<10240x256xf32, #tpu.memory_space<hbm>> -> memref<128x256xf32, #tpu.memory_space<hbm>>
    tpu.wait_dma2 semaphore(%arg13 : memref<!tpu.dma_semaphore, #tpu.memory_space<semaphore_mem>>) src(%dma_wait3A_279 : memref<128x256xf32, #tpu.memory_space<hbm>>) dst(%dma_wait3A_276 : memref<128x256xf32, #tpu.memory_space<vmem>>)
    %dma_wait3A_280 = arith.constant 0 : i32
    %dma_wait3A_281 = arith.constant 0 : i32
    %dma_wait3A_282 = tpu.memref_slice %arg8[%dma_wait3A_280, %dma_wait3A_281] : memref<2x128xi32, #tpu.memory_space<vmem>> -> memref<1x128xi32, #tpu.memory_space<vmem>>
    %dma_wait3A_283 = tpu.memref_squeeze %dma_wait3A_282 : memref<1x128xi32, #tpu.memory_space<vmem>> -> memref<128xi32, #tpu.memory_space<vmem>>
    %dma_wait3A_284 = arith.constant 0 : i32
    %dma_wait3A_285 = tpu.memref_slice %arg4[%dma_wait3A_284] : memref<320128xi32, #tpu.memory_space<hbm>> -> memref<128xi32, #tpu.memory_space<hbm>>
    %dma_wait3A_286 = arith.constant 0 : i32
    %dma_wait3A_287 = tpu.memref_slice %arg8[%dma_wait3A_280, %dma_wait3A_286] : memref<2x128xi32, #tpu.memory_space<vmem>> -> memref<1x128xi32, #tpu.memory_space<vmem>>
    %dma_wait3A_288 = tpu.memref_squeeze %dma_wait3A_287 : memref<1x128xi32, #tpu.memory_space<vmem>> -> memref<128xi32, #tpu.memory_space<vmem>>
    %dma_wait3A_289 = arith.constant 0 : i32
    %dma_wait3A_290 = tpu.memref_slice %arg4[%dma_wait3A_289] : memref<320128xi32, #tpu.memory_space<hbm>> -> memref<128xi32, #tpu.memory_space<hbm>>
    tpu.wait_dma2 semaphore(%arg12 : memref<!tpu.dma_semaphore, #tpu.memory_space<semaphore_mem>>) src(%dma_wait3A_290 : memref<128xi32, #tpu.memory_space<hbm>>) dst(%dma_wait3A_288 : memref<128xi32, #tpu.memory_space<vmem>>)
    return
  }
}

module attributes {stable_mosaic.version = 14 : i64} {
  func.func @_mm_out_body(%arg0: i32, %arg1: memref<512x256xf32, #tpu.memory_space<vmem>>, %arg2: memref<256x128xf32, #tpu.memory_space<vmem>>, %arg3: memref<1x128xf32, #tpu.memory_space<vmem>>, %arg4: memref<1x1x512xi32, #tpu.memory_space<vmem>>, %arg5: memref<1x1x512xi32, #tpu.memory_space<vmem>>, %arg6: memref<512x128xf32, #tpu.memory_space<vmem>>) attributes {dimension_semantics = [#tpu.dimension_semantics<arbitrary>], iteration_bounds = array<i64: 20>, scalar_prefetch = 0 : i64, scratch_operands = 0 : i64, tpu.core_type = #tpu.core_type<tc>, window_params = [{transform_indices = @transform_0, window_bounds = array<i64: 512, 256>}, {pipeline_mode = #tpu.pipeline_mode<synchronous>, transform_indices = @transform_1, window_bounds = array<i64: 256, 128>}, {pipeline_mode = #tpu.pipeline_mode<synchronous>, transform_indices = @transform_2, window_bounds = array<i64: 1, 128>}, {transform_indices = @transform_3, window_bounds = array<i64: 1, 1, 512>}, {transform_indices = @transform_4, window_bounds = array<i64: 1, 1, 512>}, {transform_indices = @transform_5, window_bounds = array<i64: 512, 128>}]} {
    %get3A = arith.constant 0 : index
    %get3A_0 = arith.constant 0 : index
    %get3A_1 = arith.constant 0 : index
    %get3A_2 = vector.load %arg4[%get3A, %get3A_0, %get3A_1] : memref<1x1x512xi32, #tpu.memory_space<vmem>>, vector<1x1x512xi32>
    %get3A_3 = vector.shape_cast %get3A_2 : vector<1x1x512xi32> to vector<512xi32>
    %get3A_4 = arith.constant 0 : index
    %get3A_5 = arith.constant 0 : index
    %get3A_6 = arith.constant 0 : index
    %get3A_7 = vector.load %arg5[%get3A_4, %get3A_5, %get3A_6] : memref<1x1x512xi32, #tpu.memory_space<vmem>>, vector<1x1x512xi32>
    %get3A_8 = vector.shape_cast %get3A_7 : vector<1x1x512xi32> to vector<512xi32>
    %sub3A = arith.subi %get3A_3, %get3A_8 : vector<512xi32>
    %convert_element_type3A = arith.sitofp %sub3A : vector<512xi32> to vector<512xf32>
    %max3A = arith.constant 1.000000e+00 : f32
    %max3A_9 = vector.broadcast %max3A : f32 to vector<512xf32>
    %max3A_10 = arith.maximumf %convert_element_type3A, %max3A_9 : vector<512xf32>
    %div3A = arith.constant 1.000000e+00 : f32
    %div3A_11 = vector.broadcast %div3A : f32 to vector<512xf32>
    %div3A_12 = arith.divf %div3A_11, %max3A_10 : vector<512xf32>
    %get3A_13 = arith.constant 0 : index
    %get3A_14 = arith.constant 0 : index
    %get3A_15 = vector.load %arg1[%get3A_13, %get3A_14] : memref<512x256xf32, #tpu.memory_space<vmem>>, vector<512x256xf32>
    %broadcast_in_dim3A = vector.shape_cast %div3A_12 : vector<512xf32> to vector<512x1xf32>
    %mul3A = vector.broadcast %broadcast_in_dim3A : vector<512x1xf32> to vector<512x256xf32>
    %mul3A_16 = arith.mulf %get3A_15, %mul3A : vector<512x256xf32>
    %get3A_17 = arith.constant 0 : index
    %get3A_18 = arith.constant 0 : index
    %get3A_19 = vector.load %arg2[%get3A_17, %get3A_18] : memref<256x128xf32, #tpu.memory_space<vmem>>, vector<256x128xf32>
    %dot_general3A = arith.constant dense<0.000000e+00> : vector<512x128xf32>
    %dot_general3A_20 = tpu.matmul %mul3A_16, %get3A_19, %dot_general3A {dimension_numbers = #tpu.dot_dimension_numbers<[1], [0], [0], [1], [0, 0, 1, 1], [], []>, transpose_lhs_hint = false} : vector<512x256xf32>, vector<256x128xf32>, vector<512x128xf32> -> vector<512x128xf32>
    %get3A_21 = arith.constant 0 : index
    %get3A_22 = arith.constant 0 : index
    %get3A_23 = vector.load %arg3[%get3A_21, %get3A_22] : memref<1x128xf32, #tpu.memory_space<vmem>>, vector<1x128xf32>
    %gt3A = arith.constant 0.000000e+00 : f32
    %gt3A_24 = vector.broadcast %gt3A : f32 to vector<512xf32>
    %gt3A_25 = arith.cmpf ogt, %convert_element_type3A, %gt3A_24 : vector<512xf32>
    %convert_element_type3A_26 = arith.extui %gt3A_25 : vector<512xi1> to vector<512xi32>
    %convert_element_type3A_27 = arith.sitofp %convert_element_type3A_26 : vector<512xi32> to vector<512xf32>
    %broadcast_in_dim3A_28 = vector.shape_cast %convert_element_type3A_27 : vector<512xf32> to vector<512x1xf32>
    %mul3A_29 = vector.broadcast %get3A_23 : vector<1x128xf32> to vector<512x128xf32>
    %mul3A_30 = vector.broadcast %broadcast_in_dim3A_28 : vector<512x1xf32> to vector<512x128xf32>
    %mul3A_31 = arith.mulf %mul3A_29, %mul3A_30 : vector<512x128xf32>
    %add3A = arith.addf %dot_general3A_20, %mul3A_31 : vector<512x128xf32>
    %swap3A = arith.constant 0 : index
    %swap3A_32 = arith.constant 0 : index
    %swap3A_33 = vector.load %arg6[%swap3A, %swap3A_32] : memref<512x128xf32, #tpu.memory_space<vmem>>, vector<512x128xf32>
    tpu.vector_store %arg6[%swap3A, %swap3A_32], %add3A {strides = array<i32>} : memref<512x128xf32, #tpu.memory_space<vmem>>, vector<512x128xf32>,
    return
  }
  func.func @transform_0(%arg0: i32) -> (i32, i32) {
    %c0_i32 = arith.constant 0 : i32
    %c0_i32_0 = arith.constant 0 : i32
    return %arg0, %c0_i32 : i32, i32
  }
  func.func @transform_1(%arg0: i32) -> (i32, i32) {
    %c0_i32 = arith.constant 0 : i32
    %c0_i32_0 = arith.constant 0 : i32
    %c0_i32_1 = arith.constant 0 : i32
    return %c0_i32, %c0_i32_0 : i32, i32
  }
  func.func @transform_2(%arg0: i32) -> (i32, i32) {
    %c0_i32 = arith.constant 0 : i32
    %c0_i32_0 = arith.constant 0 : i32
    %c0_i32_1 = arith.constant 0 : i32
    return %c0_i32, %c0_i32_0 : i32, i32
  }
  func.func @transform_3(%arg0: i32) -> (i32, i32, i32) {
    %c0_i32 = arith.constant 0 : i32
    %c0_i32_0 = arith.constant 0 : i32
    %c0_i32_1 = arith.constant 0 : i32
    return %arg0, %c0_i32, %c0_i32_0 : i32, i32, i32
  }
  func.func @transform_4(%arg0: i32) -> (i32, i32, i32) {
    %c0_i32 = arith.constant 0 : i32
    %c0_i32_0 = arith.constant 0 : i32
    %c0_i32_1 = arith.constant 0 : i32
    return %arg0, %c0_i32, %c0_i32_0 : i32, i32, i32
  }
  func.func @transform_5(%arg0: i32) -> (i32, i32) {
    %c0_i32 = arith.constant 0 : i32
    %c0_i32_0 = arith.constant 0 : i32
    return %arg0, %c0_i32 : i32, i32
  }
}

module attributes {stable_mosaic.version = 14 : i64} {
  func.func @_mm_ps_body(%arg0: i32, %arg1: memref<512x128xf32, #tpu.memory_space<vmem>>, %arg2: memref<128x512xf32, #tpu.memory_space<vmem>>, %arg3: memref<1x256xf32, #tpu.memory_space<vmem>>, %arg4: memref<512x256xf32, #tpu.memory_space<vmem>>, %arg5: memref<512x256xf32, #tpu.memory_space<vmem>>) attributes {dimension_semantics = [#tpu.dimension_semantics<arbitrary>], iteration_bounds = array<i64: 20>, scalar_prefetch = 0 : i64, scratch_operands = 0 : i64, tpu.core_type = #tpu.core_type<tc>, window_params = [{transform_indices = @transform_0, window_bounds = array<i64: 512, 128>}, {pipeline_mode = #tpu.pipeline_mode<synchronous>, transform_indices = @transform_1, window_bounds = array<i64: 128, 512>}, {pipeline_mode = #tpu.pipeline_mode<synchronous>, transform_indices = @transform_2, window_bounds = array<i64: 1, 256>}, {transform_indices = @transform_3, window_bounds = array<i64: 512, 256>}, {transform_indices = @transform_4, window_bounds = array<i64: 512, 256>}]} {
    %get3A = arith.constant 0 : index
    %get3A_0 = arith.constant 0 : index
    %get3A_1 = vector.load %arg1[%get3A, %get3A_0] : memref<512x128xf32, #tpu.memory_space<vmem>>, vector<512x128xf32>
    %get3A_2 = arith.constant 0 : index
    %get3A_3 = arith.constant 0 : index
    %get3A_4 = vector.load %arg2[%get3A_2, %get3A_3] : memref<128x512xf32, #tpu.memory_space<vmem>>, vector<128x512xf32>
    %dot_general3A = arith.constant dense<0.000000e+00> : vector<512x512xf32>
    %dot_general3A_5 = tpu.matmul %get3A_1, %get3A_4, %dot_general3A {dimension_numbers = #tpu.dot_dimension_numbers<[1], [0], [0], [1], [0, 0, 1, 1], [], []>, transpose_lhs_hint = false} : vector<512x128xf32>, vector<128x512xf32>, vector<512x512xf32> -> vector<512x512xf32>
    %slice3A = vector.extract_strided_slice %dot_general3A_5 {offsets = [0, 0], sizes = [512, 256], strides = [1, 1]} : vector<512x512xf32> to vector<512x256xf32>
    %swap3A = arith.constant 0 : index
    %swap3A_6 = arith.constant 0 : index
    %swap3A_7 = vector.load %arg4[%swap3A, %swap3A_6] : memref<512x256xf32, #tpu.memory_space<vmem>>, vector<512x256xf32>
    tpu.vector_store %arg4[%swap3A, %swap3A_6], %slice3A {strides = array<i32>} : memref<512x256xf32, #tpu.memory_space<vmem>>, vector<512x256xf32>,
    %slice3A_8 = vector.extract_strided_slice %dot_general3A_5 {offsets = [0, 256], sizes = [512, 256], strides = [1, 1]} : vector<512x512xf32> to vector<512x256xf32>
    %get3A_9 = arith.constant 0 : index
    %get3A_10 = arith.constant 0 : index
    %get3A_11 = vector.load %arg3[%get3A_9, %get3A_10] : memref<1x256xf32, #tpu.memory_space<vmem>>, vector<1x256xf32>
    %add3A = vector.broadcast %get3A_11 : vector<1x256xf32> to vector<512x256xf32>
    %add3A_12 = arith.addf %slice3A_8, %add3A : vector<512x256xf32>
    %swap3A_13 = arith.constant 0 : index
    %swap3A_14 = arith.constant 0 : index
    %swap3A_15 = vector.load %arg5[%swap3A_13, %swap3A_14] : memref<512x256xf32, #tpu.memory_space<vmem>>, vector<512x256xf32>
    tpu.vector_store %arg5[%swap3A_13, %swap3A_14], %add3A_12 {strides = array<i32>} : memref<512x256xf32, #tpu.memory_space<vmem>>, vector<512x256xf32>,
    return
  }
  func.func @transform_0(%arg0: i32) -> (i32, i32) {
    %c0_i32 = arith.constant 0 : i32
    %c0_i32_0 = arith.constant 0 : i32
    return %arg0, %c0_i32 : i32, i32
  }
  func.func @transform_1(%arg0: i32) -> (i32, i32) {
    %c0_i32 = arith.constant 0 : i32
    %c0_i32_0 = arith.constant 0 : i32
    %c0_i32_1 = arith.constant 0 : i32
    return %c0_i32, %c0_i32_0 : i32, i32
  }
  func.func @transform_2(%arg0: i32) -> (i32, i32) {
    %c0_i32 = arith.constant 0 : i32
    %c0_i32_0 = arith.constant 0 : i32
    %c0_i32_1 = arith.constant 0 : i32
    return %c0_i32, %c0_i32_0 : i32, i32
  }
  func.func @transform_3(%arg0: i32) -> (i32, i32) {
    %c0_i32 = arith.constant 0 : i32
    %c0_i32_0 = arith.constant 0 : i32
    return %arg0, %c0_i32 : i32, i32
  }
  func.func @transform_4(%arg0: i32) -> (i32, i32) {
    %c0_i32 = arith.constant 0 : i32
    %c0_i32_0 = arith.constant 0 : i32
    return %arg0, %c0_i32 : i32, i32
  }
}

</mosaic_0001>

<sc_bundles>
// kernel: kernel.5.cloned.1.call-start
scs
__scs_entry_jumppad:
0x0: {  	(pc) =	sbr.rel $0x88, $3  }
0x1: {  	(tag) =	ssettag $0x0;
	lr =	simm.s32 $0x1  }
0x2: {  	[smem:$0x3F9A] =	sst lr;
	_ =	strace $0xD0000000  }
0x3: {  	_ = 	snop  }
0x4: {  	_ = 	snop  }
0x5: {  	_ = 	snop  }
0x6: {  	_ = 	snop  }
0x7: {  	_ = 	snop  }
__scs_overlays_trampoline_lowered:
0x8: {  	[smem:$0x3FA9] =	sst s0  }
0x9: {  	[smem:$0x3FAA] =	sst s1  }
0xa: {  	[smem:$0x3FAB] =	sst s2  }
0xb: {  	[smem:$0x3FAC] =	sst s3  }
0xc: {  	[smem:$0x3FAD] =	sst s4  }
0xd: {  	[smem:$0x3FAE] =	sst s5  }
0xe: {  	[smem:$0x3FAF] =	sst s6  }
0xf: {  	[smem:$0x3FB0] =	sst s7  }
0x10: {  	[smem:$0x3FB1] =	sst s8  }
0x11: {  	[smem:$0x3FB2] =	sst s9;
	s0 =	simm.s32 @!p0 $0x0  }
0x12: {  	s1 =	sld [smem:$0x3F98];
	s0 =	simm.s32 @p0 $0x1  }
0x13: {  	[smem:$0x3FB3] =	sst s0;
	s0 =	simm.s32 @!p1 $0x0  }
0x14: {  	s2 =	sld [smem:$0x3F97];
	s0 =	simm.s32 @p1 $0x1  }
0x15: {  	[smem:$0x3FB4] =	sst s0;
	s0 =	simm.s32 @!p2 $0x0  }
0x16: {  	s3 =	sld [smem:$0x3FDB];
	s0 =	simm.s32 @p2 $0x1  }
0x17: {  	s4 =	simm.s32 $0x1BF5;
	[smem:$0x3FB6] =	sst s0  }
0x18: {  	s0 =	sld [smem:$0x3F99];
	_ =	swait.ge [sflag:s4], $0x0  }
0x19: {  	s7 =	sld [smem:$0x3F9A]  }
0x1a: {  	s8 =	sadd.s32 $0xFFFFE003, lr  }
0x1b: {  	s9 =	sadd.s32 $0xFFFFFEF7, lr;
	s5 =	simm.s32 $0xFFFFFFFF;
	p2 =	slt.u32 s8, $0xFFFFF086  }
0x1c: {  	p1 =	slt.u32 s9, $0xF7A;
	s5 =	simm.s32 @!p2 $0x0  }
0x1d: {  	s5 =	simm.s32 @p1 $0x1;
	p0 =	seq.s32 s7, s2  }
0x1e: {  	s7 =	smul.u32 @!p0 $0xF7A, s2;
	p2 =	seq.s32 @!p0 s5, $0x0  }
0x1f: {  	s9 =	smul.u32 $0xF7A, s1;
	s8 =	simm.s32 @!p0 $0x1BF5;
	p2 =	por !p2, p0  }
0x20: {  	[sflag:s8] =	ssyncset.s32 @!p0 $0xFFFFF086;
	s6 =	sadd.s32 @!p0 s3, s7;
	s7 =	simm.s32 @!p0 $0x108  }
0x21: {  	s3 =	sadd.s32 s3, s9;
	s6 =	sadd.s32 @!p0 $0x88, s6;
	s7 =	simm.s32 @p2 $0x1082  }
0x22: {  	[simem:s7], [sflag:s8] =	dma.local @!p0 [hbm:s6], $0xF7A  }
0x23: {  	s9 =	sor.u32 $0xD0000000, s2;
	s6 =	simm.s32 $0x108;
	_ =	swait.ge @!p0 [sflag:s8], $0x0  }
0x24: {  	s3 =	sadd.s32 $0x88, s3;
	s6 =	simm.s32 @!p1 $0x1082;
	[sflag:s4] =	ssyncset.s32 $0xFFFFF086  }
0x25: {  	[simem:s6], [sflag:s4] =	dma.local [hbm:s3], $0xF7A  }
0x26: {  	[smem:$0x3F9A] =	sst s1;
	(tag) =	ssettag s2;
	_ =	strace s9  }
0x27: {  	s1 =	sld [smem:$0x3FAA]  }
0x28: {  	s2 =	sld [smem:$0x3FAB]  }
0x29: {  	s4 =	sld [smem:$0x3FAD]  }
0x2a: {  	p0 =	seq.s32 s5, $0x0;
	s5 =	sld [smem:$0x3FAE]  }
0x2b: {  	s6 =	sld [smem:$0x3FAF]  }
0x2c: {  	s7 =	sld [smem:$0x3FB0]  }
0x2d: {  	s3 =	simm.s32 $0x108;
	s8 =	sld [smem:$0x3FB1]  }
0x2e: {  	s3 =	simm.s32 @!p0 $0x1082;
	s9 =	sld [smem:$0x3FB2]  }
0x2f: {  	lr =	sadd.s32 s0, s3;
	s0 =	sld [smem:$0x3FA9]  }
0x30: {  	s3 =	sld [smem:$0x3FAC]  }
0x31: {  	[smem:$0x3FB5] =	sst s10  }
0x32: {  	s10 =	sld [smem:$0x3FB3];
	_ =	sdelay $0x3  }
0x33: {  	p0 =	seq.s32 s10, $0x1;
	s10 =	sld [smem:$0x3FB5];
	_ =	sdelay $0x3  }
0x34: {  	[smem:$0x3FB5] =	sst s10  }
0x35: {  	s10 =	sld [smem:$0x3FB4];
	_ =	sdelay $0x3  }
0x36: {  	p1 =	seq.s32 s10, $0x1;
	s10 =	sld [smem:$0x3FB5];
	_ =	sdelay $0x3  }
0x37: {  	[smem:$0x3FB5] =	sst s10  }
0x38: {  	s10 =	sld [smem:$0x3FB6]  }
0x39: {  	_ = 	snop;
	(pc) =	sbr.ind lr, $3  }
0x3a: {  	_ = 	snop  }
0x3b: {  	_ = 	snop  }
0x3c: {  	p2 =	seq.s32 s10, $0x1;
	s10 =	sld [smem:$0x3FB5]  }
0x3d: {  	_ =	shalt  }
0x3e: {  	_ =	shalt  }
0x3f: {  	_ =	shalt  }
0x40: {  	_ =	shalt  }
0x41: {  	_ =	shalt  }
0x42: {  	_ =	shalt  }
0x43: {  	_ =	shalt  }
0x44: {  	_ =	shalt  }
0x45: {  	_ =	shalt  }
0x46: {  	_ =	shalt  }
0x47: {  	_ =	shalt  }
0x48: {  	_ =	shalt  }
0x49: {  	_ =	shalt  }
0x4a: {  	_ =	shalt  }
0x4b: {  	_ =	shalt  }
0x4c: {  	_ =	shalt  }
0x4d: {  	_ =	shalt  }
0x4e: {  	_ =	shalt  }
0x4f: {  	_ =	shalt  }
0x50: {  	_ =	shalt  }
0x51: {  	_ =	shalt  }
0x52: {  	_ =	shalt  }
0x53: {  	_ =	shalt  }
0x54: {  	_ =	shalt  }
0x55: {  	_ =	shalt  }
0x56: {  	_ =	shalt  }
0x57: {  	_ =	shalt  }
0x58: {  	_ =	shalt  }
0x59: {  	_ =	shalt  }
0x5a: {  	_ =	shalt  }
0x5b: {  	_ =	shalt  }
0x5c: {  	_ =	shalt  }
0x5d: {  	_ =	shalt  }
0x5e: {  	_ =	shalt  }
0x5f: {  	_ =	shalt  }
0x60: {  	_ =	shalt  }
0x61: {  	_ =	shalt  }
0x62: {  	_ =	shalt  }
0x63: {  	_ =	shalt  }
0x64: {  	_ =	shalt  }
0x65: {  	_ =	shalt  }
0x66: {  	_ =	shalt  }
0x67: {  	_ =	shalt  }
0x68: {  	_ =	shalt  }
0x69: {  	_ =	shalt  }
0x6a: {  	_ =	shalt  }
0x6b: {  	_ =	shalt  }
0x6c: {  	_ =	shalt  }
0x6d: {  	_ =	shalt  }
0x6e: {  	_ =	shalt  }
0x6f: {  	_ =	shalt  }
0x70: {  	_ =	shalt  }
0x71: {  	_ =	shalt  }
0x72: {  	_ =	shalt  }
0x73: {  	_ =	shalt  }
0x74: {  	_ =	shalt  }
0x75: {  	_ =	shalt  }
0x76: {  	_ =	shalt  }
0x77: {  	_ =	shalt  }
0x78: {  	_ =	shalt  }
0x79: {  	_ =	shalt  }
0x7a: {  	_ =	shalt  }
0x7b: {  	_ =	shalt  }
0x7c: {  	_ =	shalt  }
0x7d: {  	_ =	shalt  }
0x7e: {  	_ =	shalt  }
0x7f: {  	_ =	shalt  }
0x80: {  	_ =	shalt  }
0x81: {  	_ =	shalt  }
0x82: {  	_ =	shalt  }
0x83: {  	_ =	shalt  }
0x84: {  	_ =	shalt  }
0x85: {  	_ =	shalt  }
0x86: {  	_ =	shalt  }
0x87: {  	_ =	shalt  }
.Lfunc_end0:
.L_simem_size_0:
called_computation_lowered:
.L_overlay_start_0:
0x88: {  	s2 =	sld [smem:$0x3FD9]  }
0x89: {  	s3 =	sld [smem:$0x3FFE];
	_ =	sdelay $0x1  }
0x8a: {  	s1 =	srdreg.scid  }
0x8b: {  	s0 =	sand.u32 $0x1, s1  }
0x8c: {  	s17 =	sshll.u32 s0, $0xA;
	s2 =	sadd.s32 s3, s2  }
0x8d: {  	s2 =	sadd.s32 s2, s17  }
0x8e: {  	[smem:$0x3FC1] =	sst s2  }
0x8f: {  	_ = 	snop  }
0x90: {  	s2 =	sld [smem:$0x3FD0];
	(tm) =	ssettm $0x1  }
0x91: {  	s18 =	sld [smem:$0x3FFB];
	_ =	sdelay $0x3  }
0x92: {  	_ =	strace s18  }
0x93: {  	s3 =	sld [smem:$0x3FFC];
	_ =	sdelay $0x3  }
0x94: {  	_ =	strace s3  }
0x95: {  	s3 =	sld [smem:$0x3FFD];
	_ =	sdelay $0x3  }
0x96: {  	_ =	strace s3  }
0x97: {  	_ =	strace $0x8FFFFFFF  }
0x98: {  	s19 =	sld [smem:$0x3FDB];
	_ =	sdelay $0x1  }
0x99: {  	s4 =	simm.s32 $_scs_section_size  }
0x9a: {  	s5 =	simm.s32 $_size__tile_overlayer_lowered;
	s6 =	simm.s32 $_tile_overlayer_lowered  }
0x9b: {  	s22 =	simm.s32 $0x1BFF;
	s21 =	sshll.u32 s6, $0x1;
	s3 =	sadd.s32 s4, s19  }
0x9c: {  	s7 =	simm.s32 $0x0;
	s20 =	sshll.u32 s5, $0x1;
	s5 =	sadd.s32 s21, s3  }
0x9d: {  	[timem:s7], [sflag:s22] =	dma.local [hbm:s5], s20  }
0x9e: {  	_ =	swait.ge [sflag:s22], s20  }
0x9f: {  	s4 =	ssub.s32 $0x0, s20;
	[sflag:s22] =	ssyncset.done $0x0  }
0xa0: {  	[sflag:s22] =	ssyncadd.s32 s4;
	_ =	sdelay $0x1  }
0xa1: {  	s23 =	simm.s32 $0x1B8B  }
0xa2: {  	_ =	swait.ge [sflag:s23], $0x1  }
0xa3: {  	[sflag:s23] =	ssyncset.done $0x0  }
0xa4: {  	s25 =	simm.s32 $0x1B8E;
	s24 =	sld [smem:$0x3FFE];
	[sflag:s23] =	ssyncadd.s32 $0xFFFFFFFF  }
0xa5: {  	s26 =	simm.s32 $execute0_lowered;
	[smem:$0x3FD2] =	sst s25  }
0xa6: {  	s5 =	sshll.u32 s26, $0x1;
	_ =	strace $0x80000046;
	[dreg:$0x1] =	wrdreg $0xFFFFFFFF  }
0xa7: {  	s28 =	simm.s32 $_size_execute0_lowered;
	s3 =	sadd.s32 s3, s5;
	[dreg:$0x0] =	wrdreg $0x0  }
0xa8: {  	s5 =	sshll.u32 s28, $0x1;
	[dreg:$0x2] =	wrdreg s3  }
0xa9: {  	[dreg:$0x3] =	wrdreg s5  }
0xaa: {  	[dreg:$0x4] =	wrdreg $0xC0  }
0xab: {  	_ =	task [dreg:s7], $0x5FFFF  }
0xac: {  	[dreg:$0x1] =	wrdreg $0xFFFFFFFF  }
0xad: {  	[dreg:$0x0] =	wrdreg $0x60  }
0xae: {  	[dreg:$0x2] =	wrdreg s24  }
0xaf: {  	[dreg:$0x3] =	wrdreg s2  }
0xb0: {  	[dreg:$0x4] =	wrdreg $0x9  }
0xb1: {  	_ =	task.clear_ibuf [dreg:s7], $0x5FFFF;
	_ =	strace $0x90000046  }
0xb2: {  	s29 =	simm.s32 $0x9;
	_ =	strace $0x80000048  }
0xb3: {  	_ =	swait.ge [sflag:s29], $0x1  }
0xb4: {  	[sflag:s29] =	ssyncadd.s32 $0xFFFFFFFF  }
0xb5: {  	_ =	strace $0x90000048  }
0xb6: {  	_ =	sfence  }
0xb7: {  	s30 =	sld [smem:$0x0];
	_ =	sdelay $0x2  }
0xb8: {  	s31 =	sshll.u32 s1, $0xD;
	s1 =	sshrl.u32 s1, $0x2  }
0xb9: {  	s3 =	sand.u32 $0x4000, s31;
	s1 =	sadd.s32 s1, s30  }
0xba: {  	s0 =	sor.u32 s3, s0;
	s1 =	sshll.u32 s1, $0x11  }
0xbb: {  	s0 =	sor.u32 s1, s0  }
0xbc: {  	s0 =	sadd.s32 $0x8F2B, s0  }
0xbd: {  	[sflag:s0] =	ssyncadd.remote.s32 $0x1  }
0xbe: {  	_ =	sfence.sel $0xFFFF  }
0xbf: {  	[dreg:$0x0] =	wrdreg $0xFFFFFFFF;
	(pc) =	sbr.abs _section_cstart, $3  }
0xc0: {  	[dreg:$0x1] =	wrdreg $0xFFFFFFFF  }
0xc1: {  	_ =	task.clear_ibuf [dreg:s7], $0x2FFFF;
	_ =	strace $0x9FFFFFFF  }
0xc2: {  	(tm) =	ssettm $0x7FFFFFFF  }
0xc3: {  	_ =	shalt  }
tec
execute0_lowered:
.L_overlay_start_1:
0x0: {  	(tag) =	ssettag $0x1  }
0x1: {  	s0 =	rddreg [dreg:$0x0]  }
0x2: {  	s2 =	rddreg [dreg:$0x1]  }
0x3: {  	s3 =	simm.s32 $0x0;
	s1 =	srdreg.scid;
	s4 =	stileid.u32  }
0x4: {  	s11 =	simm.s32 $0x3;
	s12 =	simm.s32 $0x1;
	s30 =	simm.s32 $0x0  }
0x5: {  	[smem:$0x7FF] =	sst s3;
	s1 =	sand.u32 $0x1, s1;
	s4 =	sshll.u32 s4, $0x1  }
.Ltmp0:
0x6: {  	v2 =	vlaneseq.u32;
	s6 =	sadd.s32 $0x1E00, s0;
	s7 =	sadd.s32 $0x1800, s0;
	(pc) =	sbr.rel .LBB2_1-.Ltmp0, $4  }
0x7: {  	v0 =	vand.u32 $0x7, v2;
	v1 =	vshrl.u32 v2, $0x3;
	_ =	strace $0x80000047;
	s8 =	ssub.s32 $0x2, s1;
	s1 =	sor.u32 s1, s4  }
0x8: {  	v63 =	vor.u32 $0x8, v2;
	s4 =	sadd.s32 $0x51E00, s0;
	[tilespmem:$0x1FFD0] =	vst v0;
	v62 =	vmul.u32 $0x8, v1;
	s9 =	sshrl.u32 s8, $0x1;
	s5 =	smul.u32 $0x2710, s1  }
0x9: {  	[tilespmem:$0x1FFF0] =	vst v63;
	p0 =	seq.s32 s1, $0x1F;
	s10 =	ssub.s32 s8, s9;
	s8 =	sadd.s32 $0xA1E00, s0  }
0xa: {  	vm0 =	vmmov $0xffff;
	s0 =	simm.s32 $0x2;
	[tilespmem:$0x1FFE0] =	vst v62;
	s9 =	sadd.s32 $0x2710, s5;
	s10 =	smax.u32 s10, $0x1  }
.LBB2_14:
0xb: {  	s30 =	sadd.s32 $0x1, s30  }
0xc: {  	_ =	swait.ge [sflag:s0], $0x8000;
	p1 =	sne.s32 s30, s10  }
.Ltmp1:
0xd: {  	[sflag:s0] =	ssyncset.done $0x0;
	(pc) =	sbr.rel @!p1 .LBB2_15-.Ltmp1, $4  }
0xe: {  	[sflag:s0] =	ssyncadd.s32 $0xFFFF8000  }
0xf: {  	_ =	swait.ge [sflag:s12], $0x80  }
0x10: {  	[sflag:s12] =	ssyncset.done $0x0  }
0x11: {  	[sflag:s12] =	ssyncadd.s32 $0xFFFFFF80  }
.LBB2_1:
0x12: {  	[tilespmem:s3], [sflag:$0x3] =	stream.linear.gather [hbm4b:s7+s3], $0x2880, $0x38;
	[tilespmem:$0x14980] =	vst v63  }
0x13: {  	s14 =	simm.s32 $0x2801;
	_ =	swait.ge [sflag:s11], $0x2880  }
0x14: {  	s16 =	simm.s32 $0xD;
	s15 =	simm.s32 $0x2801;
	[sflag:s11] =	ssyncset.done $0x0  }
0x15: {  	s1 =	simm.s32 $0x0;
	s17 =	sand.u32 $0x1, s14;
	[sflag:s11] =	ssyncadd.s32 $0xFFFFD780  }
.LBB2_2:
0x16: {  	p1 =	sne.s32 s16, $0x1;
	p2 =	slt.s32 s15, $0x1;
	p3 =	seq.s32 s17, $0x1  }
0x17: {  	s17 =	sshrl.u32 s15, $0x1F;
	p2 =	por !p2, !p3  }
0x18: {  	s18 =	simm.s32 $0x1;
	s17 =	sadd.s32 s17, s15;
	p2 =	por !p2, !p2  }
0x19: {  	s17 =	sshra.s32 s17, $0x1;
	s18 =	simm.s32 @!p2 $0x0  }
0x1a: {  	s17 =	ssub.s32 s17, s18  }
0x1b: {  	s18 =	sadd.s32 s1, s17  }
0x1c: {  	v3 =	vld [tilespmem:s18+$0x0];
	s18 =	sadd.s32 $0x1, s18;
	_ =	sdelay $0x4  }
0x1d: {  	(v2sf) =	vpush v3, $0x0;
	_ =	sdelay $0xd  }
.Ltmp2:
0x1e: {  	(pc) =	sbr.rel @p1 .LBB2_2-.Ltmp2, $4  }
0x1f: {  	s19 =	sxor.u32 $0xFFFFFFFF, s17;
	s20 =	spop (v2sf)  }
0x20: {  	s19 =	sadd.s32 s19, s15;
	s15 =	smov.u32 s17;
	p2 =	slt.s32 s20, s5  }
0x21: {  	s1 =	smov.u32 @p2 s18;
	s15 =	smov.u32 @p2 s19  }
0x22: {  	s16 =	sadd.s32 $0xFFFFFFFF, s16;
	s17 =	sand.u32 $0x1, s15  }
0x23: {  	p1 =	slt.s32 s15, $0x1;
	p2 =	seq.s32 s17, $0x1  }
0x24: {  	s16 =	sshrl.u32 s15, $0x1F;
	p1 =	por !p1, !p2  }
0x25: {  	s15 =	sadd.s32 s16, s15;
	s16 =	simm.s32 $0x1;
	p1 =	por !p1, !p1  }
0x26: {  	s15 =	sshra.s32 s15, $0x1;
	s16 =	simm.s32 @!p1 $0x0  }
0x27: {  	s15 =	ssub.s32 s15, s16  }
0x28: {  	s15 =	sadd.s32 s1, s15  }
0x29: {  	v3 =	vld [tilespmem:s15+$0x0];
	_ =	sdelay $0x4  }
0x2a: {  	(v2sf) =	vpush v3, $0x0;
	_ =	sdelay $0xe  }
0x2b: {  	s31 =	spop (v2sf)  }
0x2c: {  	s17 =	sand.u32 $0x1, s14;
	s15 =	sadd.s32 $0x1, s15;
	p1 =	slt.s32 s31, s5  }
0x2d: {  	s16 =	simm.s32 $0xD;
	s1 =	smov.u32 @p1 s15;
	s15 =	simm.s32 $0x0  }
.LBB2_4:
0x2e: {  	p1 =	sne.s32 s16, $0x1;
	p2 =	slt.s32 s14, $0x1;
	p3 =	seq.s32 s17, $0x1  }
0x2f: {  	s17 =	sshrl.u32 s14, $0x1F;
	p2 =	por !p2, !p3  }
0x30: {  	s18 =	simm.s32 $0x1;
	s17 =	sadd.s32 s17, s14;
	p2 =	por !p2, !p2  }
0x31: {  	s17 =	sshra.s32 s17, $0x1;
	s18 =	simm.s32 @!p2 $0x0  }
0x32: {  	s17 =	ssub.s32 s17, s18  }
0x33: {  	s18 =	sadd.s32 s15, s17  }
0x34: {  	v3 =	vld [tilespmem:s18+$0x0];
	s18 =	sadd.s32 $0x1, s18;
	_ =	sdelay $0x4  }
0x35: {  	(v2sf) =	vpush v3, $0x0;
	_ =	sdelay $0xd  }
.Ltmp3:
0x36: {  	(pc) =	sbr.rel @p1 .LBB2_4-.Ltmp3, $4  }
0x37: {  	s19 =	sxor.u32 $0xFFFFFFFF, s17;
	s20 =	spop (v2sf)  }
0x38: {  	s19 =	sadd.s32 s19, s14;
	s14 =	smov.u32 s17;
	p2 =	slt.s32 s20, s9  }
0x39: {  	s15 =	smov.u32 @p2 s18;
	s14 =	smov.u32 @p2 s19  }
0x3a: {  	s16 =	sadd.s32 $0xFFFFFFFF, s16;
	s17 =	sand.u32 $0x1, s14  }
0x3b: {  	p1 =	slt.s32 s14, $0x1;
	p2 =	seq.s32 s17, $0x1  }
0x3c: {  	s16 =	sshrl.u32 s14, $0x1F;
	p1 =	por !p1, !p2  }
0x3d: {  	s14 =	sadd.s32 s16, s14;
	s16 =	simm.s32 $0x1;
	p1 =	por !p1, !p1  }
0x3e: {  	s14 =	sshra.s32 s14, $0x1;
	s16 =	simm.s32 @!p1 $0x0  }
0x3f: {  	s14 =	ssub.s32 s14, s16  }
0x40: {  	s14 =	sadd.s32 s15, s14  }
0x41: {  	v3 =	vld [tilespmem:s14+$0x0];
	_ =	sdelay $0x4  }
0x42: {  	(v2sf) =	vpush v3, $0x0;
	_ =	sdelay $0x5  }
0x43: {  	s1 =	sadd.s32 $0x8, s1  }
0x44: {  	s22 =	sand.u32 $0xF, s1  }
0x45: {  	s23 =	sshra.s32 s1, $0x1F;
	p3 =	slt.s32 s1, $0x1;
	p4 =	sne.s32 s22, $0x0  }
0x46: {  	s24 =	sshrl.u32 s23, $0x1C;
	p1 =	por !p3, !p4  }
0x47: {  	s1 =	sadd.s32 s24, s1;
	p1 =	por !p1, !p1;
	s16 =	simm.s32 $0x1  }
0x48: {  	s1 =	sshrl.u32 s1, $0x4;
	s16 =	simm.s32 @!p1 $0x0  }
0x49: {  	s1 =	ssub.s32 s1, s16  }
0x4a: {  	s31 =	sshll.u32 s1, $0x4  }
0x4b: {  	p2 =	slt.s32 s31, $0x2800  }
0x4c: {  	s31 =	simm.s32 @!p2 $0x2800;
	s25 =	spop (v2sf)  }
0x4d: {  	s1 =	sadd.s32 $0x1, s14;
	v3 =	vld [tilespmem:s31+$0x0];
	p1 =	slt.s32 s25, s9  }
0x4e: {  	s15 =	smov.u32 @p1 s1  }
0x4f: {  	s1 =	sadd.s32 $0x8, s15  }
0x50: {  	s26 =	sand.u32 $0xF, s1  }
0x51: {  	s15 =	sshra.s32 s1, $0x1F;
	p5 =	slt.s32 s1, $0x1;
	p6 =	sne.s32 s26, $0x0  }
0x52: {  	(v2sf) =	vpush v3, $0x0;
	s28 =	sshrl.u32 s15, $0x1C;
	p1 =	por !p5, !p6  }
0x53: {  	s14 =	simm.s32 $0x1;
	s1 =	sadd.s32 s28, s1;
	p1 =	por !p1, !p1  }
0x54: {  	s1 =	sshrl.u32 s1, $0x4;
	s14 =	simm.s32 @!p1 $0x0  }
0x55: {  	s1 =	ssub.s32 s1, s14  }
0x56: {  	s1 =	sshll.u32 s1, $0x4  }
0x57: {  	p1 =	slt.s32 s1, $0x2800  }
0x58: {  	s1 =	simm.s32 @!p1 $0x2800  }
0x59: {  	s1 =	simm.s32 @p0 $0x2800  }
0x5a: {  	v3 =	vld [tilespmem:s1+$0x0];
	_ =	sdelay $0x4  }
0x5b: {  	(v2sf) =	vpush v3, $0x0;
	_ =	sdelay $0x1  }
0x5c: {  	s18 =	spop (v2sf)  }
0x5d: {  	s29 =	sand.u32 $0x7, s18  }
0x5e: {  	s13 =	sshra.s32 s18, $0x1F;
	p3 =	slt.s32 s18, $0x1;
	p4 =	sne.s32 s29, $0x0  }
0x5f: {  	s16 =	sshrl.u32 s13, $0x1D;
	p1 =	por !p3, !p4  }
0x60: {  	s15 =	simm.s32 $0x1;
	s14 =	sadd.s32 s16, s18;
	p1 =	por !p1, !p1  }
0x61: {  	s14 =	sshrl.u32 s14, $0x3;
	s15 =	simm.s32 @!p1 $0x0  }
0x62: {  	s14 =	ssub.s32 s14, s15  }
0x63: {  	s26 =	sshll.u32 s14, $0x3  }
0x64: {  	p1 =	slt.s32 s26, $0x4E200;
	s14 =	smov.u32 s26  }
0x65: {  	s14 =	simm.s32 @!p1 $0x4E200  }
0x66: {  	s17 =	sshrl.u32 s14, $0x3  }
0x67: {  	s13 =	simm.s32 $0x2880;
	s15 =	simm.s32 $0x0;
	s19 =	sadd.s32 s2, s17  }
0x68: {  	[tilespmem:s13], [sflag:$0x1] =	stream.linear.gather [hbm4b:s19+s15], $0x80, $0x38;
	[tilespmem:$0x14980] =	vst v63  }
0x69: {  	s14 =	spop (v2sf)  }
0x6a: {  	_ =	swait.ge [sflag:s12], $0x80  }
0x6b: {  	[sflag:s12] =	ssyncset.done $0x0  }
0x6c: {  	[sflag:s12] =	ssyncadd.s32 $0xFFFFFF80  }
0x6d: {  	v3 =	vld [tilespmem:$0x2880];
	_ =	sdelay $0x2  }
0x6e: {  	v0 =	vld [tilespmem:$0x1FFD0]  }
0x6f: {  	v1 =	vld [tilespmem:$0x1FFE0]  }
0x70: {  	v2 =	vld [tilespmem:$0x1FFF0];
	v4 =	vshll.u32 v3, $0x1  }
0x71: {  	v3 =	vand.u32 $0x7, v3;
	v4 =	vand.u32 $0xFFFFFFF0, v4  }
0x72: {  	v3 =	vor.u32 v3, v4  }
0x73: {  	v4 =	vperm.xlane v3, v0;
	_ =	sdelay $0x1  }
0x74: {  	v3 =	vperm.xlane v3, v2;
	v4 =	vadd.s32 v1, v4;
	_ =	sdelay $0x1  }
0x75: {  	v3 =	vadd.s32 v1, v3;
	_ =	sdelay $0x1  }
0x76: {  	s20 =	simm.s32 $0x2980  }
0x77: {  	[tilespmem:s20], [sflag:$0x2] =	stream.indirect_vreg.gather [hbm4b:s4+s15], $0x80, v4, vm0, $0xb8;
	[tilespmem:$0x14980] =	vst v63  }
0x78: {  	s21 =	simm.s32 $0x3180  }
0x79: {  	[tilespmem:s21], [sflag:$0x2] =	stream.indirect_vreg.gather [hbm4b:s4+s15], $0x80, v3, vm0, $0xb8;
	[tilespmem:$0x14980] =	vst v63  }
0x7a: {  	v3 =	vld [tilespmem:$0x2890];
	_ =	sdelay $0x4  }
0x7b: {  	v4 =	vshll.u32 v3, $0x1  }
0x7c: {  	v3 =	vand.u32 $0x7, v3;
	v4 =	vand.u32 $0xFFFFFFF0, v4  }
0x7d: {  	v3 =	vor.u32 v3, v4  }
0x7e: {  	v4 =	vperm.xlane v3, v0;
	_ =	sdelay $0x1  }
0x7f: {  	v3 =	vperm.xlane v3, v2;
	v4 =	vadd.s32 v1, v4;
	_ =	sdelay $0x1  }
0x80: {  	v3 =	vadd.s32 v1, v3;
	_ =	sdelay $0x1  }
0x81: {  	s22 =	simm.s32 $0x3980  }
0x82: {  	[tilespmem:s22], [sflag:$0x2] =	stream.indirect_vreg.gather [hbm4b:s4+s15], $0x80, v4, vm0, $0xb8;
	[tilespmem:$0x14980] =	vst v63  }
0x83: {  	s23 =	simm.s32 $0x4180  }
0x84: {  	[tilespmem:s23], [sflag:$0x2] =	stream.indirect_vreg.gather [hbm4b:s4+s15], $0x80, v3, vm0, $0xb8;
	[tilespmem:$0x14980] =	vst v63  }
0x85: {  	v3 =	vld [tilespmem:$0x28A0];
	_ =	sdelay $0x4  }
0x86: {  	v4 =	vshll.u32 v3, $0x1  }
0x87: {  	v3 =	vand.u32 $0x7, v3;
	v4 =	vand.u32 $0xFFFFFFF0, v4  }
0x88: {  	v3 =	vor.u32 v3, v4  }
0x89: {  	v4 =	vperm.xlane v3, v0;
	_ =	sdelay $0x1  }
0x8a: {  	v3 =	vperm.xlane v3, v2;
	v4 =	vadd.s32 v1, v4;
	_ =	sdelay $0x1  }
0x8b: {  	v3 =	vadd.s32 v1, v3;
	_ =	sdelay $0x1  }
0x8c: {  	s24 =	simm.s32 $0x4980  }
0x8d: {  	[tilespmem:s24], [sflag:$0x2] =	stream.indirect_vreg.gather [hbm4b:s4+s15], $0x80, v4, vm0, $0xb8;
	[tilespmem:$0x14980] =	vst v63  }
0x8e: {  	s25 =	simm.s32 $0x5180  }
0x8f: {  	[tilespmem:s25], [sflag:$0x2] =	stream.indirect_vreg.gather [hbm4b:s4+s15], $0x80, v3, vm0, $0xb8;
	[tilespmem:$0x14980] =	vst v63  }
0x90: {  	v3 =	vld [tilespmem:$0x28B0];
	_ =	sdelay $0x4  }
0x91: {  	v4 =	vshll.u32 v3, $0x1  }
0x92: {  	v3 =	vand.u32 $0x7, v3;
	v4 =	vand.u32 $0xFFFFFFF0, v4  }
0x93: {  	v3 =	vor.u32 v3, v4  }
0x94: {  	v4 =	vperm.xlane v3, v0;
	_ =	sdelay $0x1  }
0x95: {  	v3 =	vperm.xlane v3, v2;
	v4 =	vadd.s32 v1, v4;
	_ =	sdelay $0x1  }
0x96: {  	v3 =	vadd.s32 v1, v3;
	_ =	sdelay $0x1  }
0x97: {  	s28 =	simm.s32 $0x5980  }
0x98: {  	[tilespmem:s28], [sflag:$0x2] =	stream.indirect_vreg.gather [hbm4b:s4+s15], $0x80, v4, vm0, $0xb8;
	[tilespmem:$0x14980] =	vst v63  }
0x99: {  	s29 =	simm.s32 $0x6180  }
0x9a: {  	[tilespmem:s29], [sflag:$0x2] =	stream.indirect_vreg.gather [hbm4b:s4+s15], $0x80, v3, vm0, $0xb8;
	[tilespmem:$0x14980] =	vst v63  }
0x9b: {  	v3 =	vld [tilespmem:$0x28C0];
	_ =	sdelay $0x4  }
0x9c: {  	v4 =	vshll.u32 v3, $0x1  }
0x9d: {  	v3 =	vand.u32 $0x7, v3;
	v4 =	vand.u32 $0xFFFFFFF0, v4  }
0x9e: {  	v3 =	vor.u32 v3, v4  }
0x9f: {  	v4 =	vperm.xlane v3, v0;
	_ =	sdelay $0x1  }
0xa0: {  	v3 =	vperm.xlane v3, v2;
	v4 =	vadd.s32 v1, v4;
	_ =	sdelay $0x1  }
0xa1: {  	v3 =	vadd.s32 v1, v3;
	_ =	sdelay $0x1  }
0xa2: {  	s17 =	simm.s32 $0x6980  }
0xa3: {  	[tilespmem:s17], [sflag:$0x2] =	stream.indirect_vreg.gather [hbm4b:s4+s15], $0x80, v4, vm0, $0xb8;
	[tilespmem:$0x14980] =	vst v63  }
0xa4: {  	s19 =	simm.s32 $0x7180  }
0xa5: {  	[tilespmem:s19], [sflag:$0x2] =	stream.indirect_vreg.gather [hbm4b:s4+s15], $0x80, v3, vm0, $0xb8;
	[tilespmem:$0x14980] =	vst v63  }
0xa6: {  	v3 =	vld [tilespmem:$0x28D0];
	_ =	sdelay $0x4  }
0xa7: {  	v4 =	vshll.u32 v3, $0x1  }
0xa8: {  	v3 =	vand.u32 $0x7, v3;
	v4 =	vand.u32 $0xFFFFFFF0, v4  }
0xa9: {  	v3 =	vor.u32 v3, v4  }
0xaa: {  	v4 =	vperm.xlane v3, v0;
	_ =	sdelay $0x1  }
0xab: {  	v3 =	vperm.xlane v3, v2;
	v4 =	vadd.s32 v1, v4;
	_ =	sdelay $0x1  }
0xac: {  	v3 =	vadd.s32 v1, v3;
	_ =	sdelay $0x1  }
0xad: {  	s20 =	simm.s32 $0x7980  }
0xae: {  	[tilespmem:s20], [sflag:$0x2] =	stream.indirect_vreg.gather [hbm4b:s4+s15], $0x80, v4, vm0, $0xb8;
	[tilespmem:$0x14980] =	vst v63  }
0xaf: {  	s21 =	simm.s32 $0x8180  }
0xb0: {  	[tilespmem:s21], [sflag:$0x2] =	stream.indirect_vreg.gather [hbm4b:s4+s15], $0x80, v3, vm0, $0xb8;
	[tilespmem:$0x14980] =	vst v63  }
0xb1: {  	v3 =	vld [tilespmem:$0x28E0];
	_ =	sdelay $0x4  }
0xb2: {  	v4 =	vshll.u32 v3, $0x1  }
0xb3: {  	v3 =	vand.u32 $0x7, v3;
	v4 =	vand.u32 $0xFFFFFFF0, v4  }
0xb4: {  	v3 =	vor.u32 v3, v4  }
0xb5: {  	v4 =	vperm.xlane v3, v0;
	_ =	sdelay $0x1  }
0xb6: {  	v3 =	vperm.xlane v3, v2;
	v4 =	vadd.s32 v1, v4;
	_ =	sdelay $0x1  }
0xb7: {  	v3 =	vadd.s32 v1, v3;
	_ =	sdelay $0x1  }
0xb8: {  	s22 =	simm.s32 $0x8980  }
0xb9: {  	[tilespmem:s22], [sflag:$0x2] =	stream.indirect_vreg.gather [hbm4b:s4+s15], $0x80, v4, vm0, $0xb8;
	[tilespmem:$0x14980] =	vst v63  }
0xba: {  	s23 =	simm.s32 $0x9180  }
0xbb: {  	[tilespmem:s23], [sflag:$0x2] =	stream.indirect_vreg.gather [hbm4b:s4+s15], $0x80, v3, vm0, $0xb8;
	[tilespmem:$0x14980] =	vst v63  }
0xbc: {  	v3 =	vld [tilespmem:$0x28F0];
	_ =	sdelay $0x4  }
0xbd: {  	v4 =	vshll.u32 v3, $0x1  }
0xbe: {  	v3 =	vand.u32 $0x7, v3;
	v4 =	vand.u32 $0xFFFFFFF0, v4  }
0xbf: {  	v3 =	vor.u32 v3, v4  }
0xc0: {  	v4 =	vperm.xlane v3, v0;
	_ =	sdelay $0x1  }
0xc1: {  	v3 =	vperm.xlane v3, v2;
	v4 =	vadd.s32 v1, v4;
	_ =	sdelay $0x1  }
0xc2: {  	s16 =	sadd.s32 $0x80, s26;
	v3 =	vadd.s32 v1, v3  }
0xc3: {  	p1 =	slt.s32 s16, $0x4E200  }
0xc4: {  	s16 =	simm.s32 @!p1 $0x4E200;
	s24 =	simm.s32 $0x9980  }
0xc5: {  	[tilespmem:s24], [sflag:$0x2] =	stream.indirect_vreg.gather [hbm4b:s4+s15], $0x80, v4, vm0, $0xb8;
	[tilespmem:$0x14980] =	vst v63  }
0xc6: {  	s16 =	sshrl.u32 s16, $0x3;
	s25 =	simm.s32 $0xA180  }
0xc7: {  	[tilespmem:s25], [sflag:$0x2] =	stream.indirect_vreg.gather [hbm4b:s4+s15], $0x80, v3, vm0, $0xb8;
	[tilespmem:$0x14980] =	vst v63  }
0xc8: {  	s16 =	sadd.s32 s2, s16;
	s28 =	simm.s32 $0x2900  }
0xc9: {  	[tilespmem:s28], [sflag:$0x1] =	stream.linear.gather [hbm4b:s16+s15], $0x80, $0x38;
	[tilespmem:$0x14980] =	vst v63  }
0xca: {  	_ =	swait.ge [sflag:s0], $0x8000  }
0xcb: {  	[sflag:s0] =	ssyncset.done $0x0  }
0xcc: {  	[sflag:s0] =	ssyncadd.s32 $0xFFFF8000  }
0xcd: {  	_ =	swait.ge [sflag:s12], $0x80  }
0xce: {  	[sflag:s12] =	ssyncset.done $0x0  }
0xcf: {  	[sflag:s12] =	ssyncadd.s32 $0xFFFFFF80  }
0xd0: {  	v3 =	vld [tilespmem:$0x2900];
	_ =	sdelay $0x4  }
0xd1: {  	v4 =	vshll.u32 v3, $0x1  }
0xd2: {  	v3 =	vand.u32 $0x7, v3;
	v4 =	vand.u32 $0xFFFFFFF0, v4  }
0xd3: {  	v3 =	vor.u32 v3, v4  }
0xd4: {  	v4 =	vperm.xlane v3, v0;
	_ =	sdelay $0x1  }
0xd5: {  	v3 =	vperm.xlane v3, v2;
	v4 =	vadd.s32 v1, v4;
	_ =	sdelay $0x1  }
0xd6: {  	v3 =	vadd.s32 v1, v3;
	_ =	sdelay $0x1  }
0xd7: {  	s29 =	simm.s32 $0xA980  }
0xd8: {  	[tilespmem:s29], [sflag:$0x2] =	stream.indirect_vreg.gather [hbm4b:s4+s15], $0x80, v4, vm0, $0xb8;
	[tilespmem:$0x14980] =	vst v63  }
0xd9: {  	s17 =	simm.s32 $0xB180  }
0xda: {  	[tilespmem:s17], [sflag:$0x2] =	stream.indirect_vreg.gather [hbm4b:s4+s15], $0x80, v3, vm0, $0xb8;
	[tilespmem:$0x14980] =	vst v63  }
0xdb: {  	v3 =	vld [tilespmem:$0x2910];
	_ =	sdelay $0x4  }
0xdc: {  	v4 =	vshll.u32 v3, $0x1  }
0xdd: {  	v3 =	vand.u32 $0x7, v3;
	v4 =	vand.u32 $0xFFFFFFF0, v4  }
0xde: {  	v3 =	vor.u32 v3, v4  }
0xdf: {  	v4 =	vperm.xlane v3, v0;
	_ =	sdelay $0x1  }
0xe0: {  	v3 =	vperm.xlane v3, v2;
	v4 =	vadd.s32 v1, v4;
	_ =	sdelay $0x1  }
0xe1: {  	v3 =	vadd.s32 v1, v3;
	_ =	sdelay $0x1  }
0xe2: {  	s19 =	simm.s32 $0xB980  }
0xe3: {  	[tilespmem:s19], [sflag:$0x2] =	stream.indirect_vreg.gather [hbm4b:s4+s15], $0x80, v4, vm0, $0xb8;
	[tilespmem:$0x14980] =	vst v63  }
0xe4: {  	s20 =	simm.s32 $0xC180  }
0xe5: {  	[tilespmem:s20], [sflag:$0x2] =	stream.indirect_vreg.gather [hbm4b:s4+s15], $0x80, v3, vm0, $0xb8;
	[tilespmem:$0x14980] =	vst v63  }
0xe6: {  	v3 =	vld [tilespmem:$0x2920];
	_ =	sdelay $0x4  }
0xe7: {  	v4 =	vshll.u32 v3, $0x1  }
0xe8: {  	v3 =	vand.u32 $0x7, v3;
	v4 =	vand.u32 $0xFFFFFFF0, v4  }
0xe9: {  	v3 =	vor.u32 v3, v4  }
0xea: {  	v4 =	vperm.xlane v3, v0;
	_ =	sdelay $0x1  }
0xeb: {  	v3 =	vperm.xlane v3, v2;
	v4 =	vadd.s32 v1, v4;
	_ =	sdelay $0x1  }
0xec: {  	v3 =	vadd.s32 v1, v3;
	_ =	sdelay $0x1  }
0xed: {  	s21 =	simm.s32 $0xC980  }
0xee: {  	[tilespmem:s21], [sflag:$0x2] =	stream.indirect_vreg.gather [hbm4b:s4+s15], $0x80, v4, vm0, $0xb8;
	[tilespmem:$0x14980] =	vst v63  }
0xef: {  	s22 =	simm.s32 $0xD180  }
0xf0: {  	[tilespmem:s22], [sflag:$0x2] =	stream.indirect_vreg.gather [hbm4b:s4+s15], $0x80, v3, vm0, $0xb8;
	[tilespmem:$0x14980] =	vst v63  }
0xf1: {  	v3 =	vld [tilespmem:$0x2930];
	_ =	sdelay $0x4  }
0xf2: {  	v4 =	vshll.u32 v3, $0x1  }
0xf3: {  	v3 =	vand.u32 $0x7, v3;
	v4 =	vand.u32 $0xFFFFFFF0, v4  }
0xf4: {  	v3 =	vor.u32 v3, v4  }
0xf5: {  	v4 =	vperm.xlane v3, v0;
	_ =	sdelay $0x1  }
0xf6: {  	v3 =	vperm.xlane v3, v2;
	v4 =	vadd.s32 v1, v4;
	_ =	sdelay $0x1  }
0xf7: {  	v3 =	vadd.s32 v1, v3;
	_ =	sdelay $0x1  }
0xf8: {  	s23 =	simm.s32 $0xD980  }
0xf9: {  	[tilespmem:s23], [sflag:$0x2] =	stream.indirect_vreg.gather [hbm4b:s4+s15], $0x80, v4, vm0, $0xb8;
	[tilespmem:$0x14980] =	vst v63  }
0xfa: {  	s24 =	simm.s32 $0xE180  }
0xfb: {  	[tilespmem:s24], [sflag:$0x2] =	stream.indirect_vreg.gather [hbm4b:s4+s15], $0x80, v3, vm0, $0xb8;
	[tilespmem:$0x14980] =	vst v63  }
0xfc: {  	v3 =	vld [tilespmem:$0x2940];
	_ =	sdelay $0x4  }
0xfd: {  	v4 =	vshll.u32 v3, $0x1  }
0xfe: {  	v3 =	vand.u32 $0x7, v3;
	v4 =	vand.u32 $0xFFFFFFF0, v4  }
0xff: {  	v3 =	vor.u32 v3, v4  }
0x100: {  	v4 =	vperm.xlane v3, v0;
	_ =	sdelay $0x1  }
0x101: {  	v3 =	vperm.xlane v3, v2;
	v4 =	vadd.s32 v1, v4;
	_ =	sdelay $0x1  }
0x102: {  	v3 =	vadd.s32 v1, v3;
	_ =	sdelay $0x1  }
0x103: {  	s25 =	simm.s32 $0xE980  }
0x104: {  	[tilespmem:s25], [sflag:$0x2] =	stream.indirect_vreg.gather [hbm4b:s4+s15], $0x80, v4, vm0, $0xb8;
	[tilespmem:$0x14980] =	vst v63  }
0x105: {  	s28 =	simm.s32 $0xF180  }
0x106: {  	[tilespmem:s28], [sflag:$0x2] =	stream.indirect_vreg.gather [hbm4b:s4+s15], $0x80, v3, vm0, $0xb8;
	[tilespmem:$0x14980] =	vst v63  }
0x107: {  	v3 =	vld [tilespmem:$0x2950];
	_ =	sdelay $0x4  }
0x108: {  	v4 =	vshll.u32 v3, $0x1  }
0x109: {  	v3 =	vand.u32 $0x7, v3;
	v4 =	vand.u32 $0xFFFFFFF0, v4  }
0x10a: {  	v3 =	vor.u32 v3, v4  }
0x10b: {  	v4 =	vperm.xlane v3, v0;
	_ =	sdelay $0x1  }
0x10c: {  	v3 =	vperm.xlane v3, v2;
	v4 =	vadd.s32 v1, v4;
	_ =	sdelay $0x1  }
0x10d: {  	v3 =	vadd.s32 v1, v3;
	_ =	sdelay $0x1  }
0x10e: {  	s29 =	simm.s32 $0xF980  }
0x10f: {  	[tilespmem:s29], [sflag:$0x2] =	stream.indirect_vreg.gather [hbm4b:s4+s15], $0x80, v4, vm0, $0xb8;
	[tilespmem:$0x14980] =	vst v63  }
0x110: {  	s17 =	simm.s32 $0x10180  }
0x111: {  	[tilespmem:s17], [sflag:$0x2] =	stream.indirect_vreg.gather [hbm4b:s4+s15], $0x80, v3, vm0, $0xb8;
	[tilespmem:$0x14980] =	vst v63  }
0x112: {  	v3 =	vld [tilespmem:$0x2960];
	_ =	sdelay $0x4  }
0x113: {  	v4 =	vshll.u32 v3, $0x1  }
0x114: {  	v3 =	vand.u32 $0x7, v3;
	v4 =	vand.u32 $0xFFFFFFF0, v4  }
0x115: {  	v3 =	vor.u32 v3, v4  }
0x116: {  	v4 =	vperm.xlane v3, v0;
	_ =	sdelay $0x1  }
0x117: {  	v3 =	vperm.xlane v3, v2;
	v4 =	vadd.s32 v1, v4;
	_ =	sdelay $0x1  }
0x118: {  	v3 =	vadd.s32 v1, v3;
	_ =	sdelay $0x1  }
0x119: {  	s19 =	simm.s32 $0x10980  }
0x11a: {  	[tilespmem:s19], [sflag:$0x2] =	stream.indirect_vreg.gather [hbm4b:s4+s15], $0x80, v4, vm0, $0xb8;
	[tilespmem:$0x14980] =	vst v63  }
0x11b: {  	s20 =	simm.s32 $0x11180  }
0x11c: {  	[tilespmem:s20], [sflag:$0x2] =	stream.indirect_vreg.gather [hbm4b:s4+s15], $0x80, v3, vm0, $0xb8;
	[tilespmem:$0x14980] =	vst v63  }
0x11d: {  	v3 =	vld [tilespmem:$0x2970];
	_ =	sdelay $0x2  }
0x11e: {  	s14 =	ssub.s32 s14, s26  }
0x11f: {  	s14 =	sadd.s32 $0x7F, s14  }
0x120: {  	s21 =	sand.u32 $0x7F, s14;
	v4 =	vshll.u32 v3, $0x1  }
0x121: {  	p5 =	slt.s32 s14, $0x1;
	p6 =	sne.s32 s21, $0x0;
	s22 =	sshra.s32 s14, $0x1F;
	v3 =	vand.u32 $0x7, v3;
	v4 =	vand.u32 $0xFFFFFFF0, v4  }
0x122: {  	p1 =	por !p5, !p6;
	s23 =	sshrl.u32 s22, $0x19;
	v3 =	vor.u32 v3, v4  }
0x123: {  	s16 =	simm.s32 $0x1;
	p1 =	por !p1, !p1;
	s14 =	sadd.s32 s23, s14;
	v4 =	vperm.xlane v3, v0  }
0x124: {  	s16 =	simm.s32 @!p1 $0x0;
	s14 =	sshra.s32 s14, $0x7  }
0x125: {  	s14 =	ssub.s32 s14, s16;
	v4 =	vadd.s32 v1, v4  }
0x126: {  	p2 =	sgt.s32 s14, $0x1;
	s28 =	sxor.u32 $0xFFFFFFFF, s31;
	v3 =	vperm.xlane v3, v2  }
0x127: {  	s14 =	simm.s32 @!p2 $0x1;
	s16 =	sadd.s32 s28, s1;
	s17 =	sadd.s32 $0x100, s26  }
0x128: {  	s16 =	sadd.s32 s14, s16;
	p1 =	slt.s32 s17, $0x4E200;
	v3 =	vadd.s32 v1, v3  }
0x129: {  	s24 =	simm.s32 $0x11980;
	s17 =	simm.s32 @!p1 $0x4E200;
	p1 =	slt.s32 s16, $0x1  }
0x12a: {  	v5 =	vimm.f32 $0.0e+00;
	[tilespmem:s24], [sflag:$0x2] =	stream.indirect_vreg.gather [hbm4b:s4+s15], $0x80, v4, vm0, $0xb8;
	[tilespmem:$0x14980] =	vst v63  }
.Ltmp4:
0x12b: {  	v6 =	vimm.f32 $0.0e+00;
	v7 =	vimm.f32 $0.0e+00;
	v8 =	vimm.f32 $0.0e+00;
	(pc) =	sbr.rel @!p1 .LBB2_6-.Ltmp4, $4  }
.Ltmp5:
0x12c: {  	v9 =	vimm.f32 $0.0e+00;
	v10 =	vimm.f32 $0.0e+00;
	v11 =	vimm.f32 $0.0e+00;
	s25 =	simm.s32 $0x12180;
	s17 =	sshrl.u32 s17, $0x3;
	(pc) =	sbr.rel @p1 .LBB2_14-.Ltmp5, $4  }
0x12d: {  	v12 =	vimm.f32 $0.0e+00;
	v13 =	vimm.f32 $0.0e+00;
	v14 =	vimm.f32 $0.0e+00;
	[tilespmem:s25], [sflag:$0x2] =	stream.indirect_vreg.gather [hbm4b:s4+s15], $0x80, v3, vm0, $0xb8;
	[tilespmem:$0x14980] =	vst v63  }
0x12e: {  	v15 =	vimm.f32 $0.0e+00;
	v16 =	vimm.f32 $0.0e+00;
	v17 =	vimm.f32 $0.0e+00;
	s29 =	sadd.s32 s2, s17;
	s17 =	simm.s32 $0x0  }
0x12f: {  	v18 =	vimm.f32 $0.0e+00;
	v4 =	vimm.f32 $0.0e+00;
	v3 =	vimm.f32 $0.0e+00;
	[tilespmem:s13], [sflag:$0x1] =	stream.linear.gather [hbm4b:s29+s15], $0x80, $0x38;
	[tilespmem:$0x14980] =	vst v63  }
0x130: {  	_ = 	snop  }
.LBB2_12:
0x131: {  	_ =	swait.ge [sflag:s0], $0x8000  }
0x132: {  	[sflag:s0] =	ssyncset.done $0x0  }
0x133: {  	[sflag:s0] =	ssyncadd.s32 $0xFFFF8000  }
0x134: {  	_ =	swait.ge [sflag:s12], $0x80  }
0x135: {  	s13 =	sshll.u32 s15, $0x7;
	[sflag:s12] =	ssyncset.done $0x0  }
0x136: {  	s20 =	sand.u32 $0x3FFFFF80, s13;
	[sflag:s12] =	ssyncadd.s32 $0xFFFFFF80  }
0x137: {  	v0 =	vld [tilespmem:s20+$0x2880];
	_ =	sdelay $0x2  }
0x138: {  	v2 =	vld [tilespmem:$0x1FFD0]  }
0x139: {  	v19 =	vld [tilespmem:$0x1FFE0]  }
0x13a: {  	v20 =	vld [tilespmem:$0x1FFF0];
	v1 =	vshll.u32 v0, $0x1  }
0x13b: {  	v0 =	vand.u32 $0x7, v0;
	v1 =	vand.u32 $0xFFFFFFF0, v1  }
0x13c: {  	v0 =	vor.u32 v0, v1  }
0x13d: {  	v1 =	vperm.xlane v0, v2;
	_ =	sdelay $0x1  }
0x13e: {  	v0 =	vperm.xlane v0, v20;
	v1 =	vadd.s32 v19, v1;
	_ =	sdelay $0x1  }
0x13f: {  	v0 =	vadd.s32 v19, v0  }
0x140: {  	s18 =	sand.u32 $0x3FFF8000, s22  }
0x141: {  	s25 =	sor.u32 $0x2980, s18  }
0x142: {  	[tilespmem:s25], [sflag:$0x2] =	stream.indirect_vreg.gather [hbm4b:s4+s3], $0x80, v1, vm0, $0xb8;
	[tilespmem:$0x14980] =	vst v63  }
0x143: {  	s28 =	sor.u32 $0x3180, s18  }
0x144: {  	[tilespmem:s28], [sflag:$0x2] =	stream.indirect_vreg.gather [hbm4b:s4+s3], $0x80, v0, vm0, $0xb8;
	[tilespmem:$0x14980] =	vst v63  }
0x145: {  	v0 =	vld [tilespmem:s20+$0x2890];
	_ =	sdelay $0x4  }
0x146: {  	v1 =	vshll.u32 v0, $0x1  }
0x147: {  	v0 =	vand.u32 $0x7, v0;
	v1 =	vand.u32 $0xFFFFFFF0, v1  }
0x148: {  	v0 =	vor.u32 v0, v1  }
0x149: {  	v1 =	vperm.xlane v0, v2;
	_ =	sdelay $0x1  }
0x14a: {  	v0 =	vperm.xlane v0, v20;
	v1 =	vadd.s32 v19, v1;
	_ =	sdelay $0x1  }
0x14b: {  	v0 =	vadd.s32 v19, v0;
	_ =	sdelay $0x1  }
0x14c: {  	s29 =	sor.u32 $0x3980, s18  }
0x14d: {  	[tilespmem:s29], [sflag:$0x2] =	stream.indirect_vreg.gather [hbm4b:s4+s3], $0x80, v1, vm0, $0xb8;
	[tilespmem:$0x14980] =	vst v63  }
0x14e: {  	s21 =	sor.u32 $0x4180, s18  }
0x14f: {  	[tilespmem:s21], [sflag:$0x2] =	stream.indirect_vreg.gather [hbm4b:s4+s3], $0x80, v0, vm0, $0xb8;
	[tilespmem:$0x14980] =	vst v63  }
0x150: {  	v0 =	vld [tilespmem:s20+$0x28A0];
	_ =	sdelay $0x4  }
0x151: {  	v1 =	vshll.u32 v0, $0x1  }
0x152: {  	v0 =	vand.u32 $0x7, v0;
	v1 =	vand.u32 $0xFFFFFFF0, v1  }
0x153: {  	v0 =	vor.u32 v0, v1  }
0x154: {  	v1 =	vperm.xlane v0, v2;
	_ =	sdelay $0x1  }
0x155: {  	v0 =	vperm.xlane v0, v20;
	v1 =	vadd.s32 v19, v1;
	_ =	sdelay $0x1  }
0x156: {  	v0 =	vadd.s32 v19, v0;
	_ =	sdelay $0x1  }
0x157: {  	s22 =	sor.u32 $0x4980, s18  }
0x158: {  	[tilespmem:s22], [sflag:$0x2] =	stream.indirect_vreg.gather [hbm4b:s4+s3], $0x80, v1, vm0, $0xb8;
	[tilespmem:$0x14980] =	vst v63  }
0x159: {  	s23 =	sor.u32 $0x5180, s18  }
0x15a: {  	[tilespmem:s23], [sflag:$0x2] =	stream.indirect_vreg.gather [hbm4b:s4+s3], $0x80, v0, vm0, $0xb8;
	[tilespmem:$0x14980] =	vst v63  }
0x15b: {  	v0 =	vld [tilespmem:s20+$0x28B0];
	_ =	sdelay $0x4  }
0x15c: {  	v1 =	vshll.u32 v0, $0x1  }
0x15d: {  	v0 =	vand.u32 $0x7, v0;
	v1 =	vand.u32 $0xFFFFFFF0, v1  }
0x15e: {  	v0 =	vor.u32 v0, v1  }
0x15f: {  	v1 =	vperm.xlane v0, v2;
	_ =	sdelay $0x1  }
0x160: {  	v0 =	vperm.xlane v0, v20;
	v1 =	vadd.s32 v19, v1;
	_ =	sdelay $0x1  }
0x161: {  	v0 =	vadd.s32 v19, v0;
	_ =	sdelay $0x1  }
0x162: {  	s24 =	sor.u32 $0x5980, s18  }
0x163: {  	[tilespmem:s24], [sflag:$0x2] =	stream.indirect_vreg.gather [hbm4b:s4+s3], $0x80, v1, vm0, $0xb8;
	[tilespmem:$0x14980] =	vst v63  }
0x164: {  	s25 =	sor.u32 $0x6180, s18  }
0x165: {  	[tilespmem:s25], [sflag:$0x2] =	stream.indirect_vreg.gather [hbm4b:s4+s3], $0x80, v0, vm0, $0xb8;
	[tilespmem:$0x14980] =	vst v63  }
0x166: {  	v0 =	vld [tilespmem:s20+$0x28C0];
	_ =	sdelay $0x4  }
0x167: {  	v1 =	vshll.u32 v0, $0x1  }
0x168: {  	v0 =	vand.u32 $0x7, v0;
	v1 =	vand.u32 $0xFFFFFFF0, v1  }
0x169: {  	v0 =	vor.u32 v0, v1  }
0x16a: {  	v1 =	vperm.xlane v0, v2;
	_ =	sdelay $0x1  }
0x16b: {  	v0 =	vperm.xlane v0, v20;
	v1 =	vadd.s32 v19, v1;
	_ =	sdelay $0x1  }
0x16c: {  	v0 =	vadd.s32 v19, v0;
	_ =	sdelay $0x1  }
0x16d: {  	s28 =	sor.u32 $0x6980, s18  }
0x16e: {  	[tilespmem:s28], [sflag:$0x2] =	stream.indirect_vreg.gather [hbm4b:s4+s3], $0x80, v1, vm0, $0xb8;
	[tilespmem:$0x14980] =	vst v63  }
0x16f: {  	s29 =	sor.u32 $0x7180, s18  }
0x170: {  	[tilespmem:s29], [sflag:$0x2] =	stream.indirect_vreg.gather [hbm4b:s4+s3], $0x80, v0, vm0, $0xb8;
	[tilespmem:$0x14980] =	vst v63  }
0x171: {  	v0 =	vld [tilespmem:s20+$0x28D0];
	_ =	sdelay $0x4  }
0x172: {  	v1 =	vshll.u32 v0, $0x1  }
0x173: {  	v0 =	vand.u32 $0x7, v0;
	v1 =	vand.u32 $0xFFFFFFF0, v1  }
0x174: {  	v0 =	vor.u32 v0, v1  }
0x175: {  	v1 =	vperm.xlane v0, v2;
	_ =	sdelay $0x1  }
0x176: {  	v0 =	vperm.xlane v0, v20;
	v1 =	vadd.s32 v19, v1;
	_ =	sdelay $0x1  }
0x177: {  	v0 =	vadd.s32 v19, v0;
	_ =	sdelay $0x1  }
0x178: {  	s21 =	sor.u32 $0x7980, s18  }
0x179: {  	[tilespmem:s21], [sflag:$0x2] =	stream.indirect_vreg.gather [hbm4b:s4+s3], $0x80, v1, vm0, $0xb8;
	[tilespmem:$0x14980] =	vst v63  }
0x17a: {  	s22 =	sadd.s32 $0x8180, s18  }
0x17b: {  	[tilespmem:s22], [sflag:$0x2] =	stream.indirect_vreg.gather [hbm4b:s4+s3], $0x80, v0, vm0, $0xb8;
	[tilespmem:$0x14980] =	vst v63  }
0x17c: {  	v0 =	vld [tilespmem:s20+$0x28E0];
	_ =	sdelay $0x4  }
0x17d: {  	v1 =	vshll.u32 v0, $0x1  }
0x17e: {  	v0 =	vand.u32 $0x7, v0;
	v1 =	vand.u32 $0xFFFFFFF0, v1  }
0x17f: {  	v0 =	vor.u32 v0, v1  }
0x180: {  	v1 =	vperm.xlane v0, v2;
	_ =	sdelay $0x1  }
0x181: {  	v0 =	vperm.xlane v0, v20;
	v1 =	vadd.s32 v19, v1;
	_ =	sdelay $0x1  }
0x182: {  	v0 =	vadd.s32 v19, v0;
	_ =	sdelay $0x1  }
0x183: {  	s23 =	sadd.s32 $0x8980, s18  }
0x184: {  	[tilespmem:s23], [sflag:$0x2] =	stream.indirect_vreg.gather [hbm4b:s4+s3], $0x80, v1, vm0, $0xb8;
	[tilespmem:$0x14980] =	vst v63  }
0x185: {  	s24 =	sadd.s32 $0x9180, s18  }
0x186: {  	[tilespmem:s24], [sflag:$0x2] =	stream.indirect_vreg.gather [hbm4b:s4+s3], $0x80, v0, vm0, $0xb8;
	[tilespmem:$0x14980] =	vst v63  }
0x187: {  	v0 =	vld [tilespmem:s20+$0x28F0];
	_ =	sdelay $0x4  }
0x188: {  	v1 =	vshll.u32 v0, $0x1  }
0x189: {  	v0 =	vand.u32 $0x7, v0;
	v1 =	vand.u32 $0xFFFFFFF0, v1  }
0x18a: {  	v0 =	vor.u32 v0, v1  }
0x18b: {  	v1 =	vperm.xlane v0, v2;
	_ =	sdelay $0x1  }
0x18c: {  	v0 =	vperm.xlane v0, v20;
	v1 =	vadd.s32 v19, v1;
	_ =	sdelay $0x1  }
0x18d: {  	s13 =	sadd.s32 $0x180, s26;
	v0 =	vadd.s32 v19, v0  }
0x18e: {  	s15 =	sxor.u32 $0x1, s15;
	p2 =	slt.s32 s13, $0x4E200  }
0x18f: {  	s13 =	simm.s32 @!p2 $0x4E200;
	s25 =	sadd.s32 $0x9980, s18;
	s29 =	sshll.u32 s15, $0x7  }
0x190: {  	[tilespmem:s25], [sflag:$0x2] =	stream.indirect_vreg.gather [hbm4b:s4+s3], $0x80, v1, vm0, $0xb8;
	[tilespmem:$0x14980] =	vst v63  }
0x191: {  	s13 =	sshrl.u32 s13, $0x3;
	s28 =	sadd.s32 $0xA180, s18;
	s18 =	sand.u32 $0x3FFFFF80, s29  }
0x192: {  	[tilespmem:s28], [sflag:$0x2] =	stream.indirect_vreg.gather [hbm4b:s4+s3], $0x80, v0, vm0, $0xb8;
	[tilespmem:$0x14980] =	vst v63  }
0x193: {  	s13 =	sadd.s32 s2, s13;
	s18 =	sadd.s32 $0x2880, s18  }
0x194: {  	[tilespmem:s18], [sflag:$0x1] =	stream.linear.gather [hbm4b:s13+s3], $0x80, $0x38;
	[tilespmem:$0x14980] =	vst v63  }
0x195: {  	s26 =	smov.u32 s19;
	s18 =	simm.f32 $1.000000000e+00  }
.LBB2_13:
0x196: {  	_ = 	snop  }
0x197: {  	v18 =	vmul.f32 s18, v18;
	v17 =	vmul.f32 s18, v17  }
0x198: {  	s13 =	simm.s32 $0x1;
	s17 =	sadd.s32 $0x1, s17;
	v16 =	vmul.f32 s18, v16;
	v15 =	vmul.f32 s18, v15  }
0x199: {  	v14 =	vmul.f32 s18, v14;
	v13 =	vmul.f32 s18, v13;
	s13 =	simm.s32 @!p1 $0x0;
	p1 =	sne.s32 s17, s16  }
.Ltmp6:
0x19a: {  	v12 =	vmul.f32 s18, v12;
	v11 =	vmul.f32 s18, v11;
	(pc) =	sbr.rel @!p1 .LBB2_14-.Ltmp6, $4  }
0x19b: {  	v10 =	vmul.f32 s18, v10;
	v9 =	vmul.f32 s18, v9  }
0x19c: {  	v8 =	vmul.f32 s18, v8;
	v7 =	vmul.f32 s18, v7  }
0x19d: {  	v6 =	vmul.f32 s18, v6;
	v5 =	vmul.f32 s18, v5  }
0x19e: {  	v4 =	vmul.f32 s18, v4;
	v3 =	vmul.f32 s18, v3;
	s18 =	smov.u32 s14;
	s31 =	sadd.s32 s13, s31  }
.LBB2_6:
0x19f: {  	v19 =	vld [tilespmem:s31+$0x0];
	_ =	sdelay $0x1  }
0x1a0: {  	v20 =	vld [tilespmem:s31+$0x1];
	_ =	sdelay $0x2  }
0x1a1: {  	(v2sf) =	vpush v19, $0x0;
	_ =	sdelay $0x1  }
0x1a2: {  	(v2sf) =	vpush v20, $0x0;
	_ =	sdelay $0xb  }
0x1a3: {  	s20 =	sand.u32 $0xF, s31  }
0x1a4: {  	p1 =	sne.s32 s20, $0x0;
	s14 =	spop (v2sf)  }
0x1a5: {  	p2 =	sne.s32 @!p1 s18, s14  }
0x1a6: {  	s19 =	sadd.s32 $0x80, s26;
	s23 =	spop (v2sf);
	p1 =	por p2, p1  }
0x1a7: {  	p2 =	slt.s32 s23, s19;
	s14 =	sshll.u32 @!p1 s31, $0x5;
	s22 =	simm.s32 @!p1 $0x0  }
0x1a8: {  	s24 =	simm.s32 @!p1 $0x12980;
	s21 =	sadd.s32 @!p1 s6, s14;
	s14 =	smov.u32 s19  }
0x1a9: {  	[tilespmem:s24], [sflag:$0x3] =	stream.linear.gather @!p1 [hbm4b:s21+s22], $0x1000, $0x38;
	[tilespmem:$0x14980] =	vst v63  }
0x1aa: {  	s14 =	smov.u32 @p2 s23  }
0x1ab: {  	s24 =	ssub.s32 s18, s26;
	s25 =	ssub.s32 s14, s26  }
0x1ac: {  	p2 =	sge.s32 s24, s25  }
.Ltmp7:
0x1ad: {  	_ = 	snop;
	(pc) =	sbr.rel @p2 .LBB2_10-.Ltmp7, $4  }
0x1ae: {  	s21 =	simm.s32 @!p1 $0x3  }
0x1af: {  	s29 =	sshll.u32 s31, $0x7;
	s28 =	sshll.u32 s20, $0x8;
	_ =	swait.ge @!p1 [sflag:s21], $0x1000  }
0x1b0: {  	s22 =	sand.u32 $0x800, s28;
	[sflag:s21] =	ssyncset.done @!p1 $0x0;
	s24 =	sand.u32 $0x380, s29  }
0x1b1: {  	[sflag:s21] =	ssyncadd.s32 @!p1 $0xFFFFF000;
	s21 =	sor.u32 s24, s22;
	s22 =	sshll.u32 s15, $0xF  }
0x1b2: {  	v0 =	vld [tilespmem:s21+$0x12990]  }
0x1b3: {  	v1 =	vld [tilespmem:s21+$0x129B0]  }
0x1b4: {  	v22 =	vld [tilespmem:s21+$0x12DA0];
	s24 =	sand.u32 $0x3FFF8000, s22;
	s25 =	sshll.u32 s18, $0x8;
	s28 =	sshll.u32 s26, $0x8  }
0x1b5: {  	v29 =	vld [tilespmem:s21+$0x12DB0];
	s29 =	sshll.u32 s18, $0x7;
	s13 =	sshll.u32 s26, $0x7;
	s28 =	ssub.s32 s25, s28  }
0x1b6: {  	v31 =	vld [tilespmem:s21+$0x12DD0];
	s24 =	sor.u32 $0x2980, s24;
	s25 =	ssub.s32 s29, s13;
	s13 =	sand.u32 $0xFFFFF800, s28  }
0x1b7: {  	v32 =	vld [tilespmem:s21+$0x12DE0];
	s29 =	sand.u32 $0x380, s25;
	s13 =	sadd.s32 s13, s24  }
0x1b8: {  	v25 =	vld [tilespmem:s21+$0x12DF0];
	s29 =	sadd.s32 s29, s13  }
0x1b9: {  	v19 =	vld [tilespmem:s29+$0x420]  }
0x1ba: {  	v20 =	vld [tilespmem:s29+$0x470]  }
0x1bb: {  	v21 =	vld [tilespmem:s29+$0x460]  }
0x1bc: {  	v23 =	vld [tilespmem:s29+$0x450]  }
0x1bd: {  	v45 =	vld [tilespmem:s29+$0x10]  }
0x1be: {  	v36 =	vld [tilespmem:s29+$0x430]  }
0x1bf: {  	v26 =	vld [tilespmem:s21+$0x129D0]  }
0x1c0: {  	v28 =	vld [tilespmem:s21+$0x129F0];
	v43 =	vadd.f32 v19, v22  }
0x1c1: {  	v30 =	vld [tilespmem:s21+$0x12DC0];
	[tilespmem:$0x1FED0] =	vst v22;
	v22 =	vadd.f32 v20, v25;
	v34 =	vadd.f32 v21, v32  }
0x1c2: {  	v19 =	vld [tilespmem:s29+$0x70];
	v21 =	vadd.f32 v23, v31;
	v48 =	vadd.f32 v45, v0  }
0x1c3: {  	[tilespmem:$0x1FEE0] =	vst v25;
	v20 =	vld [tilespmem:s29+$0x50];
	v45 =	vadd.f32 v36, v29;
	v25 =	vmul.f32 v43, v43;
	v37 =	vmul.f32 v22, v22  }
0x1c4: {  	v24 =	vld [tilespmem:s29+$0x440];
	v44 =	vmul.f32 v34, v34;
	v59 =	vmul.f32 v21, v21  }
0x1c5: {  	v2 =	vld [tilespmem:s21+$0x129C0];
	v53 =	vmul.f32 v48, v48;
	v54 =	vmul.f32 v45, v45  }
0x1c6: {  	v27 =	vld [tilespmem:s21+$0x129E0];
	v25 =	vmul.f32 $7.135481390e-02, v25;
	v50 =	vmul.f32 $7.135481390e-02, v37  }
0x1c7: {  	v39 =	vld [tilespmem:s29+$0x60];
	v51 =	vmul.f32 $7.135481390e-02, v44;
	v37 =	vmul.f32 $7.135481390e-02, v59  }
0x1c8: {  	v46 =	vld [tilespmem:s29+$0x40];
	v62 =	vmul.f32 $7.135481390e-02, v53;
	v40 =	vadd.f32 v19, v28;
	v19 =	vadd.f32 v20, v26  }
0x1c9: {  	v49 =	vld [tilespmem:s29+$0x410];
	v54 =	vmul.f32 $7.135481390e-02, v54;
	v20 =	vadd.f32 v24, v30;
	v23 =	vsub.f32 $-1.595769170e+00, v25  }
0x1ca: {  	[tilespmem:$0x1FF50] =	vst v0;
	v0 =	vld [tilespmem:s21+$0x12980];
	v57 =	vsub.f32 $-1.595769170e+00, v37;
	v50 =	vsub.f32 $-1.595769170e+00, v50;
	v47 =	vmul.f32 v40, v40  }
0x1cb: {  	[tilespmem:$0x1FF20] =	vst v26;
	v26 =	vld [tilespmem:s21+$0x12D90];
	v51 =	vsub.f32 $-1.595769170e+00, v51;
	v52 =	vmul.f32 v19, v19;
	v24 =	vmul.f32 v23, v43  }
0x1cc: {  	[tilespmem:$0x1FF10] =	vst v28;
	v28 =	vld [tilespmem:s29+$0x0];
	v44 =	vsub.f32 $-1.595769170e+00, v54;
	v57 =	vmul.f32 v57, v21;
	v33 =	vmul.f32 v50, v22  }
0x1cd: {  	v25 =	vld [tilespmem:s29+$0x30];
	v23 =	vadd.f32 v39, v27;
	v35 =	vmul.f32 v51, v34;
	v55 =	vmul.f32 $7.135481390e-02, v47  }
0x1ce: {  	v39 =	vsub.f32 $-1.595769170e+00, v62;
	v52 =	vmul.f32 $7.135481390e-02, v52;
	v60 =	vmul.f32 $1.442695020e+00, v24  }
0x1cf: {  	v24 =	vadd.f32 v46, v2;
	v61 =	vmul.f32 v23, v23;
	v46 =	vmul.f32 v20, v20  }
0x1d0: {  	[tilespmem:$0x1FF60] =	vst v29;
	v37 =	vadd.f32 v49, v26;
	v29 =	vmul.f32 v39, v48;
	v62 =	vmul.f32 $1.442695020e+00, v35  }
0x1d1: {  	v63 =	vsub.f32 $-1.595769170e+00, v55;
	v55 =	vmul.f32 $1.442695020e+00, v33;
	(erf) = vpow2.f32 v60  }
0x1d2: {  	v36 =	vadd.f32 v28, v0;
	v56 =	vmul.f32 v24, v24;
	v58 =	vmul.f32 v37, v37  }
0x1d3: {  	[tilespmem:$0x1FEF0] =	vst v32;
	v25 =	vadd.f32 v25, v1;
	v60 =	vmul.f32 $7.135481390e-02, v61;
	v32 =	vmul.f32 $1.442695020e+00, v29  }
0x1d4: {  	v47 =	vmul.f32 v36, v36;
	v29 =	vmul.f32 v44, v45  }
0x1d5: {  	v46 =	vmul.f32 $7.135481390e-02, v46;
	v53 =	vmul.f32 v25, v25  }
0x1d6: {  	[tilespmem:$0x1FF30] =	vst v30;
	v59 =	vmul.f32 v63, v40;
	v63 =	vmul.f32 $1.442695020e+00, v57  }
0x1d7: {  	[tilespmem:$0x1FF80] =	vst v1;
	v1 =	vld [tilespmem:s21+$0x129A0];
	v56 =	vmul.f32 $7.135481390e-02, v56;
	v30 =	vmul.f32 $7.135481390e-02, v58  }
0x1d8: {  	[tilespmem:$0x1FF00] =	vst v31;
	v61 =	vld [tilespmem:s29+$0x20];
	v54 =	vmul.f32 $7.135481390e-02, v47;
	v31 =	vmul.f32 $1.442695020e+00, v59  }
0x1d9: {  	v53 =	vmul.f32 $7.135481390e-02, v53;
	v59 =	vmul.f32 $1.442695020e+00, v29  }
0x1da: {  	v39 =	vsub.f32 $-1.595769170e+00, v30;
	v54 =	vsub.f32 $-1.595769170e+00, v54;
	(erf) = vpow2.f32 v31;
	v28 =	vpop (erf)  }
0x1db: {  	v53 =	vsub.f32 $-1.595769170e+00, v53;
	(erf) = vpow2.f32 v32;
	v58 =	vadd.f32 $1.000000000e+00, v28  }
0x1dc: {  	v42 =	vmul.f32 v39, v37;
	v54 =	vmul.f32 v54, v36  }
0x1dd: {  	v39 =	vadd.f32 v61, v1;
	v53 =	vmul.f32 v53, v25;
	(erf) = vrcp.f32 v58  }
0x1de: {  	[tilespmem:$0x1FFA0] =	vst v0;
	v0 =	vld [tilespmem:s21+$0x12D80];
	v46 =	vsub.f32 $-1.595769170e+00, v46;
	v51 =	vmul.f32 $1.442695020e+00, v42;
	(erf) = vpow2.f32 v59  }
0x1df: {  	v31 =	vmul.f32 v39, v39;
	v32 =	vld [tilespmem:s29+$0x400];
	(erf) = vpow2.f32 v62  }
0x1e0: {  	v30 =	vsub.f32 $-1.595769170e+00, v60;
	v35 =	vmul.f32 $1.442695020e+00, v54;
	v54 =	vmul.f32 v46, v20  }
0x1e1: {  	v52 =	vsub.f32 $-1.595769170e+00, v52;
	v53 =	vmul.f32 $1.442695020e+00, v53;
	v60 =	vmul.f32 $7.135481390e-02, v31  }
0x1e2: {  	s29 =	ssub.s32 s14, s18;
	v58 =	vmul.f32 v30, v23;
	(erf) = vpow2.f32 v55  }
0x1e3: {  	v42 =	vmul.f32 v52, v19;
	p1 =	sne.s32 s29, $0x1;
	v33 =	vsub.f32 $-1.595769170e+00, v60;
	v38 =	vpop (erf);
	(erf) = vpow2.f32 v51  }
.Ltmp8:
0x1e4: {  	[tilespmem:$0x1FF40] =	vst v27;
	v46 =	vadd.f32 v32, v0;
	v59 =	vmul.f32 $1.442695020e+00, v58;
	(erf) = vpow2.f32 v35;
	v41 =	vpop (erf);
	(pc) =	sbr.rel @!p1 .LBB2_9-.Ltmp8, $4  }
0x1e5: {  	[tilespmem:$0x1FF70] =	vst v2;
	v55 =	vmul.f32 v33, v39;
	(erf) = vpow2.f32 v53;
	v44 =	vadd.f32 $1.000000000e+00, v41  }
0x1e6: {  	[tilespmem:$0x1FF90] =	vst v26;
	v56 =	vsub.f32 $-1.595769170e+00, v56;
	v47 =	vmul.f32 v46, v46;
	v51 =	vmul.f32 $1.442695020e+00, v42;
	v53 =	vpop (erf)  }
0x1e7: {  	[tilespmem:$0x1FFC0] =	vst v0;
	v52 =	vmul.f32 $1.442695020e+00, v55;
	v55 =	vadd.f32 $1.000000000e+00, v38;
	(erf) = vrcp.f32 v44;
	v50 =	vpop (erf)  }
0x1e8: {  	s28 =	sadd.s32 $0x100, s28;
	[tilespmem:$0x1FFB0] =	vst v1;
	s18 =	sadd.s32 $0xFFFFFFFF, s29;
	v58 =	vmul.f32 $7.135481390e-02, v47;
	(erf) = vpow2.f32 v63;
	v60 =	vpop (erf);
	v57 =	vadd.f32 $1.000000000e+00, v50  }
.LBB2_8:
0x1e9: {  	s13 =	sand.u32 $0xFFFFF800, s28;
	s25 =	sadd.s32 $0x80, s25  }
0x1ea: {  	v41 =	vld [tilespmem:$0x1FFC0];
	(erf) = vpow2.f32 v59;
	s29 =	sand.u32 $0x380, s25;
	s13 =	sadd.s32 s13, s24  }
0x1eb: {  	v60 =	vadd.f32 $1.000000000e+00, v60;
	v54 =	vmul.f32 $1.442695020e+00, v54;
	v42 =	vld [tilespmem:$0x1FF70];
	v28 =	vpop (erf);
	(erf) = vrcp.f32 v57;
	s29 =	sadd.s32 s29, s13  }
0x1ec: {  	v1 =	vmul.f32 v53, v43;
	v0 =	vsub.f32 $-1.595769170e+00, v58;
	(erf) = vrcp.f32 v55;
	v29 =	vpop (erf);
	v55 =	vld [tilespmem:s29+$0x450]  }
0x1ed: {  	v56 =	vmul.f32 v56, v24;
	v32 =	vld [tilespmem:s29+$0x470];
	v53 =	vadd.f32 $1.000000000e+00, v29;
	v31 =	vpop (erf);
	(erf) = vrcp.f32 v60  }
0x1ee: {  	v30 =	vmul.f32 v0, v46;
	v35 =	vld [tilespmem:s29+$0x460];
	v58 =	vadd.f32 $1.000000000e+00, v31;
	v33 =	vpop (erf);
	(erf) = vpow2.f32 v54  }
0x1ef: {  	v59 =	vadd.f32 $1.000000000e+00, v28;
	v47 =	vld [tilespmem:s29+$0x420];
	(erf) = vrcp.f32 v53  }
0x1f0: {  	v0 =	vmul.f32 $1.442695020e+00, v56;
	v62 =	vld [tilespmem:s29+$0x70];
	(erf) = vrcp.f32 v58  }
0x1f1: {  	v61 =	vpop (erf);
	v43 =	vadd.f32 $1.000000000e+00, v33;
	v33 =	vld [tilespmem:s29+$0x40];
	(erf) = vrcp.f32 v59  }
0x1f2: {  	v57 =	vmul.f32 $1.442695020e+00, v30;
	v30 =	vpop (erf);
	(erf) = vpow2.f32 v0;
	v0 =	vld [tilespmem:$0x1FEE0]  }
0x1f3: {  	v56 =	vadd.f32 $1.000000000e+00, v30;
	v30 =	vld [tilespmem:$0x1FF00]  }
0x1f4: {  	v28 =	vld [tilespmem:$0x1FED0];
	v31 =	vpop (erf)  }
0x1f5: {  	(erf) = vpow2.f32 v51;
	v51 =	vadd.f32 $1.000000000e+00, v31;
	v31 =	vld [tilespmem:$0x1FF10]  }
0x1f6: {  	v8 =	vadd.f32 v1, v8;
	v1 =	vmul.f32 v61, v48;
	v61 =	vld [tilespmem:s29+$0x400]  }
0x1f7: {  	(erf) = vpow2.f32 v57;
	v60 =	vadd.f32 v32, v0;
	v0 =	vld [tilespmem:$0x1FEF0]  }
0x1f8: {  	v27 =	vld [tilespmem:s29+$0x50];
	v57 =	vadd.f32 v33, v42;
	v55 =	vadd.f32 v55, v30;
	v32 =	vpop (erf);
	(erf) = vpow2.f32 v52  }
0x1f9: {  	v48 =	vpop (erf);
	(erf) = vrcp.f32 v43;
	v43 =	vadd.f32 v47, v28;
	v28 =	vmul.f32 v32, v45;
	v32 =	vld [tilespmem:$0x1FF20]  }
0x1fa: {  	v45 =	vld [tilespmem:s29+$0x410];
	v62 =	vadd.f32 v62, v31;
	v33 =	vmul.f32 v55, v55;
	v26 =	vpop (erf);
	(erf) = vrcp.f32 v51  }
0x1fb: {  	v51 =	vadd.f32 v61, v41;
	v31 =	vmul.f32 v48, v40;
	v41 =	vld [tilespmem:$0x1FF90];
	v59 =	vpop (erf);
	v53 =	vmul.f32 v26, v34  }
0x1fc: {  	v38 =	vld [tilespmem:s29+$0x440];
	v33 =	vmul.f32 $7.135481390e-02, v33;
	v29 =	vpop (erf);
	v63 =	vadd.f32 v35, v0;
	v0 =	vmul.f32 v60, v60  }
0x1fd: {  	v35 =	vld [tilespmem:$0x1FF30];
	v30 =	vpop (erf);
	(erf) = vrcp.f32 v56;
	v29 =	vmul.f32 v29, v37  }
0x1fe: {  	v26 =	vpop (erf);
	v54 =	vadd.f32 v27, v32;
	v27 =	vmul.f32 v62, v62;
	v30 =	vmul.f32 v30, v36  }
0x1ff: {  	v17 =	vadd.f32 v1, v17;
	v48 =	vld [tilespmem:s29+$0x10];
	v1 =	vmul.f32 v63, v63;
	v0 =	vmul.f32 $7.135481390e-02, v0;
	v47 =	vpop (erf)  }
0x200: {  	v41 =	vadd.f32 v45, v41;
	v26 =	vmul.f32 v26, v22;
	v22 =	vld [tilespmem:$0x1FF50];
	v9 =	vadd.f32 v29, v9;
	v49 =	vpop (erf)  }
0x201: {  	v40 =	vadd.f32 $1.000000000e+00, v47;
	v27 =	vmul.f32 $7.135481390e-02, v27;
	v32 =	vadd.f32 $1.000000000e+00, v49  }
0x202: {  	v3 =	vadd.f32 v26, v3;
	v52 =	vadd.f32 v38, v35;
	v38 =	vmul.f32 v43, v43;
	v35 =	vpop (erf)  }
0x203: {  	v50 =	vld [tilespmem:$0x1FF40];
	v1 =	vmul.f32 $7.135481390e-02, v1;
	v0 =	vsub.f32 $-1.595769170e+00, v0;
	v27 =	vsub.f32 $-1.595769170e+00, v27;
	v42 =	vpop (erf)  }
0x204: {  	v34 =	vld [tilespmem:s29+$0x60];
	v35 =	vadd.f32 $1.000000000e+00, v35;
	v44 =	vmul.f32 $7.135481390e-02, v38;
	v38 =	vmul.f32 v54, v54;
	v61 =	vpop (erf)  }
0x205: {  	v56 =	vld [tilespmem:s29+$0x30];
	v48 =	vadd.f32 v48, v22;
	v22 =	vmov v60;
	v49 =	vpop (erf);
	(erf) = vrcp.f32 v40  }
0x206: {  	v40 =	vmovc v62;
	v62 =	vmul.f32 v57, v57;
	v0 =	vmul.f32 v0, v22;
	v47 =	vsub.f32 $-1.595769170e+00, v44;
	v44 =	vld [tilespmem:$0x1FF80]  }
0x207: {  	v1 =	vsub.f32 $-1.595769170e+00, v1;
	v27 =	vmul.f32 v27, v40;
	v38 =	vmul.f32 $7.135481390e-02, v38  }
0x208: {  	v42 =	vadd.f32 $1.000000000e+00, v42;
	v29 =	vmul.f32 $7.135481390e-02, v62;
	v62 =	vmul.f32 v49, v23  }
0x209: {  	v0 =	vmul.f32 $1.442695020e+00, v0;
	v45 =	vmul.f32 v47, v43;
	v47 =	vadd.f32 v34, v50  }
0x20a: {  	v26 =	vld [tilespmem:$0x1FFB0];
	v34 =	vmov v63;
	v63 =	vpop (erf);
	(erf) = vrcp.f32 v35;
	v27 =	vmul.f32 $1.442695020e+00, v27  }
0x20b: {  	v63 =	vmul.f32 v63, v21;
	v21 =	vmovc v55;
	v55 =	vmul.f32 v48, v48;
	v56 =	vadd.f32 v56, v44;
	v44 =	vld [tilespmem:s29+$0x20]  }
0x20c: {  	v33 =	vsub.f32 $-1.595769170e+00, v33;
	(erf) = vrcp.f32 v42;
	v50 =	vmul.f32 $1.442695020e+00, v45  }
0x20d: {  	v58 =	vld [tilespmem:s29+$0x430];
	v59 =	vadd.f32 $1.000000000e+00, v59;
	v1 =	vmul.f32 v1, v34;
	v60 =	vmul.f32 v47, v47  }
0x20e: {  	v11 =	vadd.f32 v31, v11;
	v45 =	vld [tilespmem:$0x1FF60];
	v31 =	vmul.f32 v33, v21;
	(erf) = vpow2.f32 v50  }
0x20f: {  	v2 =	vld [tilespmem:s29+$0x0];
	v7 =	vadd.f32 v28, v7;
	v50 =	vmul.f32 $7.135481390e-02, v55;
	(erf) = vrcp.f32 v59  }
0x210: {  	v37 =	vmovc v41;
	v1 =	vmul.f32 $1.442695020e+00, v1;
	v55 =	vmul.f32 v61, v25;
	v25 =	vmovc v56;
	v26 =	vadd.f32 v44, v26;
	v44 =	vld [tilespmem:$0x1FFA0]  }
0x211: {  	v59 =	vmul.f32 v41, v37;
	v28 =	vmul.f32 v56, v25;
	v42 =	vsub.f32 $-1.595769170e+00, v50  }
0x212: {  	v61 =	vpop (erf);
	v15 =	vadd.f32 v55, v15;
	(erf) = vrcp.f32 v32;
	v32 =	vmul.f32 $7.135481390e-02, v60  }
0x213: {  	v45 =	vadd.f32 v58, v45;
	v58 =	vmul.f32 v52, v52;
	v33 =	vmul.f32 $7.135481390e-02, v59  }
0x214: {  	v23 =	vmovc v47;
	v41 =	vmul.f32 v61, v24;
	v55 =	vmul.f32 v42, v48;
	v32 =	vsub.f32 $-1.595769170e+00, v32  }
0x215: {  	v35 =	vmul.f32 v45, v45;
	v33 =	vsub.f32 $-1.595769170e+00, v33;
	v2 =	vadd.f32 v2, v44;
	v44 =	vpop (erf)  }
0x216: {  	v28 =	vmul.f32 $7.135481390e-02, v28;
	v14 =	vadd.f32 v41, v14;
	v41 =	vmul.f32 $1.442695020e+00, v55;
	v56 =	vpop (erf)  }
0x217: {  	v24 =	vmov v57;
	v60 =	vmul.f32 $7.135481390e-02, v35;
	v33 =	vmul.f32 v33, v37;
	v57 =	vpop (erf)  }
0x218: {  	v5 =	vadd.f32 v63, v5;
	v47 =	vmul.f32 v32, v23;
	v59 =	vpop (erf);
	(erf) = vpow2.f32 v27  }
0x219: {  	v33 =	vmul.f32 $1.442695020e+00, v33;
	v27 =	vsub.f32 $-1.595769170e+00, v60;
	(erf) = vpow2.f32 v41  }
0x21a: {  	v49 =	vmul.f32 v44, v46;
	v36 =	vmovc v2;
	v61 =	vmul.f32 v56, v39;
	v63 =	vadd.f32 $1.000000000e+00, v57  }
0x21b: {  	v4 =	vadd.f32 v53, v4;
	v39 =	vmovc v26;
	v2 =	vmul.f32 v2, v36;
	v27 =	vmul.f32 v27, v45  }
0x21c: {  	v12 =	vadd.f32 v62, v12;
	v26 =	vmul.f32 v26, v39;
	v62 =	vpop (erf);
	(erf) = vrcp.f32 v63  }
0x21d: {  	v18 =	vadd.f32 v30, v18;
	v2 =	vmul.f32 $7.135481390e-02, v2;
	v27 =	vmul.f32 $1.442695020e+00, v27  }
0x21e: {  	v56 =	vsub.f32 $-1.595769170e+00, v29;
	v42 =	vmul.f32 v59, v20;
	v59 =	vmul.f32 $1.442695020e+00, v47  }
0x21f: {  	v2 =	vsub.f32 $-1.595769170e+00, v2;
	(erf) = vpow2.f32 v27;
	v27 =	vmul.f32 $7.135481390e-02, v58  }
0x220: {  	(erf) = vpow2.f32 v1;
	v1 =	vmul.f32 $7.135481390e-02, v26;
	v26 =	vsub.f32 $-1.595769170e+00, v28  }
0x221: {  	v35 =	vmul.f32 v62, v19;
	v2 =	vmul.f32 v2, v36;
	v27 =	vsub.f32 $-1.595769170e+00, v27;
	v44 =	vpop (erf)  }
0x222: {  	v20 =	vmov v52;
	v26 =	vmul.f32 v26, v25;
	v62 =	vpop (erf);
	(erf) = vpow2.f32 v0  }
0x223: {  	v19 =	vmovc v54;
	v1 =	vsub.f32 $-1.595769170e+00, v1;
	v0 =	vmul.f32 $1.442695020e+00, v2;
	v54 =	vmul.f32 v27, v20  }
0x224: {  	v63 =	vmul.f32 $1.442695020e+00, v26;
	v26 =	vsub.f32 $-1.595769170e+00, v38;
	(erf) = vpow2.f32 v33  }
0x225: {  	p1 =	sne.s32 s18, $0x1;
	v10 =	vadd.f32 v49, v10;
	v53 =	vpop (erf);
	v1 =	vmul.f32 v1, v39;
	(erf) = vpow2.f32 v0  }
.Ltmp9:
0x226: {  	v46 =	vmovc v51;
	v16 =	vadd.f32 v61, v16;
	v0 =	vmul.f32 v26, v19;
	(erf) = vpow2.f32 v63;
	(pc) =	sbr.rel @p1 .LBB2_8-.Ltmp9, $4  }
0x227: {  	v27 =	vadd.f32 $1.000000000e+00, v62;
	v52 =	vmul.f32 $1.442695020e+00, v1;
	v1 =	vmul.f32 v51, v46  }
0x228: {  	v6 =	vadd.f32 v42, v6;
	v2 =	vpop (erf);
	v51 =	vmul.f32 $1.442695020e+00, v0;
	v0 =	vmul.f32 $1.442695020e+00, v31  }
0x229: {  	v13 =	vadd.f32 v35, v13;
	v55 =	vadd.f32 $1.000000000e+00, v44;
	v60 =	vpop (erf);
	(erf) = vrcp.f32 v27  }
0x22a: {  	s18 =	sadd.s32 $0xFFFFFFFF, s18;
	s28 =	sadd.s32 $0x100, s28;
	v58 =	vmul.f32 $7.135481390e-02, v1;
	v57 =	vadd.f32 $1.000000000e+00, v2;
	(erf) = vpow2.f32 v0  }
.LBB2_9:
0x22b: {  	_ = 	snop  }
0x22c: {  	(erf) = vpow2.f32 v59  }
0x22d: {  	v0 =	vadd.f32 $1.000000000e+00, v60;
	v1 =	vpop (erf);
	(erf) = vrcp.f32 v57  }
0x22e: {  	v2 =	vmul.f32 $1.442695020e+00, v54;
	v27 =	vsub.f32 $-1.595769170e+00, v58;
	(erf) = vrcp.f32 v55;
	v26 =	vpop (erf)  }
0x22f: {  	v26 =	vadd.f32 $1.000000000e+00, v26;
	v28 =	vpop (erf);
	(erf) = vrcp.f32 v0;
	v0 =	vmul.f32 v56, v24  }
0x230: {  	v28 =	vadd.f32 $1.000000000e+00, v28;
	(erf) = vpow2.f32 v2;
	v2 =	vmul.f32 v27, v46  }
0x231: {  	v1 =	vadd.f32 $1.000000000e+00, v1;
	(erf) = vrcp.f32 v26;
	v0 =	vmul.f32 $1.442695020e+00, v0  }
0x232: {  	v49 =	vpop (erf);
	(erf) = vrcp.f32 v28  }
0x233: {  	v50 =	vpop (erf);
	(erf) = vrcp.f32 v1;
	v1 =	vmul.f32 $1.442695020e+00, v2;
	_ =	sdelay $0x1  }
0x234: {  	(erf) = vpow2.f32 v0;
	v0 =	vpop (erf)  }
0x235: {  	(erf) = vpow2.f32 v51;
	v2 =	vpop (erf)  }
0x236: {  	(erf) = vpow2.f32 v1;
	v1 =	vpop (erf)  }
0x237: {  	v51 =	vpop (erf)  }
0x238: {  	(erf) = vpow2.f32 v52;
	v29 =	vpop (erf)  }
0x239: {  	v30 =	vpop (erf)  }
0x23a: {  	v2 =	vadd.f32 $1.000000000e+00, v2;
	v31 =	vpop (erf)  }
0x23b: {  	v26 =	vadd.f32 $1.000000000e+00, v49;
	v32 =	vpop (erf)  }
0x23c: {  	v33 =	vpop (erf)  }
0x23d: {  	v0 =	vadd.f32 $1.000000000e+00, v0;
	(erf) = vrcp.f32 v26;
	v52 =	vpop (erf)  }
0x23e: {  	(erf) = vrcp.f32 v2;
	v2 =	vpop (erf)  }
0x23f: {  	(erf) = vrcp.f32 v0;
	v0 =	vadd.f32 $1.000000000e+00, v52;
	v54 =	vpop (erf)  }
0x240: {  	v26 =	vadd.f32 $1.000000000e+00, v54  }
0x241: {  	v35 =	vpop (erf);
	(erf) = vrcp.f32 v0  }
0x242: {  	(erf) = vrcp.f32 v26  }
0x243: {  	v0 =	vadd.f32 $1.000000000e+00, v35  }
0x244: {  	v55 =	vadd.f32 $1.000000000e+00, v30  }
0x245: {  	(erf) = vrcp.f32 v0;
	v0 =	vadd.f32 $1.000000000e+00, v2;
	v2 =	vmul.f32 v50, v48  }
0x246: {  	(erf) = vrcp.f32 v55  }
0x247: {  	v56 =	vpop (erf);
	(erf) = vrcp.f32 v0;
	v17 =	vadd.f32 v2, v17;
	v2 =	vmul.f32 v51, v40  }
0x248: {  	v0 =	vmul.f32 v53, v43;
	v58 =	vpop (erf)  }
0x249: {  	v60 =	vpop (erf)  }
0x24a: {  	v1 =	vmul.f32 v1, v45;
	v8 =	vadd.f32 v0, v8;
	v0 =	vmul.f32 v33, v22;
	v61 =	vpop (erf)  }
0x24b: {  	v57 =	vmul.f32 v29, v34;
	v59 =	vmul.f32 v31, v37;
	v11 =	vadd.f32 v2, v11;
	v2 =	vpop (erf)  }
0x24c: {  	v3 =	vadd.f32 v0, v3;
	v0 =	vmul.f32 v56, v25;
	v2 =	vmul.f32 v2, v46  }
0x24d: {  	v7 =	vadd.f32 v1, v7;
	v4 =	vadd.f32 v57, v4;
	v1 =	vmul.f32 v61, v24  }
0x24e: {  	v9 =	vadd.f32 v59, v9;
	v15 =	vadd.f32 v0, v15;
	v0 =	vmul.f32 v58, v23;
	v62 =	vpop (erf)  }
0x24f: {  	v21 =	vmul.f32 v60, v21;
	v14 =	vadd.f32 v1, v14;
	v1 =	vmul.f32 v32, v36;
	v63 =	vpop (erf)  }
0x250: {  	v12 =	vadd.f32 v0, v12;
	v0 =	vmul.f32 v62, v39;
	v10 =	vadd.f32 v2, v10;
	v2 =	vpop (erf)  }
0x251: {  	v18 =	vadd.f32 v1, v18;
	v1 =	vmul.f32 v63, v20;
	v2 =	vmul.f32 v2, v19  }
0x252: {  	v5 =	vadd.f32 v21, v5;
	v16 =	vadd.f32 v0, v16  }
0x253: {  	v6 =	vadd.f32 v1, v6;
	v13 =	vadd.f32 v2, v13  }
.LBB2_10:
0x254: {  	p1 =	sle.s32 s23, s19;
	p2 =	slt.s32 s31, s1  }
0x255: {  	p1 =	por !p2, !p1  }
0x256: {  	p1 =	por !p1, !p1  }
.Ltmp10:
0x257: {  	_ = 	snop;
	(pc) =	sbr.rel @!p1 .LBB2_12-.Ltmp10, $1  }
0x258: {  	_ =	sdelay $0x3  }
0x259: {  	s13 =	sor.u32 $0x10, s21;
	[tilespmem:s21+$0x13980] =	vst v18  }
0x25a: {  	s19 =	sor.u32 $0x400, s21;
	[tilespmem:s13+$0x13980] =	vst v17  }
0x25b: {  	s18 =	sor.u32 $0x20, s21;
	[tilespmem:s19+$0x13980] =	vst v10  }
0x25c: {  	s22 =	sor.u32 $0x410, s21;
	[tilespmem:s18+$0x13980] =	vst v16  }
0x25d: {  	s23 =	sor.u32 $0x30, s21;
	[tilespmem:s22+$0x13980] =	vst v9  }
0x25e: {  	s24 =	sor.u32 $0x40, s21;
	[tilespmem:s23+$0x13980] =	vst v15  }
0x25f: {  	s23 =	sor.u32 $0x420, s21;
	[tilespmem:s24+$0x13980] =	vst v14  }
0x260: {  	s25 =	sor.u32 $0x50, s21;
	[tilespmem:s23+$0x13980] =	vst v8  }
0x261: {  	s24 =	sor.u32 $0x430, s21;
	[tilespmem:s25+$0x13980] =	vst v13  }
0x262: {  	s28 =	sor.u32 $0x60, s21;
	[tilespmem:s24+$0x13980] =	vst v7  }
0x263: {  	s25 =	sor.u32 $0x440, s21;
	[tilespmem:s28+$0x13980] =	vst v12  }
0x264: {  	s29 =	sor.u32 $0x70, s21;
	p2 =	sne.s32 s20, $0xF;
	[tilespmem:s25+$0x13980] =	vst v6  }
0x265: {  	s18 =	sshll.u32 @!p2 s31, $0x8;
	s28 =	sor.u32 $0x450, s21;
	[tilespmem:s29+$0x13980] =	vst v11  }
0x266: {  	s19 =	sor.u32 $0x460, s21;
	s13 =	sadd.s32 @!p2 $0xFFFFF100, s18;
	[tilespmem:s28+$0x13980] =	vst v5  }
0x267: {  	s13 =	sshrl.u32 @!p2 s13, $0x3;
	s29 =	sor.u32 $0x470, s21;
	[tilespmem:s19+$0x13980] =	vst v4  }
0x268: {  	s18 =	simm.s32 @!p2 $0x0;
	s13 =	sadd.s32 @!p2 s8, s13;
	s19 =	simm.s32 @!p2 $0x13980;
	[tilespmem:s29+$0x13980] =	vst v3  }
0x269: {  	[hbm4b:s13+s18] =	stream.linear.scatter @!p2 [tilespmem:s19], [sflag:$0x3], $0x1000, $0x38;
	[tilespmem:$0x14980] =	vst v63  }
.Ltmp11:
0x26a: {  	_ = 	snop;
	(pc) =	sbr.rel .LBB2_13-.Ltmp11, $4  }
0x26b: {  	s13 =	simm.s32 @!p2 $0x3  }
0x26c: {  	_ =	swait.ge @!p2 [sflag:s13], $0x1000  }
0x26d: {  	s18 =	simm.f32 @!p2 $0.0e+00;
	[sflag:s13] =	ssyncset.done @!p2 $0x0  }
0x26e: {  	s18 =	simm.f32 @p2 $0.0e+00;
	[sflag:s13] =	ssyncadd.s32 @!p2 $0xFFFFF000  }
.LBB2_15:
0x26f: {  	_ =	sfence.sel $0x180000  }
0x270: {  	[bflag:$0x0] =	sbarrier.arrive $0xFFFF  }
0x271: {  	_ =	strace $0x90000047  }
0x272: {  	s0 =	stileid.u32;
	[bflag:$0x2] =	sbarrier.arrive $0xFFFF  }
0x273: {  	p0 =	sne.s32 s0, $0x0;
	s0 =	rddreg [dreg:$0x2]  }
0x274: {  	s0 =	sadd.s32 @!p0 $0x100000, s0  }
0x275: {  	[sflag:s0] =	ssyncadd.tile.s32 @!p0 $0x1;
	_ =	shalt  }
.Lfunc_end2:
_tile_overlayer_lowered:
.L_overlay_start_2:
0x276: {  	(tag) =	ssettag $0x2  }
0x277: {  	s0 =	rddreg [dreg:$0x0];
	s2 =	stileid.u32  }
0x278: {  	s1 =	rddreg [dreg:$0x1];
	p0 =	sne.s32 s2, $0x0  }
0x279: {  	s3 =	rddreg [dreg:$0x2];
	[bflag:$0x3] =	sbarrier.arrive $0xFFFF;
	s2 =	simm.s32 @!p0 $0x1C04  }
0x27a: {  	[timem:s3], [sflag:s2] =	dma.local @!p0 [hbm:s0], s1  }
0x27b: {  	s0 =	simm.s32 @!p0 $0x4  }
0x27c: {  	_ =	swait.ge @!p0 [sflag:s0], s1  }
0x27d: {  	s1 =	ssub.s32 @!p0 $0x0, s1;
	[sflag:s0] =	ssyncset.done @!p0 $0x0  }
0x27e: {  	[sflag:s0] =	ssyncadd.s32 @!p0 s1  }
0x27f: {  	[bflag:$0x3] =	sbarrier.arrive $0xFFFF  }
0x280: {  	_ =	shalt  }

</sc_bundles>
